<compile_context>
chip_gen: v7x
topology: tpu7x:2x2x1
jax: 0.10.2.dev20260603
libtpu: 0.0.44.dev20260713+nightly
codegen_flags: <defaults>
</compile_context>

<pallas_src>
import functools

import jax
import jax.numpy as jnp
from jax import lax
from jax.experimental import pallas as pl
from jax.experimental.pallas import tpu as pltpu
from jax.experimental.pallas import tpu_sc as plsc


def _router_body(nexp, x_ref, wr_ref, idx_ref, w_ref):
    rb = x_ref.shape[0]
    xb = x_ref[...].astype(jnp.bfloat16)
    wb = wr_ref[...].astype(jnp.bfloat16)
    logits = lax.dot_general(xb, wb, (((1,), (1,)), ((), ())),
                             preferred_element_type=jnp.float32)
    lane = lax.broadcasted_iota(jnp.int32, (rb, 128), 1)
    valid = lane < nexp
    neg = jnp.float32(-1e30)
    lm = jnp.where(valid, logits, neg)
    m1 = jnp.max(lm, axis=1, keepdims=True)
    i1 = jnp.min(jnp.where(lm >= m1, lane, 128), axis=1, keepdims=True)
    lm2 = jnp.where(lane == i1, neg, lm)
    m2 = jnp.max(lm2, axis=1, keepdims=True)
    i2 = jnp.min(jnp.where(lm2 >= m2, lane, 128), axis=1, keepdims=True)
    w1v = jax.nn.sigmoid(m1 - m2)
    idx_ref[...] = jnp.where(lane == 0, i1, jnp.where(lane == 1, i2, 0))
    w_ref[...] = jnp.where(lane == 0, w1v,
                           jnp.where(lane == 1, 1.0 - w1v, 0.0))


def _mm_body(nf, blk, nblk_ref, bofs_ref, x_ref, w1_ref, v1_ref, w2_ref,
             out_ref, w1b_ref, v1b_ref, w2b_ref):
    j = pl.program_id(0)
    e = pl.program_id(1)

    w1b_ref[...] = w1_ref[0].astype(jnp.bfloat16)
    v1b_ref[...] = v1_ref[0].astype(jnp.bfloat16)
    w2b_ref[...] = w2_ref[0].astype(jnp.bfloat16)

    base = bofs_ref[e]

    def one_block(r0):
        x = x_ref[pl.ds(r0, blk), :]
        h1 = lax.dot_general(x, w1b_ref[...], (((1,), (1,)), ((), ())),
                             preferred_element_type=jnp.float32)
        hv = lax.dot_general(x, v1b_ref[...], (((1,), (1,)), ((), ())),
                             preferred_element_type=jnp.float32)
        h = (h1 * jax.nn.sigmoid(h1)) * hv
        y = lax.dot_general(h.astype(jnp.bfloat16), w2b_ref[...],
                            (((1,), (0,)), ((), ())),
                            preferred_element_type=jnp.float32)

        @pl.when(j == 0)
        def _():
            out_ref[pl.ds(r0, blk), :] = y

        @pl.when(j > 0)
        def _():
            out_ref[pl.ds(r0, blk), :] += y

    def block_step(t, carry):
        one_block(pl.multiple_of((base + t) * blk, blk))
        return carry

    lax.fori_loop(0, nblk_ref[e], block_step, 0)


def kernel(hidden_states, Wr, W1, V1, W2):
    B, S, H = hidden_states.shape
    E, F, _ = W1.shape
    T = B * S
    K = 2

    xf = jnp.swapaxes(hidden_states, 0, 1).reshape(T, H)

    RB = 256
    Wrp = jnp.zeros((128, H), jnp.float32).at[:E].set(Wr)
    eiw, wts = pl.pallas_call(
        functools.partial(_router_body, E),
        grid=(T // RB,),
        in_specs=[pl.BlockSpec((RB, H), lambda i: (i, 0)),
                  pl.BlockSpec((128, H), lambda i: (0, 0))],
        out_specs=[pl.BlockSpec((RB, 128), lambda i: (i, 0)),
                   pl.BlockSpec((RB, 128), lambda i: (i, 0))],
        out_shape=[jax.ShapeDtypeStruct((T, 128), jnp.int32),
                   jax.ShapeDtypeStruct((T, 128), jnp.float32)],
    )(xf, Wrp)
    e1, e2 = eiw[:, 0], eiw[:, 1]
    w1, w2 = wts[:, 0], wts[:, 1]

    BLK = 128
    NB = -(-(T * K + E * (BLK - 1)) // BLK)
    P = NB * BLK
    ar = jnp.arange(E)
    oh1 = (e1[:, None] == ar).astype(jnp.int32)
    oh2 = (e2[:, None] == ar).astype(jnp.int32)
    c1 = jnp.cumsum(oh1, axis=0)
    c2 = jnp.cumsum(oh2, axis=0)
    n1 = c1[-1]
    cnt = n1 + c2[-1]
    nblk = ((cnt + BLK - 1) // BLK).astype(jnp.int32)
    cumblk = jnp.cumsum(nblk)
    bofs = (cumblk - nblk).astype(jnp.int32)
    goff = (cumblk - nblk) * BLK
    rank1 = jnp.sum(c1 * oh1, axis=1) - 1
    rank2 = jnp.sum((n1[None, :] + c2) * oh2, axis=1) - 1
    pos1 = (jnp.sum(goff[None, :] * oh1, axis=1) + rank1).astype(jnp.int32)
    pos2 = (jnp.sum(goff[None, :] * oh2, axis=1) + rank2).astype(jnp.int32)
    pk = jnp.stack([pos1, pos2,
                    lax.bitcast_convert_type(w1, jnp.int32),
                    lax.bitcast_convert_type(w2, jnp.int32)], axis=0)

    info = plsc.get_sparse_core_info()
    NW = info.num_cores * info.num_subcores
    ncores = info.num_cores
    mesh = plsc.VectorSubcoreMesh(core_axis_name="c", subcore_axis_name="s")
    Hw = H // 2
    xb32 = lax.bitcast_convert_type(
        xf.astype(jnp.bfloat16).reshape(T, Hw, 2), jnp.int32)
    tpw = T // NW
    nsc = -(-tpw // 128)
    sch = tpw // nsc

    def scatter_body(x_hbm, pk_hbm, out_hbm, i1_v, i2_v, rows_v,
                     sem1, sem2, sem3):
        wid = lax.axis_index("s") * ncores + lax.axis_index("c")
        for c in range(nsc):
            base = wid * tpw + c * sch
            ld1 = pltpu.async_copy(pk_hbm.at[0, pl.ds(base, sch)], i1_v, sem1)
            ld2 = pltpu.async_copy(pk_hbm.at[1, pl.ds(base, sch)], i2_v, sem2)
            ld3 = pltpu.async_copy(x_hbm.at[pl.ds(base, sch)], rows_v, sem3)
            ld1.wait()
            ld2.wait()
            ld3.wait()
            cp1 = pltpu.async_copy(rows_v, out_hbm.at[i1_v], sem1)
            cp2 = pltpu.async_copy(rows_v, out_hbm.at[i2_v], sem2)
            cp1.wait()
            cp2.wait()

    x_sorted32 = pl.kernel(
        scatter_body,
        out_type=jax.ShapeDtypeStruct((P, Hw), jnp.int32),
        mesh=mesh,
        scratch_types=[pltpu.VMEM((sch,), jnp.int32),
                       pltpu.VMEM((sch,), jnp.int32),
                       pltpu.VMEM((sch, Hw), jnp.int32),
                       pltpu.SemaphoreType.DMA,
                       pltpu.SemaphoreType.DMA,
                       pltpu.SemaphoreType.DMA],
    )(xb32, pk)
    x_sorted = lax.bitcast_convert_type(
        x_sorted32, jnp.bfloat16).reshape(P, H)

    FC = 1024
    NF = F // FC
    y_sorted = pl.pallas_call(
        functools.partial(_mm_body, NF, BLK),
        grid_spec=pltpu.PrefetchScalarGridSpec(
            num_scalar_prefetch=2,
            grid=(NF, E),
            in_specs=[
                pl.BlockSpec((P, H), lambda j, e, nb, bo: (0, 0)),
                pl.BlockSpec((1, FC, H), lambda j, e, nb, bo: (e, j, 0)),
                pl.BlockSpec((1, FC, H), lambda j, e, nb, bo: (e, j, 0)),
                pl.BlockSpec((1, FC, H), lambda j, e, nb, bo: (e, j, 0)),
            ],
            out_specs=pl.BlockSpec((P, H), lambda j, e, nb, bo: (0, 0)),
            scratch_shapes=[pltpu.VMEM((FC, H), jnp.bfloat16),
                            pltpu.VMEM((FC, H), jnp.bfloat16),
                            pltpu.VMEM((FC, H), jnp.bfloat16)],
        ),
        out_shape=jax.ShapeDtypeStruct((P, H), jnp.float32),
        compiler_params=pltpu.CompilerParams(
            dimension_semantics=("arbitrary", "arbitrary"),
            vmem_limit_bytes=120 * 1024 * 1024,
        ),
    )(nblk, bofs, x_sorted, W1, V1, W2)

    ncc = -(-tpw // 32)
    cch = tpw // ncc
    nq = H // 16

    def comb_body(y_hbm, pk_hbm, out_hbm,
                  i1_v, i2_v, w1_v, w2_v, r1_v, r2_v, sem1, sem2):
        wid = lax.axis_index("s") * ncores + lax.axis_index("c")
        for c in range(ncc):
            base = wid * tpw + c * cch
            ld1 = pltpu.async_copy(pk_hbm.at[0, pl.ds(base, cch)], i1_v, sem1)
            ld2 = pltpu.async_copy(pk_hbm.at[1, pl.ds(base, cch)], i2_v, sem2)
            ld3 = pltpu.async_copy(pk_hbm.at[2, pl.ds(base, cch)], w1_v, sem1)
            ld4 = pltpu.async_copy(pk_hbm.at[3, pl.ds(base, cch)], w2_v, sem2)
            ld1.wait()
            ld2.wait()
            ld3.wait()
            ld4.wait()
            cp1 = pltpu.async_copy(y_hbm.at[i1_v], r1_v, sem1)
            cp2 = pltpu.async_copy(y_hbm.at[i2_v], r2_v, sem2)
            cp1.wait()
            cp2.wait()

            def row_comb(r, carry):
                rv = jnp.full((16,), r, jnp.int32)
                wa = plsc.bitcast(plsc.load_gather(w1_v, [rv]), jnp.float32)
                wb = plsc.bitcast(plsc.load_gather(w2_v, [rv]), jnp.float32)
                for q in range(nq):
                    sl = pl.ds(q * 16, 16)
                    r1_v[r, sl] = r1_v[r, sl] * wa + r2_v[r, sl] * wb
                return carry

            lax.fori_loop(0, cch, row_comb, 0)
            pltpu.sync_copy(r1_v, out_hbm.at[pl.ds(base, cch)])

    out_flat = pl.kernel(
        comb_body,
        out_type=jax.ShapeDtypeStruct((T, H), jnp.float32),
        mesh=mesh,
        compiler_params=pltpu.CompilerParams(needs_layout_passes=False),
        scratch_types=[pltpu.VMEM((cch,), jnp.int32),
                       pltpu.VMEM((cch,), jnp.int32),
                       pltpu.VMEM((cch,), jnp.int32),
                       pltpu.VMEM((cch,), jnp.int32),
                       pltpu.VMEM((cch, H), jnp.float32),
                       pltpu.VMEM((cch, H), jnp.float32),
                       pltpu.SemaphoreType.DMA,
                       pltpu.SemaphoreType.DMA],
    )(y_sorted, pk)

    return jnp.swapaxes(out_flat.reshape(S, B, H), 0, 1)

# --- scband reference (transcript-rebuilt; emitter-appended) ---
"""Pipeline reference for scband-mixtral-mega-blocks-adapter-47029891891651 (READ-ONLY COPY).

The authoritative reference and input builder live on the scoring server;
editing this copy changes nothing except your own understanding.
"""

import jax, jax.numpy as jnp
import numpy as np

B = 1
S = 2048
H = 1024
F = 4096
E = 8
K = 2


def setup_inputs(seed: int = 0) -> dict:
    key = jax.random.key(seed)
    ks = jax.random.split(key, 5)
    hidden_states = jax.random.normal(ks[0], (B, S, H), dtype=jnp.float32)
    Wr = jax.random.normal(ks[1], (E, H), dtype=jnp.float32) * 0.02
    W1 = jax.random.normal(ks[2], (E, F, H), dtype=jnp.float32) * 0.02
    V1 = jax.random.normal(ks[3], (E, F, H), dtype=jnp.float32) * 0.02
    W2 = jax.random.normal(ks[4], (E, F, H), dtype=jnp.float32) * 0.02
    return {"hidden_states": hidden_states, "Wr": Wr, "W1": W1, "V1": V1, "W2": W2}


def reference(hidden_states, Wr, W1, V1, W2):
    # adapter: x = hidden_states.transpose(0, 1)
    x = jnp.swapaxes(hidden_states, 0, 1)  # [S, B, H]
    xf = x.reshape(-1, H)  # [T, H], T = S*B
    T = xf.shape[0]
    # MixtralRouter: linear (no bias) -> float32 softmax -> top-k -> renormalize
    logits = xf @ Wr.T  # [T, E]
    scores = jax.nn.softmax(logits.astype(jnp.float32), axis=-1)
    expert_weights, expert_indices = jax.lax.top_k(scores, K)
    expert_weights = expert_weights / jnp.sum(expert_weights, axis=-1, keepdims=True)
    expert_weights = expert_weights.astype(xf.dtype)
    # combine weights per (token, expert); dropless MoE => no capacity dropping
    comb = jnp.zeros((T, E), dtype=xf.dtype)
    comb = comb.at[jnp.arange(T)[:, None], expert_indices].add(expert_weights)
    # GLU experts (megablocks glu mlp): out_e = (silu(x W1_e^T) * (x V1_e^T)) W2_e
    h1 = jnp.einsum('th,efh->tef', xf, W1)
    hv = jnp.einsum('th,efh->tef', xf, V1)
    h = jax.nn.silu(h1) * hv
    y = jnp.einsum('tef,efh->teh', h, W2)
    out = jnp.einsum('teh,te->th', y, comb)
    out = out.reshape(S, B, H)
    out = jnp.swapaxes(out, 0, 1)  # back to [B, S, H]
    return out

if __name__ == "__main__":
    import jax
    _d = setup_inputs()
    print(jax.jit(kernel)(*tuple(_d.values())))

</pallas_src>

<mosaic_0001>
#map = affine_map<(d0, d1) -> (0, 0)>
module attributes {stable_mosaic.version = 14 : i64} {
  func.func @scatter_body(%arg0: i32, %arg1: i32, %arg2: memref<2048x512xi32, #tpu.memory_space<hbm>>, %arg3: memref<4x2048xi32, #tpu.memory_space<hbm>>, %arg4: memref<5120x512xi32, #tpu.memory_space<hbm>>, %arg5: memref<64xi32, #tpu.memory_space<vmem>>, %arg6: memref<64xi32, #tpu.memory_space<vmem>>, %arg7: memref<64x512xi32, #tpu.memory_space<vmem>>, %arg8: memref<!tpu.dma_semaphore, #tpu.memory_space<semaphore_mem>>, %arg9: memref<!tpu.dma_semaphore, #tpu.memory_space<semaphore_mem>>, %arg10: memref<!tpu.dma_semaphore, #tpu.memory_space<semaphore_mem>>) attributes {dimension_semantics = [#tpu.dimension_semantics<core_parallel>, #tpu.dimension_semantics<subcore_parallel>], iteration_bounds = array<i64: 2, 16>, scalar_prefetch = 0 : i64, scratch_operands = 6 : i64, tpu.core_type = #tpu.core_type<sc_vector_subcore>, window_params = [{transform_indices = #map}, {transform_indices = #map}, {transform_indices = #map}]} {
    %mul3A = arith.constant 2 : i32
    %mul3A_0 = arith.muli %arg1, %mul3A : i32
    %add3A = arith.addi %mul3A_0, %arg0 : i32
    %mul3A_1 = arith.constant 64 : i32
    %mul3A_2 = arith.muli %add3A, %mul3A_1 : i32
    %add3A_3 = arith.constant 0 : i32
    %add3A_4 = arith.addi %mul3A_2, %add3A_3 : i32
    %dma_start3A = arith.constant 0 : i32
    %dma_start3A_5 = tpu.memref_slice %arg3[%dma_start3A, %add3A_4] : memref<4x2048xi32, #tpu.memory_space<hbm>> -> memref<1x64xi32, #tpu.memory_space<hbm>>
    %dma_start3A_6 = tpu.memref_squeeze %dma_start3A_5 : memref<1x64xi32, #tpu.memory_space<hbm>> -> memref<64xi32, #tpu.memory_space<hbm>>
    %dma_start3A_7 = tpu.memref_slice %arg3[%dma_start3A, %add3A_4] : memref<4x2048xi32, #tpu.memory_space<hbm>> -> memref<1x64xi32, #tpu.memory_space<hbm>>
    %dma_start3A_8 = tpu.memref_squeeze %dma_start3A_7 : memref<1x64xi32, #tpu.memory_space<hbm>> -> memref<64xi32, #tpu.memory_space<hbm>>
    tpu.enqueue_dma source(%dma_start3A_8 : memref<64xi32, #tpu.memory_space<hbm>>) target(%arg5 : memref<64xi32, #tpu.memory_space<vmem>>) target_semaphore(%arg8 : memref<!tpu.dma_semaphore, #tpu.memory_space<semaphore_mem>>)
    %dma_start3A_9 = arith.constant 1 : i32
    %dma_start3A_10 = tpu.memref_slice %arg3[%dma_start3A_9, %add3A_4] : memref<4x2048xi32, #tpu.memory_space<hbm>> -> memref<1x64xi32, #tpu.memory_space<hbm>>
    %dma_start3A_11 = tpu.memref_squeeze %dma_start3A_10 : memref<1x64xi32, #tpu.memory_space<hbm>> -> memref<64xi32, #tpu.memory_space<hbm>>
    %dma_start3A_12 = tpu.memref_slice %arg3[%dma_start3A_9, %add3A_4] : memref<4x2048xi32, #tpu.memory_space<hbm>> -> memref<1x64xi32, #tpu.memory_space<hbm>>
    %dma_start3A_13 = tpu.memref_squeeze %dma_start3A_12 : memref<1x64xi32, #tpu.memory_space<hbm>> -> memref<64xi32, #tpu.memory_space<hbm>>
    tpu.enqueue_dma source(%dma_start3A_13 : memref<64xi32, #tpu.memory_space<hbm>>) target(%arg6 : memref<64xi32, #tpu.memory_space<vmem>>) target_semaphore(%arg9 : memref<!tpu.dma_semaphore, #tpu.memory_space<semaphore_mem>>)
    %dma_start3A_14 = arith.constant 0 : i32
    %dma_start3A_15 = tpu.memref_slice %arg2[%add3A_4, %dma_start3A_14] : memref<2048x512xi32, #tpu.memory_space<hbm>> -> memref<64x512xi32, #tpu.memory_space<hbm>>
    %dma_start3A_16 = arith.constant 0 : i32
    %dma_start3A_17 = tpu.memref_slice %arg2[%add3A_4, %dma_start3A_16] : memref<2048x512xi32, #tpu.memory_space<hbm>> -> memref<64x512xi32, #tpu.memory_space<hbm>>
    tpu.enqueue_dma source(%dma_start3A_17 : memref<64x512xi32, #tpu.memory_space<hbm>>) target(%arg7 : memref<64x512xi32, #tpu.memory_space<vmem>>) target_semaphore(%arg10 : memref<!tpu.dma_semaphore, #tpu.memory_space<semaphore_mem>>)
    %dma_wait3A = arith.constant 0 : i32
    %dma_wait3A_18 = tpu.memref_slice %arg3[%dma_wait3A, %add3A_4] : memref<4x2048xi32, #tpu.memory_space<hbm>> -> memref<1x64xi32, #tpu.memory_space<hbm>>
    %dma_wait3A_19 = tpu.memref_squeeze %dma_wait3A_18 : memref<1x64xi32, #tpu.memory_space<hbm>> -> memref<64xi32, #tpu.memory_space<hbm>>
    %dma_wait3A_20 = tpu.memref_slice %arg3[%dma_wait3A, %add3A_4] : memref<4x2048xi32, #tpu.memory_space<hbm>> -> memref<1x64xi32, #tpu.memory_space<hbm>>
    %dma_wait3A_21 = tpu.memref_squeeze %dma_wait3A_20 : memref<1x64xi32, #tpu.memory_space<hbm>> -> memref<64xi32, #tpu.memory_space<hbm>>
    tpu.wait_dma2 semaphore(%arg8 : memref<!tpu.dma_semaphore, #tpu.memory_space<semaphore_mem>>) src(%dma_wait3A_21 : memref<64xi32, #tpu.memory_space<hbm>>) dst(%arg5 : memref<64xi32, #tpu.memory_space<vmem>>)
    %dma_wait3A_22 = arith.constant 1 : i32
    %dma_wait3A_23 = tpu.memref_slice %arg3[%dma_wait3A_22, %add3A_4] : memref<4x2048xi32, #tpu.memory_space<hbm>> -> memref<1x64xi32, #tpu.memory_space<hbm>>
    %dma_wait3A_24 = tpu.memref_squeeze %dma_wait3A_23 : memref<1x64xi32, #tpu.memory_space<hbm>> -> memref<64xi32, #tpu.memory_space<hbm>>
    %dma_wait3A_25 = tpu.memref_slice %arg3[%dma_wait3A_22, %add3A_4] : memref<4x2048xi32, #tpu.memory_space<hbm>> -> memref<1x64xi32, #tpu.memory_space<hbm>>
    %dma_wait3A_26 = tpu.memref_squeeze %dma_wait3A_25 : memref<1x64xi32, #tpu.memory_space<hbm>> -> memref<64xi32, #tpu.memory_space<hbm>>
    tpu.wait_dma2 semaphore(%arg9 : memref<!tpu.dma_semaphore, #tpu.memory_space<semaphore_mem>>) src(%dma_wait3A_26 : memref<64xi32, #tpu.memory_space<hbm>>) dst(%arg6 : memref<64xi32, #tpu.memory_space<vmem>>)
    %dma_wait3A_27 = arith.constant 0 : i32
    %dma_wait3A_28 = tpu.memref_slice %arg2[%add3A_4, %dma_wait3A_27] : memref<2048x512xi32, #tpu.memory_space<hbm>> -> memref<64x512xi32, #tpu.memory_space<hbm>>
    %dma_wait3A_29 = arith.constant 0 : i32
    %dma_wait3A_30 = tpu.memref_slice %arg2[%add3A_4, %dma_wait3A_29] : memref<2048x512xi32, #tpu.memory_space<hbm>> -> memref<64x512xi32, #tpu.memory_space<hbm>>
    tpu.wait_dma2 semaphore(%arg10 : memref<!tpu.dma_semaphore, #tpu.memory_space<semaphore_mem>>) src(%dma_wait3A_30 : memref<64x512xi32, #tpu.memory_space<hbm>>) dst(%arg7 : memref<64x512xi32, #tpu.memory_space<vmem>>)
    %dma_start3A_31 = arith.constant 0 : i32
    %dma_start3A_32 = arith.constant 0 : i32
    %dma_start3A_33 = tpu.memref_slice %arg4[%dma_start3A_31, %dma_start3A_32] : memref<5120x512xi32, #tpu.memory_space<hbm>> -> memref<5120x512xi32, #tpu.memory_space<hbm>>
    tpu.enqueue_indirect_dma source(%arg7 : memref<64x512xi32, #tpu.memory_space<vmem>>) target(%dma_start3A_33 : memref<5120x512xi32, #tpu.memory_space<hbm>>) offsets(%arg5 : memref<64xi32, #tpu.memory_space<vmem>>) semaphore(%arg8 : memref<!tpu.dma_semaphore, #tpu.memory_space<semaphore_mem>>)
    %dma_start3A_34 = arith.constant 0 : i32
    %dma_start3A_35 = arith.constant 0 : i32
    %dma_start3A_36 = tpu.memref_slice %arg4[%dma_start3A_34, %dma_start3A_35] : memref<5120x512xi32, #tpu.memory_space<hbm>> -> memref<5120x512xi32, #tpu.memory_space<hbm>>
    tpu.enqueue_indirect_dma source(%arg7 : memref<64x512xi32, #tpu.memory_space<vmem>>) target(%dma_start3A_36 : memref<5120x512xi32, #tpu.memory_space<hbm>>) offsets(%arg6 : memref<64xi32, #tpu.memory_space<vmem>>) semaphore(%arg9 : memref<!tpu.dma_semaphore, #tpu.memory_space<semaphore_mem>>)
    %dma_wait3A_37 = arith.constant 0 : i32
    %dma_wait3A_38 = arith.constant 0 : i32
    %dma_wait3A_39 = tpu.memref_slice %arg4[%dma_wait3A_37, %dma_wait3A_38] : memref<5120x512xi32, #tpu.memory_space<hbm>> -> memref<5120x512xi32, #tpu.memory_space<hbm>>
    tpu.wait_indirect_dma semaphore(%arg8 : memref<!tpu.dma_semaphore, #tpu.memory_space<semaphore_mem>>) src(%arg7 : memref<64x512xi32, #tpu.memory_space<vmem>>) dst(%dma_wait3A_39 : memref<5120x512xi32, #tpu.memory_space<hbm>>)
    %dma_wait3A_40 = arith.constant 0 : i32
    %dma_wait3A_41 = arith.constant 0 : i32
    %dma_wait3A_42 = tpu.memref_slice %arg4[%dma_wait3A_40, %dma_wait3A_41] : memref<5120x512xi32, #tpu.memory_space<hbm>> -> memref<5120x512xi32, #tpu.memory_space<hbm>>
    tpu.wait_indirect_dma semaphore(%arg9 : memref<!tpu.dma_semaphore, #tpu.memory_space<semaphore_mem>>) src(%arg7 : memref<64x512xi32, #tpu.memory_space<vmem>>) dst(%dma_wait3A_42 : memref<5120x512xi32, #tpu.memory_space<hbm>>)
    return
  }
}

#map = affine_map<(d0, d1) -> (0, 0)>
module attributes {stable_mosaic.version = 14 : i64} {
  func.func @comb_body(%arg0: i32, %arg1: i32, %arg2: memref<5120x1024xf32, #tpu.memory_space<hbm>>, %arg3: memref<4x2048xi32, #tpu.memory_space<hbm>>, %arg4: memref<2048x1024xf32, #tpu.memory_space<hbm>>, %arg5: memref<32xi32, #tpu.memory_space<vmem>>, %arg6: memref<32xi32, #tpu.memory_space<vmem>>, %arg7: memref<32xi32, #tpu.memory_space<vmem>>, %arg8: memref<32xi32, #tpu.memory_space<vmem>>, %arg9: memref<32x1024xf32, #tpu.memory_space<vmem>>, %arg10: memref<32x1024xf32, #tpu.memory_space<vmem>>, %arg11: memref<!tpu.dma_semaphore, #tpu.memory_space<semaphore_mem>>, %arg12: memref<!tpu.dma_semaphore, #tpu.memory_space<semaphore_mem>>) attributes {dimension_semantics = [#tpu.dimension_semantics<core_parallel>, #tpu.dimension_semantics<subcore_parallel>], iteration_bounds = array<i64: 2, 16>, scalar_prefetch = 0 : i64, scratch_operands = 8 : i64, tpu.core_type = #tpu.core_type<sc_vector_subcore>, window_params = [{transform_indices = #map}, {transform_indices = #map}, {transform_indices = #map}]} {
    %mul3A = arith.constant 2 : i32
    %mul3A_0 = arith.muli %arg1, %mul3A : i32
    %add3A = arith.addi %mul3A_0, %arg0 : i32
    %mul3A_1 = arith.constant 64 : i32
    %mul3A_2 = arith.muli %add3A, %mul3A_1 : i32
    %add3A_3 = arith.constant 0 : i32
    %add3A_4 = arith.addi %mul3A_2, %add3A_3 : i32
    %dma_start3A = arith.constant 0 : i32
    %dma_start3A_5 = tpu.memref_slice %arg3[%dma_start3A, %add3A_4] : memref<4x2048xi32, #tpu.memory_space<hbm>> -> memref<1x32xi32, #tpu.memory_space<hbm>>
    %dma_start3A_6 = tpu.memref_squeeze %dma_start3A_5 : memref<1x32xi32, #tpu.memory_space<hbm>> -> memref<32xi32, #tpu.memory_space<hbm>>
    %dma_start3A_7 = tpu.memref_slice %arg3[%dma_start3A, %add3A_4] : memref<4x2048xi32, #tpu.memory_space<hbm>> -> memref<1x32xi32, #tpu.memory_space<hbm>>
    %dma_start3A_8 = tpu.memref_squeeze %dma_start3A_7 : memref<1x32xi32, #tpu.memory_space<hbm>> -> memref<32xi32, #tpu.memory_space<hbm>>
    tpu.enqueue_dma source(%dma_start3A_8 : memref<32xi32, #tpu.memory_space<hbm>>) target(%arg5 : memref<32xi32, #tpu.memory_space<vmem>>) target_semaphore(%arg11 : memref<!tpu.dma_semaphore, #tpu.memory_space<semaphore_mem>>)
    %dma_start3A_9 = arith.constant 1 : i32
    %dma_start3A_10 = tpu.memref_slice %arg3[%dma_start3A_9, %add3A_4] : memref<4x2048xi32, #tpu.memory_space<hbm>> -> memref<1x32xi32, #tpu.memory_space<hbm>>
    %dma_start3A_11 = tpu.memref_squeeze %dma_start3A_10 : memref<1x32xi32, #tpu.memory_space<hbm>> -> memref<32xi32, #tpu.memory_space<hbm>>
    %dma_start3A_12 = tpu.memref_slice %arg3[%dma_start3A_9, %add3A_4] : memref<4x2048xi32, #tpu.memory_space<hbm>> -> memref<1x32xi32, #tpu.memory_space<hbm>>
    %dma_start3A_13 = tpu.memref_squeeze %dma_start3A_12 : memref<1x32xi32, #tpu.memory_space<hbm>> -> memref<32xi32, #tpu.memory_space<hbm>>
    tpu.enqueue_dma source(%dma_start3A_13 : memref<32xi32, #tpu.memory_space<hbm>>) target(%arg6 : memref<32xi32, #tpu.memory_space<vmem>>) target_semaphore(%arg12 : memref<!tpu.dma_semaphore, #tpu.memory_space<semaphore_mem>>)
    %dma_start3A_14 = arith.constant 2 : i32
    %dma_start3A_15 = tpu.memref_slice %arg3[%dma_start3A_14, %add3A_4] : memref<4x2048xi32, #tpu.memory_space<hbm>> -> memref<1x32xi32, #tpu.memory_space<hbm>>
    %dma_start3A_16 = tpu.memref_squeeze %dma_start3A_15 : memref<1x32xi32, #tpu.memory_space<hbm>> -> memref<32xi32, #tpu.memory_space<hbm>>
    %dma_start3A_17 = tpu.memref_slice %arg3[%dma_start3A_14, %add3A_4] : memref<4x2048xi32, #tpu.memory_space<hbm>> -> memref<1x32xi32, #tpu.memory_space<hbm>>
    %dma_start3A_18 = tpu.memref_squeeze %dma_start3A_17 : memref<1x32xi32, #tpu.memory_space<hbm>> -> memref<32xi32, #tpu.memory_space<hbm>>
    tpu.enqueue_dma source(%dma_start3A_18 : memref<32xi32, #tpu.memory_space<hbm>>) target(%arg7 : memref<32xi32, #tpu.memory_space<vmem>>) target_semaphore(%arg11 : memref<!tpu.dma_semaphore, #tpu.memory_space<semaphore_mem>>)
    %dma_start3A_19 = arith.constant 3 : i32
    %dma_start3A_20 = tpu.memref_slice %arg3[%dma_start3A_19, %add3A_4] : memref<4x2048xi32, #tpu.memory_space<hbm>> -> memref<1x32xi32, #tpu.memory_space<hbm>>
    %dma_start3A_21 = tpu.memref_squeeze %dma_start3A_20 : memref<1x32xi32, #tpu.memory_space<hbm>> -> memref<32xi32, #tpu.memory_space<hbm>>
    %dma_start3A_22 = tpu.memref_slice %arg3[%dma_start3A_19, %add3A_4] : memref<4x2048xi32, #tpu.memory_space<hbm>> -> memref<1x32xi32, #tpu.memory_space<hbm>>
    %dma_start3A_23 = tpu.memref_squeeze %dma_start3A_22 : memref<1x32xi32, #tpu.memory_space<hbm>> -> memref<32xi32, #tpu.memory_space<hbm>>
    tpu.enqueue_dma source(%dma_start3A_23 : memref<32xi32, #tpu.memory_space<hbm>>) target(%arg8 : memref<32xi32, #tpu.memory_space<vmem>>) target_semaphore(%arg12 : memref<!tpu.dma_semaphore, #tpu.memory_space<semaphore_mem>>)
    %dma_wait3A = arith.constant 0 : i32
    %dma_wait3A_24 = tpu.memref_slice %arg3[%dma_wait3A, %add3A_4] : memref<4x2048xi32, #tpu.memory_space<hbm>> -> memref<1x32xi32, #tpu.memory_space<hbm>>
    %dma_wait3A_25 = tpu.memref_squeeze %dma_wait3A_24 : memref<1x32xi32, #tpu.memory_space<hbm>> -> memref<32xi32, #tpu.memory_space<hbm>>
    %dma_wait3A_26 = tpu.memref_slice %arg3[%dma_wait3A, %add3A_4] : memref<4x2048xi32, #tpu.memory_space<hbm>> -> memref<1x32xi32, #tpu.memory_space<hbm>>
    %dma_wait3A_27 = tpu.memref_squeeze %dma_wait3A_26 : memref<1x32xi32, #tpu.memory_space<hbm>> -> memref<32xi32, #tpu.memory_space<hbm>>
    tpu.wait_dma2 semaphore(%arg11 : memref<!tpu.dma_semaphore, #tpu.memory_space<semaphore_mem>>) src(%dma_wait3A_27 : memref<32xi32, #tpu.memory_space<hbm>>) dst(%arg5 : memref<32xi32, #tpu.memory_space<vmem>>)
    %dma_wait3A_28 = arith.constant 1 : i32
    %dma_wait3A_29 = tpu.memref_slice %arg3[%dma_wait3A_28, %add3A_4] : memref<4x2048xi32, #tpu.memory_space<hbm>> -> memref<1x32xi32, #tpu.memory_space<hbm>>
    %dma_wait3A_30 = tpu.memref_squeeze %dma_wait3A_29 : memref<1x32xi32, #tpu.memory_space<hbm>> -> memref<32xi32, #tpu.memory_space<hbm>>
    %dma_wait3A_31 = tpu.memref_slice %arg3[%dma_wait3A_28, %add3A_4] : memref<4x2048xi32, #tpu.memory_space<hbm>> -> memref<1x32xi32, #tpu.memory_space<hbm>>
    %dma_wait3A_32 = tpu.memref_squeeze %dma_wait3A_31 : memref<1x32xi32, #tpu.memory_space<hbm>> -> memref<32xi32, #tpu.memory_space<hbm>>
    tpu.wait_dma2 semaphore(%arg12 : memref<!tpu.dma_semaphore, #tpu.memory_space<semaphore_mem>>) src(%dma_wait3A_32 : memref<32xi32, #tpu.memory_space<hbm>>) dst(%arg6 : memref<32xi32, #tpu.memory_space<vmem>>)
    %dma_wait3A_33 = arith.constant 2 : i32
    %dma_wait3A_34 = tpu.memref_slice %arg3[%dma_wait3A_33, %add3A_4] : memref<4x2048xi32, #tpu.memory_space<hbm>> -> memref<1x32xi32, #tpu.memory_space<hbm>>
    %dma_wait3A_35 = tpu.memref_squeeze %dma_wait3A_34 : memref<1x32xi32, #tpu.memory_space<hbm>> -> memref<32xi32, #tpu.memory_space<hbm>>
    %dma_wait3A_36 = tpu.memref_slice %arg3[%dma_wait3A_33, %add3A_4] : memref<4x2048xi32, #tpu.memory_space<hbm>> -> memref<1x32xi32, #tpu.memory_space<hbm>>
    %dma_wait3A_37 = tpu.memref_squeeze %dma_wait3A_36 : memref<1x32xi32, #tpu.memory_space<hbm>> -> memref<32xi32, #tpu.memory_space<hbm>>
    tpu.wait_dma2 semaphore(%arg11 : memref<!tpu.dma_semaphore, #tpu.memory_space<semaphore_mem>>) src(%dma_wait3A_37 : memref<32xi32, #tpu.memory_space<hbm>>) dst(%arg7 : memref<32xi32, #tpu.memory_space<vmem>>)
    %dma_wait3A_38 = arith.constant 3 : i32
    %dma_wait3A_39 = tpu.memref_slice %arg3[%dma_wait3A_38, %add3A_4] : memref<4x2048xi32, #tpu.memory_space<hbm>> -> memref<1x32xi32, #tpu.memory_space<hbm>>
    %dma_wait3A_40 = tpu.memref_squeeze %dma_wait3A_39 : memref<1x32xi32, #tpu.memory_space<hbm>> -> memref<32xi32, #tpu.memory_space<hbm>>
    %dma_wait3A_41 = tpu.memref_slice %arg3[%dma_wait3A_38, %add3A_4] : memref<4x2048xi32, #tpu.memory_space<hbm>> -> memref<1x32xi32, #tpu.memory_space<hbm>>
    %dma_wait3A_42 = tpu.memref_squeeze %dma_wait3A_41 : memref<1x32xi32, #tpu.memory_space<hbm>> -> memref<32xi32, #tpu.memory_space<hbm>>
    tpu.wait_dma2 semaphore(%arg12 : memref<!tpu.dma_semaphore, #tpu.memory_space<semaphore_mem>>) src(%dma_wait3A_42 : memref<32xi32, #tpu.memory_space<hbm>>) dst(%arg8 : memref<32xi32, #tpu.memory_space<vmem>>)
    %dma_start3A_43 = arith.constant 0 : i32
    %dma_start3A_44 = arith.constant 0 : i32
    %dma_start3A_45 = tpu.memref_slice %arg2[%dma_start3A_43, %dma_start3A_44] : memref<5120x1024xf32, #tpu.memory_space<hbm>> -> memref<5120x1024xf32, #tpu.memory_space<hbm>>
    tpu.enqueue_indirect_dma source(%dma_start3A_45 : memref<5120x1024xf32, #tpu.memory_space<hbm>>) target(%arg9 : memref<32x1024xf32, #tpu.memory_space<vmem>>) offsets(%arg5 : memref<32xi32, #tpu.memory_space<vmem>>) semaphore(%arg11 : memref<!tpu.dma_semaphore, #tpu.memory_space<semaphore_mem>>)
    %dma_start3A_46 = arith.constant 0 : i32
    %dma_start3A_47 = arith.constant 0 : i32
    %dma_start3A_48 = tpu.memref_slice %arg2[%dma_start3A_46, %dma_start3A_47] : memref<5120x1024xf32, #tpu.memory_space<hbm>> -> memref<5120x1024xf32, #tpu.memory_space<hbm>>
    tpu.enqueue_indirect_dma source(%dma_start3A_48 : memref<5120x1024xf32, #tpu.memory_space<hbm>>) target(%arg10 : memref<32x1024xf32, #tpu.memory_space<vmem>>) offsets(%arg6 : memref<32xi32, #tpu.memory_space<vmem>>) semaphore(%arg12 : memref<!tpu.dma_semaphore, #tpu.memory_space<semaphore_mem>>)
    %dma_wait3A_49 = arith.constant 0 : i32
    %dma_wait3A_50 = arith.constant 0 : i32
    %dma_wait3A_51 = tpu.memref_slice %arg2[%dma_wait3A_49, %dma_wait3A_50] : memref<5120x1024xf32, #tpu.memory_space<hbm>> -> memref<5120x1024xf32, #tpu.memory_space<hbm>>
    tpu.wait_indirect_dma semaphore(%arg11 : memref<!tpu.dma_semaphore, #tpu.memory_space<semaphore_mem>>) src(%dma_wait3A_51 : memref<5120x1024xf32, #tpu.memory_space<hbm>>) dst(%arg9 : memref<32x1024xf32, #tpu.memory_space<vmem>>)
    %dma_wait3A_52 = arith.constant 0 : i32
    %dma_wait3A_53 = arith.constant 0 : i32
    %dma_wait3A_54 = tpu.memref_slice %arg2[%dma_wait3A_52, %dma_wait3A_53] : memref<5120x1024xf32, #tpu.memory_space<hbm>> -> memref<5120x1024xf32, #tpu.memory_space<hbm>>
    tpu.wait_indirect_dma semaphore(%arg12 : memref<!tpu.dma_semaphore, #tpu.memory_space<semaphore_mem>>) src(%dma_wait3A_54 : memref<5120x1024xf32, #tpu.memory_space<hbm>>) dst(%arg10 : memref<32x1024xf32, #tpu.memory_space<vmem>>)
    %scan3A = arith.constant 0 : i32
    %scan3A_55 = arith.constant 0 : i32
    %scan3A_56 = arith.constant 32 : i32
    %scan3A_57 = arith.addi %scan3A_55, %scan3A_56 : i32
    %scan3A_58 = arith.constant 1 : i32
    scf.for %scan3A_122 = %scan3A_55 to %scan3A_57 step %scan3A_58  : i32 {
      %broadcast_in_dim3A = vector.broadcast %scan3A_122 : i32 to vector<16xi32>
      %gather3A = tpu.vector_load_idx %arg7[%broadcast_in_dim3A] : memref<32xi32, #tpu.memory_space<vmem>>[vector<16xi32>], vector<16xi32>,
      %bitcast3A = vector.bitcast %gather3A : vector<16xi32> to vector<16xf32>
      %gather3A_123 = tpu.vector_load_idx %arg8[%broadcast_in_dim3A] : memref<32xi32, #tpu.memory_space<vmem>>[vector<16xi32>], vector<16xi32>,
      %bitcast3A_124 = vector.bitcast %gather3A_123 : vector<16xi32> to vector<16xf32>
      %get3A = arith.index_cast %scan3A_122 : i32 to index
      %get3A_125 = arith.constant 0 : index
      %get3A_126 = tpu.vector_load %arg9[%get3A, %get3A_125] {strides = array<i32>} : memref<32x1024xf32, #tpu.memory_space<vmem>>, vector<16xf32>,
      %mul3A_127 = arith.mulf %get3A_126, %bitcast3A : vector<16xf32>
      %get3A_128 = arith.index_cast %scan3A_122 : i32 to index
      %get3A_129 = arith.constant 0 : index
      %get3A_130 = tpu.vector_load %arg10[%get3A_128, %get3A_129] {strides = array<i32>} : memref<32x1024xf32, #tpu.memory_space<vmem>>, vector<16xf32>,
      %mul3A_131 = arith.mulf %get3A_130, %bitcast3A_124 : vector<16xf32>
      %add3A_132 = arith.addf %mul3A_127, %mul3A_131 : vector<16xf32>
      %swap3A = arith.index_cast %scan3A_122 : i32 to index
      %swap3A_133 = arith.constant 0 : index
      %swap3A_134 = tpu.vector_load %arg9[%swap3A, %swap3A_133] {strides = array<i32>} : memref<32x1024xf32, #tpu.memory_space<vmem>>, vector<16xf32>,
      tpu.vector_store %arg9[%swap3A, %swap3A_133], %add3A_132 {strides = array<i32>} : memref<32x1024xf32, #tpu.memory_space<vmem>>, vector<16xf32>,
      %get3A_135 = arith.index_cast %scan3A_122 : i32 to index
      %get3A_136 = arith.constant 16 : index
      %get3A_137 = tpu.vector_load %arg9[%get3A_135, %get3A_136] {strides = array<i32>} : memref<32x1024xf32, #tpu.memory_space<vmem>>, vector<16xf32>,
      %mul3A_138 = arith.mulf %get3A_137, %bitcast3A : vector<16xf32>
      %get3A_139 = arith.index_cast %scan3A_122 : i32 to index
      %get3A_140 = arith.constant 16 : index
      %get3A_141 = tpu.vector_load %arg10[%get3A_139, %get3A_140] {strides = array<i32>} : memref<32x1024xf32, #tpu.memory_space<vmem>>, vector<16xf32>,
      %mul3A_142 = arith.mulf %get3A_141, %bitcast3A_124 : vector<16xf32>
      %add3A_143 = arith.addf %mul3A_138, %mul3A_142 : vector<16xf32>
      %swap3A_144 = arith.index_cast %scan3A_122 : i32 to index
      %swap3A_145 = arith.constant 16 : index
      %swap3A_146 = tpu.vector_load %arg9[%swap3A_144, %swap3A_145] {strides = array<i32>} : memref<32x1024xf32, #tpu.memory_space<vmem>>, vector<16xf32>,
      tpu.vector_store %arg9[%swap3A_144, %swap3A_145], %add3A_143 {strides = array<i32>} : memref<32x1024xf32, #tpu.memory_space<vmem>>, vector<16xf32>,
      %get3A_147 = arith.index_cast %scan3A_122 : i32 to index
      %get3A_148 = arith.constant 32 : index
      %get3A_149 = tpu.vector_load %arg9[%get3A_147, %get3A_148] {strides = array<i32>} : memref<32x1024xf32, #tpu.memory_space<vmem>>, vector<16xf32>,
      %mul3A_150 = arith.mulf %get3A_149, %bitcast3A : vector<16xf32>
      %get3A_151 = arith.index_cast %scan3A_122 : i32 to index
      %get3A_152 = arith.constant 32 : index
      %get3A_153 = tpu.vector_load %arg10[%get3A_151, %get3A_152] {strides = array<i32>} : memref<32x1024xf32, #tpu.memory_space<vmem>>, vector<16xf32>,
      %mul3A_154 = arith.mulf %get3A_153, %bitcast3A_124 : vector<16xf32>
      %add3A_155 = arith.addf %mul3A_150, %mul3A_154 : vector<16xf32>
      %swap3A_156 = arith.index_cast %scan3A_122 : i32 to index
      %swap3A_157 = arith.constant 32 : index
      %swap3A_158 = tpu.vector_load %arg9[%swap3A_156, %swap3A_157] {strides = array<i32>} : memref<32x1024xf32, #tpu.memory_space<vmem>>, vector<16xf32>,
      tpu.vector_store %arg9[%swap3A_156, %swap3A_157], %add3A_155 {strides = array<i32>} : memref<32x1024xf32, #tpu.memory_space<vmem>>, vector<16xf32>,
      %get3A_159 = arith.index_cast %scan3A_122 : i32 to index
      %get3A_160 = arith.constant 48 : index
      %get3A_161 = tpu.vector_load %arg9[%get3A_159, %get3A_160] {strides = array<i32>} : memref<32x1024xf32, #tpu.memory_space<vmem>>, vector<16xf32>,
      %mul3A_162 = arith.mulf %get3A_161, %bitcast3A : vector<16xf32>
      %get3A_163 = arith.index_cast %scan3A_122 : i32 to index
      %get3A_164 = arith.constant 48 : index
      %get3A_165 = tpu.vector_load %arg10[%get3A_163, %get3A_164] {strides = array<i32>} : memref<32x1024xf32, #tpu.memory_space<vmem>>, vector<16xf32>,
      %mul3A_166 = arith.mulf %get3A_165, %bitcast3A_124 : vector<16xf32>
      %add3A_167 = arith.addf %mul3A_162, %mul3A_166 : vector<16xf32>
      %swap3A_168 = arith.index_cast %scan3A_122 : i32 to index
      %swap3A_169 = arith.constant 48 : index
      %swap3A_170 = tpu.vector_load %arg9[%swap3A_168, %swap3A_169] {strides = array<i32>} : memref<32x1024xf32, #tpu.memory_space<vmem>>, vector<16xf32>,
      tpu.vector_store %arg9[%swap3A_168, %swap3A_169], %add3A_167 {strides = array<i32>} : memref<32x1024xf32, #tpu.memory_space<vmem>>, vector<16xf32>,
      %get3A_171 = arith.index_cast %scan3A_122 : i32 to index
      %get3A_172 = arith.constant 64 : index
      %get3A_173 = tpu.vector_load %arg9[%get3A_171, %get3A_172] {strides = array<i32>} : memref<32x1024xf32, #tpu.memory_space<vmem>>, vector<16xf32>,
      %mul3A_174 = arith.mulf %get3A_173, %bitcast3A : vector<16xf32>
      %get3A_175 = arith.index_cast %scan3A_122 : i32 to index
      %get3A_176 = arith.constant 64 : index
      %get3A_177 = tpu.vector_load %arg10[%get3A_175, %get3A_176] {strides = array<i32>} : memref<32x1024xf32, #tpu.memory_space<vmem>>, vector<16xf32>,
      %mul3A_178 = arith.mulf %get3A_177, %bitcast3A_124 : vector<16xf32>
      %add3A_179 = arith.addf %mul3A_174, %mul3A_178 : vector<16xf32>
      %swap3A_180 = arith.index_cast %scan3A_122 : i32 to index
      %swap3A_181 = arith.constant 64 : index
      %swap3A_182 = tpu.vector_load %arg9[%swap3A_180, %swap3A_181] {strides = array<i32>} : memref<32x1024xf32, #tpu.memory_space<vmem>>, vector<16xf32>,
      tpu.vector_store %arg9[%swap3A_180, %swap3A_181], %add3A_179 {strides = array<i32>} : memref<32x1024xf32, #tpu.memory_space<vmem>>, vector<16xf32>,
      %get3A_183 = arith.index_cast %scan3A_122 : i32 to index
      %get3A_184 = arith.constant 80 : index
      %get3A_185 = tpu.vector_load %arg9[%get3A_183, %get3A_184] {strides = array<i32>} : memref<32x1024xf32, #tpu.memory_space<vmem>>, vector<16xf32>,
      %mul3A_186 = arith.mulf %get3A_185, %bitcast3A : vector<16xf32>
      %get3A_187 = arith.index_cast %scan3A_122 : i32 to index
      %get3A_188 = arith.constant 80 : index
      %get3A_189 = tpu.vector_load %arg10[%get3A_187, %get3A_188] {strides = array<i32>} : memref<32x1024xf32, #tpu.memory_space<vmem>>, vector<16xf32>,
      %mul3A_190 = arith.mulf %get3A_189, %bitcast3A_124 : vector<16xf32>
      %add3A_191 = arith.addf %mul3A_186, %mul3A_190 : vector<16xf32>
      %swap3A_192 = arith.index_cast %scan3A_122 : i32 to index
      %swap3A_193 = arith.constant 80 : index
      %swap3A_194 = tpu.vector_load %arg9[%swap3A_192, %swap3A_193] {strides = array<i32>} : memref<32x1024xf32, #tpu.memory_space<vmem>>, vector<16xf32>,
      tpu.vector_store %arg9[%swap3A_192, %swap3A_193], %add3A_191 {strides = array<i32>} : memref<32x1024xf32, #tpu.memory_space<vmem>>, vector<16xf32>,
      %get3A_195 = arith.index_cast %scan3A_122 : i32 to index
      %get3A_196 = arith.constant 96 : index
      %get3A_197 = tpu.vector_load %arg9[%get3A_195, %get3A_196] {strides = array<i32>} : memref<32x1024xf32, #tpu.memory_space<vmem>>, vector<16xf32>,
      %mul3A_198 = arith.mulf %get3A_197, %bitcast3A : vector<16xf32>
      %get3A_199 = arith.index_cast %scan3A_122 : i32 to index
      %get3A_200 = arith.constant 96 : index
      %get3A_201 = tpu.vector_load %arg10[%get3A_199, %get3A_200] {strides = array<i32>} : memref<32x1024xf32, #tpu.memory_space<vmem>>, vector<16xf32>,
      %mul3A_202 = arith.mulf %get3A_201, %bitcast3A_124 : vector<16xf32>
      %add3A_203 = arith.addf %mul3A_198, %mul3A_202 : vector<16xf32>
      %swap3A_204 = arith.index_cast %scan3A_122 : i32 to index
      %swap3A_205 = arith.constant 96 : index
      %swap3A_206 = tpu.vector_load %arg9[%swap3A_204, %swap3A_205] {strides = array<i32>} : memref<32x1024xf32, #tpu.memory_space<vmem>>, vector<16xf32>,
      tpu.vector_store %arg9[%swap3A_204, %swap3A_205], %add3A_203 {strides = array<i32>} : memref<32x1024xf32, #tpu.memory_space<vmem>>, vector<16xf32>,
      %get3A_207 = arith.index_cast %scan3A_122 : i32 to index
      %get3A_208 = arith.constant 112 : index
      %get3A_209 = tpu.vector_load %arg9[%get3A_207, %get3A_208] {strides = array<i32>} : memref<32x1024xf32, #tpu.memory_space<vmem>>, vector<16xf32>,
      %mul3A_210 = arith.mulf %get3A_209, %bitcast3A : vector<16xf32>
      %get3A_211 = arith.index_cast %scan3A_122 : i32 to index
      %get3A_212 = arith.constant 112 : index
      %get3A_213 = tpu.vector_load %arg10[%get3A_211, %get3A_212] {strides = array<i32>} : memref<32x1024xf32, #tpu.memory_space<vmem>>, vector<16xf32>,
      %mul3A_214 = arith.mulf %get3A_213, %bitcast3A_124 : vector<16xf32>
      %add3A_215 = arith.addf %mul3A_210, %mul3A_214 : vector<16xf32>
      %swap3A_216 = arith.index_cast %scan3A_122 : i32 to index
      %swap3A_217 = arith.constant 112 : index
      %swap3A_218 = tpu.vector_load %arg9[%swap3A_216, %swap3A_217] {strides = array<i32>} : memref<32x1024xf32, #tpu.memory_space<vmem>>, vector<16xf32>,
      tpu.vector_store %arg9[%swap3A_216, %swap3A_217], %add3A_215 {strides = array<i32>} : memref<32x1024xf32, #tpu.memory_space<vmem>>, vector<16xf32>,
      %get3A_219 = arith.index_cast %scan3A_122 : i32 to index
      %get3A_220 = arith.constant 128 : index
      %get3A_221 = tpu.vector_load %arg9[%get3A_219, %get3A_220] {strides = array<i32>} : memref<32x1024xf32, #tpu.memory_space<vmem>>, vector<16xf32>,
      %mul3A_222 = arith.mulf %get3A_221, %bitcast3A : vector<16xf32>
      %get3A_223 = arith.index_cast %scan3A_122 : i32 to index
      %get3A_224 = arith.constant 128 : index
      %get3A_225 = tpu.vector_load %arg10[%get3A_223, %get3A_224] {strides = array<i32>} : memref<32x1024xf32, #tpu.memory_space<vmem>>, vector<16xf32>,
      %mul3A_226 = arith.mulf %get3A_225, %bitcast3A_124 : vector<16xf32>
      %add3A_227 = arith.addf %mul3A_222, %mul3A_226 : vector<16xf32>
      %swap3A_228 = arith.index_cast %scan3A_122 : i32 to index
      %swap3A_229 = arith.constant 128 : index
      %swap3A_230 = tpu.vector_load %arg9[%swap3A_228, %swap3A_229] {strides = array<i32>} : memref<32x1024xf32, #tpu.memory_space<vmem>>, vector<16xf32>,
      tpu.vector_store %arg9[%swap3A_228, %swap3A_229], %add3A_227 {strides = array<i32>} : memref<32x1024xf32, #tpu.memory_space<vmem>>, vector<16xf32>,
      %get3A_231 = arith.index_cast %scan3A_122 : i32 to index
      %get3A_232 = arith.constant 144 : index
      %get3A_233 = tpu.vector_load %arg9[%get3A_231, %get3A_232] {strides = array<i32>} : memref<32x1024xf32, #tpu.memory_space<vmem>>, vector<16xf32>,
      %mul3A_234 = arith.mulf %get3A_233, %bitcast3A : vector<16xf32>
      %get3A_235 = arith.index_cast %scan3A_122 : i32 to index
      %get3A_236 = arith.constant 144 : index
      %get3A_237 = tpu.vector_load %arg10[%get3A_235, %get3A_236] {strides = array<i32>} : memref<32x1024xf32, #tpu.memory_space<vmem>>, vector<16xf32>,
      %mul3A_238 = arith.mulf %get3A_237, %bitcast3A_124 : vector<16xf32>
      %add3A_239 = arith.addf %mul3A_234, %mul3A_238 : vector<16xf32>
      %swap3A_240 = arith.index_cast %scan3A_122 : i32 to index
      %swap3A_241 = arith.constant 144 : index
      %swap3A_242 = tpu.vector_load %arg9[%swap3A_240, %swap3A_241] {strides = array<i32>} : memref<32x1024xf32, #tpu.memory_space<vmem>>, vector<16xf32>,
      tpu.vector_store %arg9[%swap3A_240, %swap3A_241], %add3A_239 {strides = array<i32>} : memref<32x1024xf32, #tpu.memory_space<vmem>>, vector<16xf32>,
      %get3A_243 = arith.index_cast %scan3A_122 : i32 to index
      %get3A_244 = arith.constant 160 : index
      %get3A_245 = tpu.vector_load %arg9[%get3A_243, %get3A_244] {strides = array<i32>} : memref<32x1024xf32, #tpu.memory_space<vmem>>, vector<16xf32>,
      %mul3A_246 = arith.mulf %get3A_245, %bitcast3A : vector<16xf32>
      %get3A_247 = arith.index_cast %scan3A_122 : i32 to index
      %get3A_248 = arith.constant 160 : index
      %get3A_249 = tpu.vector_load %arg10[%get3A_247, %get3A_248] {strides = array<i32>} : memref<32x1024xf32, #tpu.memory_space<vmem>>, vector<16xf32>,
      %mul3A_250 = arith.mulf %get3A_249, %bitcast3A_124 : vector<16xf32>
      %add3A_251 = arith.addf %mul3A_246, %mul3A_250 : vector<16xf32>
      %swap3A_252 = arith.index_cast %scan3A_122 : i32 to index
      %swap3A_253 = arith.constant 160 : index
      %swap3A_254 = tpu.vector_load %arg9[%swap3A_252, %swap3A_253] {strides = array<i32>} : memref<32x1024xf32, #tpu.memory_space<vmem>>, vector<16xf32>,
      tpu.vector_store %arg9[%swap3A_252, %swap3A_253], %add3A_251 {strides = array<i32>} : memref<32x1024xf32, #tpu.memory_space<vmem>>, vector<16xf32>,
      %get3A_255 = arith.index_cast %scan3A_122 : i32 to index
      %get3A_256 = arith.constant 176 : index
      %get3A_257 = tpu.vector_load %arg9[%get3A_255, %get3A_256] {strides = array<i32>} : memref<32x1024xf32, #tpu.memory_space<vmem>>, vector<16xf32>,
      %mul3A_258 = arith.mulf %get3A_257, %bitcast3A : vector<16xf32>
      %get3A_259 = arith.index_cast %scan3A_122 : i32 to index
      %get3A_260 = arith.constant 176 : index
      %get3A_261 = tpu.vector_load %arg10[%get3A_259, %get3A_260] {strides = array<i32>} : memref<32x1024xf32, #tpu.memory_space<vmem>>, vector<16xf32>,
      %mul3A_262 = arith.mulf %get3A_261, %bitcast3A_124 : vector<16xf32>
      %add3A_263 = arith.addf %mul3A_258, %mul3A_262 : vector<16xf32>
      %swap3A_264 = arith.index_cast %scan3A_122 : i32 to index
      %swap3A_265 = arith.constant 176 : index
      %swap3A_266 = tpu.vector_load %arg9[%swap3A_264, %swap3A_265] {strides = array<i32>} : memref<32x1024xf32, #tpu.memory_space<vmem>>, vector<16xf32>,
      tpu.vector_store %arg9[%swap3A_264, %swap3A_265], %add3A_263 {strides = array<i32>} : memref<32x1024xf32, #tpu.memory_space<vmem>>, vector<16xf32>,
      %get3A_267 = arith.index_cast %scan3A_122 : i32 to index
      %get3A_268 = arith.constant 192 : index
      %get3A_269 = tpu.vector_load %arg9[%get3A_267, %get3A_268] {strides = array<i32>} : memref<32x1024xf32, #tpu.memory_space<vmem>>, vector<16xf32>,
      %mul3A_270 = arith.mulf %get3A_269, %bitcast3A : vector<16xf32>
      %get3A_271 = arith.index_cast %scan3A_122 : i32 to index
      %get3A_272 = arith.constant 192 : index
      %get3A_273 = tpu.vector_load %arg10[%get3A_271, %get3A_272] {strides = array<i32>} : memref<32x1024xf32, #tpu.memory_space<vmem>>, vector<16xf32>,
      %mul3A_274 = arith.mulf %get3A_273, %bitcast3A_124 : vector<16xf32>
      %add3A_275 = arith.addf %mul3A_270, %mul3A_274 : vector<16xf32>
      %swap3A_276 = arith.index_cast %scan3A_122 : i32 to index
      %swap3A_277 = arith.constant 192 : index
      %swap3A_278 = tpu.vector_load %arg9[%swap3A_276, %swap3A_277] {strides = array<i32>} : memref<32x1024xf32, #tpu.memory_space<vmem>>, vector<16xf32>,
      tpu.vector_store %arg9[%swap3A_276, %swap3A_277], %add3A_275 {strides = array<i32>} : memref<32x1024xf32, #tpu.memory_space<vmem>>, vector<16xf32>,
      %get3A_279 = arith.index_cast %scan3A_122 : i32 to index
      %get3A_280 = arith.constant 208 : index
      %get3A_281 = tpu.vector_load %arg9[%get3A_279, %get3A_280] {strides = array<i32>} : memref<32x1024xf32, #tpu.memory_space<vmem>>, vector<16xf32>,
      %mul3A_282 = arith.mulf %get3A_281, %bitcast3A : vector<16xf32>
      %get3A_283 = arith.index_cast %scan3A_122 : i32 to index
      %get3A_284 = arith.constant 208 : index
      %get3A_285 = tpu.vector_load %arg10[%get3A_283, %get3A_284] {strides = array<i32>} : memref<32x1024xf32, #tpu.memory_space<vmem>>, vector<16xf32>,
      %mul3A_286 = arith.mulf %get3A_285, %bitcast3A_124 : vector<16xf32>
      %add3A_287 = arith.addf %mul3A_282, %mul3A_286 : vector<16xf32>
      %swap3A_288 = arith.index_cast %scan3A_122 : i32 to index
      %swap3A_289 = arith.constant 208 : index
      %swap3A_290 = tpu.vector_load %arg9[%swap3A_288, %swap3A_289] {strides = array<i32>} : memref<32x1024xf32, #tpu.memory_space<vmem>>, vector<16xf32>,
      tpu.vector_store %arg9[%swap3A_288, %swap3A_289], %add3A_287 {strides = array<i32>} : memref<32x1024xf32, #tpu.memory_space<vmem>>, vector<16xf32>,
      %get3A_291 = arith.index_cast %scan3A_122 : i32 to index
      %get3A_292 = arith.constant 224 : index
      %get3A_293 = tpu.vector_load %arg9[%get3A_291, %get3A_292] {strides = array<i32>} : memref<32x1024xf32, #tpu.memory_space<vmem>>, vector<16xf32>,
      %mul3A_294 = arith.mulf %get3A_293, %bitcast3A : vector<16xf32>
      %get3A_295 = arith.index_cast %scan3A_122 : i32 to index
      %get3A_296 = arith.constant 224 : index
      %get3A_297 = tpu.vector_load %arg10[%get3A_295, %get3A_296] {strides = array<i32>} : memref<32x1024xf32, #tpu.memory_space<vmem>>, vector<16xf32>,
      %mul3A_298 = arith.mulf %get3A_297, %bitcast3A_124 : vector<16xf32>
      %add3A_299 = arith.addf %mul3A_294, %mul3A_298 : vector<16xf32>
      %swap3A_300 = arith.index_cast %scan3A_122 : i32 to index
      %swap3A_301 = arith.constant 224 : index
      %swap3A_302 = tpu.vector_load %arg9[%swap3A_300, %swap3A_301] {strides = array<i32>} : memref<32x1024xf32, #tpu.memory_space<vmem>>, vector<16xf32>,
      tpu.vector_store %arg9[%swap3A_300, %swap3A_301], %add3A_299 {strides = array<i32>} : memref<32x1024xf32, #tpu.memory_space<vmem>>, vector<16xf32>,
      %get3A_303 = arith.index_cast %scan3A_122 : i32 to index
      %get3A_304 = arith.constant 240 : index
      %get3A_305 = tpu.vector_load %arg9[%get3A_303, %get3A_304] {strides = array<i32>} : memref<32x1024xf32, #tpu.memory_space<vmem>>, vector<16xf32>,
      %mul3A_306 = arith.mulf %get3A_305, %bitcast3A : vector<16xf32>
      %get3A_307 = arith.index_cast %scan3A_122 : i32 to index
      %get3A_308 = arith.constant 240 : index
      %get3A_309 = tpu.vector_load %arg10[%get3A_307, %get3A_308] {strides = array<i32>} : memref<32x1024xf32, #tpu.memory_space<vmem>>, vector<16xf32>,
      %mul3A_310 = arith.mulf %get3A_309, %bitcast3A_124 : vector<16xf32>
      %add3A_311 = arith.addf %mul3A_306, %mul3A_310 : vector<16xf32>
      %swap3A_312 = arith.index_cast %scan3A_122 : i32 to index
      %swap3A_313 = arith.constant 240 : index
      %swap3A_314 = tpu.vector_load %arg9[%swap3A_312, %swap3A_313] {strides = array<i32>} : memref<32x1024xf32, #tpu.memory_space<vmem>>, vector<16xf32>,
      tpu.vector_store %arg9[%swap3A_312, %swap3A_313], %add3A_311 {strides = array<i32>} : memref<32x1024xf32, #tpu.memory_space<vmem>>, vector<16xf32>,
      %get3A_315 = arith.index_cast %scan3A_122 : i32 to index
      %get3A_316 = arith.constant 256 : index
      %get3A_317 = tpu.vector_load %arg9[%get3A_315, %get3A_316] {strides = array<i32>} : memref<32x1024xf32, #tpu.memory_space<vmem>>, vector<16xf32>,
      %mul3A_318 = arith.mulf %get3A_317, %bitcast3A : vector<16xf32>
      %get3A_319 = arith.index_cast %scan3A_122 : i32 to index
      %get3A_320 = arith.constant 256 : index
      %get3A_321 = tpu.vector_load %arg10[%get3A_319, %get3A_320] {strides = array<i32>} : memref<32x1024xf32, #tpu.memory_space<vmem>>, vector<16xf32>,
      %mul3A_322 = arith.mulf %get3A_321, %bitcast3A_124 : vector<16xf32>
      %add3A_323 = arith.addf %mul3A_318, %mul3A_322 : vector<16xf32>
      %swap3A_324 = arith.index_cast %scan3A_122 : i32 to index
      %swap3A_325 = arith.constant 256 : index
      %swap3A_326 = tpu.vector_load %arg9[%swap3A_324, %swap3A_325] {strides = array<i32>} : memref<32x1024xf32, #tpu.memory_space<vmem>>, vector<16xf32>,
      tpu.vector_store %arg9[%swap3A_324, %swap3A_325], %add3A_323 {strides = array<i32>} : memref<32x1024xf32, #tpu.memory_space<vmem>>, vector<16xf32>,
      %get3A_327 = arith.index_cast %scan3A_122 : i32 to index
      %get3A_328 = arith.constant 272 : index
      %get3A_329 = tpu.vector_load %arg9[%get3A_327, %get3A_328] {strides = array<i32>} : memref<32x1024xf32, #tpu.memory_space<vmem>>, vector<16xf32>,
      %mul3A_330 = arith.mulf %get3A_329, %bitcast3A : vector<16xf32>
      %get3A_331 = arith.index_cast %scan3A_122 : i32 to index
      %get3A_332 = arith.constant 272 : index
      %get3A_333 = tpu.vector_load %arg10[%get3A_331, %get3A_332] {strides = array<i32>} : memref<32x1024xf32, #tpu.memory_space<vmem>>, vector<16xf32>,
      %mul3A_334 = arith.mulf %get3A_333, %bitcast3A_124 : vector<16xf32>
      %add3A_335 = arith.addf %mul3A_330, %mul3A_334 : vector<16xf32>
      %swap3A_336 = arith.index_cast %scan3A_122 : i32 to index
      %swap3A_337 = arith.constant 272 : index
      %swap3A_338 = tpu.vector_load %arg9[%swap3A_336, %swap3A_337] {strides = array<i32>} : memref<32x1024xf32, #tpu.memory_space<vmem>>, vector<16xf32>,
      tpu.vector_store %arg9[%swap3A_336, %swap3A_337], %add3A_335 {strides = array<i32>} : memref<32x1024xf32, #tpu.memory_space<vmem>>, vector<16xf32>,
      %get3A_339 = arith.index_cast %scan3A_122 : i32 to index
      %get3A_340 = arith.constant 288 : index
      %get3A_341 = tpu.vector_load %arg9[%get3A_339, %get3A_340] {strides = array<i32>} : memref<32x1024xf32, #tpu.memory_space<vmem>>, vector<16xf32>,
      %mul3A_342 = arith.mulf %get3A_341, %bitcast3A : vector<16xf32>
      %get3A_343 = arith.index_cast %scan3A_122 : i32 to index
      %get3A_344 = arith.constant 288 : index
      %get3A_345 = tpu.vector_load %arg10[%get3A_343, %get3A_344] {strides = array<i32>} : memref<32x1024xf32, #tpu.memory_space<vmem>>, vector<16xf32>,
      %mul3A_346 = arith.mulf %get3A_345, %bitcast3A_124 : vector<16xf32>
      %add3A_347 = arith.addf %mul3A_342, %mul3A_346 : vector<16xf32>
      %swap3A_348 = arith.index_cast %scan3A_122 : i32 to index
      %swap3A_349 = arith.constant 288 : index
      %swap3A_350 = tpu.vector_load %arg9[%swap3A_348, %swap3A_349] {strides = array<i32>} : memref<32x1024xf32, #tpu.memory_space<vmem>>, vector<16xf32>,
      tpu.vector_store %arg9[%swap3A_348, %swap3A_349], %add3A_347 {strides = array<i32>} : memref<32x1024xf32, #tpu.memory_space<vmem>>, vector<16xf32>,
      %get3A_351 = arith.index_cast %scan3A_122 : i32 to index
      %get3A_352 = arith.constant 304 : index
      %get3A_353 = tpu.vector_load %arg9[%get3A_351, %get3A_352] {strides = array<i32>} : memref<32x1024xf32, #tpu.memory_space<vmem>>, vector<16xf32>,
      %mul3A_354 = arith.mulf %get3A_353, %bitcast3A : vector<16xf32>
      %get3A_355 = arith.index_cast %scan3A_122 : i32 to index
      %get3A_356 = arith.constant 304 : index
      %get3A_357 = tpu.vector_load %arg10[%get3A_355, %get3A_356] {strides = array<i32>} : memref<32x1024xf32, #tpu.memory_space<vmem>>, vector<16xf32>,
      %mul3A_358 = arith.mulf %get3A_357, %bitcast3A_124 : vector<16xf32>
      %add3A_359 = arith.addf %mul3A_354, %mul3A_358 : vector<16xf32>
      %swap3A_360 = arith.index_cast %scan3A_122 : i32 to index
      %swap3A_361 = arith.constant 304 : index
      %swap3A_362 = tpu.vector_load %arg9[%swap3A_360, %swap3A_361] {strides = array<i32>} : memref<32x1024xf32, #tpu.memory_space<vmem>>, vector<16xf32>,
      tpu.vector_store %arg9[%swap3A_360, %swap3A_361], %add3A_359 {strides = array<i32>} : memref<32x1024xf32, #tpu.memory_space<vmem>>, vector<16xf32>,
      %get3A_363 = arith.index_cast %scan3A_122 : i32 to index
      %get3A_364 = arith.constant 320 : index
      %get3A_365 = tpu.vector_load %arg9[%get3A_363, %get3A_364] {strides = array<i32>} : memref<32x1024xf32, #tpu.memory_space<vmem>>, vector<16xf32>,
      %mul3A_366 = arith.mulf %get3A_365, %bitcast3A : vector<16xf32>
      %get3A_367 = arith.index_cast %scan3A_122 : i32 to index
      %get3A_368 = arith.constant 320 : index
      %get3A_369 = tpu.vector_load %arg10[%get3A_367, %get3A_368] {strides = array<i32>} : memref<32x1024xf32, #tpu.memory_space<vmem>>, vector<16xf32>,
      %mul3A_370 = arith.mulf %get3A_369, %bitcast3A_124 : vector<16xf32>
      %add3A_371 = arith.addf %mul3A_366, %mul3A_370 : vector<16xf32>
      %swap3A_372 = arith.index_cast %scan3A_122 : i32 to index
      %swap3A_373 = arith.constant 320 : index
      %swap3A_374 = tpu.vector_load %arg9[%swap3A_372, %swap3A_373] {strides = array<i32>} : memref<32x1024xf32, #tpu.memory_space<vmem>>, vector<16xf32>,
      tpu.vector_store %arg9[%swap3A_372, %swap3A_373], %add3A_371 {strides = array<i32>} : memref<32x1024xf32, #tpu.memory_space<vmem>>, vector<16xf32>,
      %get3A_375 = arith.index_cast %scan3A_122 : i32 to index
      %get3A_376 = arith.constant 336 : index
      %get3A_377 = tpu.vector_load %arg9[%get3A_375, %get3A_376] {strides = array<i32>} : memref<32x1024xf32, #tpu.memory_space<vmem>>, vector<16xf32>,
      %mul3A_378 = arith.mulf %get3A_377, %bitcast3A : vector<16xf32>
      %get3A_379 = arith.index_cast %scan3A_122 : i32 to index
      %get3A_380 = arith.constant 336 : index
      %get3A_381 = tpu.vector_load %arg10[%get3A_379, %get3A_380] {strides = array<i32>} : memref<32x1024xf32, #tpu.memory_space<vmem>>, vector<16xf32>,
      %mul3A_382 = arith.mulf %get3A_381, %bitcast3A_124 : vector<16xf32>
      %add3A_383 = arith.addf %mul3A_378, %mul3A_382 : vector<16xf32>
      %swap3A_384 = arith.index_cast %scan3A_122 : i32 to index
      %swap3A_385 = arith.constant 336 : index
      %swap3A_386 = tpu.vector_load %arg9[%swap3A_384, %swap3A_385] {strides = array<i32>} : memref<32x1024xf32, #tpu.memory_space<vmem>>, vector<16xf32>,
      tpu.vector_store %arg9[%swap3A_384, %swap3A_385], %add3A_383 {strides = array<i32>} : memref<32x1024xf32, #tpu.memory_space<vmem>>, vector<16xf32>,
      %get3A_387 = arith.index_cast %scan3A_122 : i32 to index
      %get3A_388 = arith.constant 352 : index
      %get3A_389 = tpu.vector_load %arg9[%get3A_387, %get3A_388] {strides = array<i32>} : memref<32x1024xf32, #tpu.memory_space<vmem>>, vector<16xf32>,
      %mul3A_390 = arith.mulf %get3A_389, %bitcast3A : vector<16xf32>
      %get3A_391 = arith.index_cast %scan3A_122 : i32 to index
      %get3A_392 = arith.constant 352 : index
      %get3A_393 = tpu.vector_load %arg10[%get3A_391, %get3A_392] {strides = array<i32>} : memref<32x1024xf32, #tpu.memory_space<vmem>>, vector<16xf32>,
      %mul3A_394 = arith.mulf %get3A_393, %bitcast3A_124 : vector<16xf32>
      %add3A_395 = arith.addf %mul3A_390, %mul3A_394 : vector<16xf32>
      %swap3A_396 = arith.index_cast %scan3A_122 : i32 to index
      %swap3A_397 = arith.constant 352 : index
      %swap3A_398 = tpu.vector_load %arg9[%swap3A_396, %swap3A_397] {strides = array<i32>} : memref<32x1024xf32, #tpu.memory_space<vmem>>, vector<16xf32>,
      tpu.vector_store %arg9[%swap3A_396, %swap3A_397], %add3A_395 {strides = array<i32>} : memref<32x1024xf32, #tpu.memory_space<vmem>>, vector<16xf32>,
      %get3A_399 = arith.index_cast %scan3A_122 : i32 to index
      %get3A_400 = arith.constant 368 : index
      %get3A_401 = tpu.vector_load %arg9[%get3A_399, %get3A_400] {strides = array<i32>} : memref<32x1024xf32, #tpu.memory_space<vmem>>, vector<16xf32>,
      %mul3A_402 = arith.mulf %get3A_401, %bitcast3A : vector<16xf32>
      %get3A_403 = arith.index_cast %scan3A_122 : i32 to index
      %get3A_404 = arith.constant 368 : index
      %get3A_405 = tpu.vector_load %arg10[%get3A_403, %get3A_404] {strides = array<i32>} : memref<32x1024xf32, #tpu.memory_space<vmem>>, vector<16xf32>,
      %mul3A_406 = arith.mulf %get3A_405, %bitcast3A_124 : vector<16xf32>
      %add3A_407 = arith.addf %mul3A_402, %mul3A_406 : vector<16xf32>
      %swap3A_408 = arith.index_cast %scan3A_122 : i32 to index
      %swap3A_409 = arith.constant 368 : index
      %swap3A_410 = tpu.vector_load %arg9[%swap3A_408, %swap3A_409] {strides = array<i32>} : memref<32x1024xf32, #tpu.memory_space<vmem>>, vector<16xf32>,
      tpu.vector_store %arg9[%swap3A_408, %swap3A_409], %add3A_407 {strides = array<i32>} : memref<32x1024xf32, #tpu.memory_space<vmem>>, vector<16xf32>,
      %get3A_411 = arith.index_cast %scan3A_122 : i32 to index
      %get3A_412 = arith.constant 384 : index
      %get3A_413 = tpu.vector_load %arg9[%get3A_411, %get3A_412] {strides = array<i32>} : memref<32x1024xf32, #tpu.memory_space<vmem>>, vector<16xf32>,
      %mul3A_414 = arith.mulf %get3A_413, %bitcast3A : vector<16xf32>
      %get3A_415 = arith.index_cast %scan3A_122 : i32 to index
      %get3A_416 = arith.constant 384 : index
      %get3A_417 = tpu.vector_load %arg10[%get3A_415, %get3A_416] {strides = array<i32>} : memref<32x1024xf32, #tpu.memory_space<vmem>>, vector<16xf32>,
      %mul3A_418 = arith.mulf %get3A_417, %bitcast3A_124 : vector<16xf32>
      %add3A_419 = arith.addf %mul3A_414, %mul3A_418 : vector<16xf32>
      %swap3A_420 = arith.index_cast %scan3A_122 : i32 to index
      %swap3A_421 = arith.constant 384 : index
      %swap3A_422 = tpu.vector_load %arg9[%swap3A_420, %swap3A_421] {strides = array<i32>} : memref<32x1024xf32, #tpu.memory_space<vmem>>, vector<16xf32>,
      tpu.vector_store %arg9[%swap3A_420, %swap3A_421], %add3A_419 {strides = array<i32>} : memref<32x1024xf32, #tpu.memory_space<vmem>>, vector<16xf32>,
      %get3A_423 = arith.index_cast %scan3A_122 : i32 to index
      %get3A_424 = arith.constant 400 : index
      %get3A_425 = tpu.vector_load %arg9[%get3A_423, %get3A_424] {strides = array<i32>} : memref<32x1024xf32, #tpu.memory_space<vmem>>, vector<16xf32>,
      %mul3A_426 = arith.mulf %get3A_425, %bitcast3A : vector<16xf32>
      %get3A_427 = arith.index_cast %scan3A_122 : i32 to index
      %get3A_428 = arith.constant 400 : index
      %get3A_429 = tpu.vector_load %arg10[%get3A_427, %get3A_428] {strides = array<i32>} : memref<32x1024xf32, #tpu.memory_space<vmem>>, vector<16xf32>,
      %mul3A_430 = arith.mulf %get3A_429, %bitcast3A_124 : vector<16xf32>
      %add3A_431 = arith.addf %mul3A_426, %mul3A_430 : vector<16xf32>
      %swap3A_432 = arith.index_cast %scan3A_122 : i32 to index
      %swap3A_433 = arith.constant 400 : index
      %swap3A_434 = tpu.vector_load %arg9[%swap3A_432, %swap3A_433] {strides = array<i32>} : memref<32x1024xf32, #tpu.memory_space<vmem>>, vector<16xf32>,
      tpu.vector_store %arg9[%swap3A_432, %swap3A_433], %add3A_431 {strides = array<i32>} : memref<32x1024xf32, #tpu.memory_space<vmem>>, vector<16xf32>,
      %get3A_435 = arith.index_cast %scan3A_122 : i32 to index
      %get3A_436 = arith.constant 416 : index
      %get3A_437 = tpu.vector_load %arg9[%get3A_435, %get3A_436] {strides = array<i32>} : memref<32x1024xf32, #tpu.memory_space<vmem>>, vector<16xf32>,
      %mul3A_438 = arith.mulf %get3A_437, %bitcast3A : vector<16xf32>
      %get3A_439 = arith.index_cast %scan3A_122 : i32 to index
      %get3A_440 = arith.constant 416 : index
      %get3A_441 = tpu.vector_load %arg10[%get3A_439, %get3A_440] {strides = array<i32>} : memref<32x1024xf32, #tpu.memory_space<vmem>>, vector<16xf32>,
      %mul3A_442 = arith.mulf %get3A_441, %bitcast3A_124 : vector<16xf32>
      %add3A_443 = arith.addf %mul3A_438, %mul3A_442 : vector<16xf32>
      %swap3A_444 = arith.index_cast %scan3A_122 : i32 to index
      %swap3A_445 = arith.constant 416 : index
      %swap3A_446 = tpu.vector_load %arg9[%swap3A_444, %swap3A_445] {strides = array<i32>} : memref<32x1024xf32, #tpu.memory_space<vmem>>, vector<16xf32>,
      tpu.vector_store %arg9[%swap3A_444, %swap3A_445], %add3A_443 {strides = array<i32>} : memref<32x1024xf32, #tpu.memory_space<vmem>>, vector<16xf32>,
      %get3A_447 = arith.index_cast %scan3A_122 : i32 to index
      %get3A_448 = arith.constant 432 : index
      %get3A_449 = tpu.vector_load %arg9[%get3A_447, %get3A_448] {strides = array<i32>} : memref<32x1024xf32, #tpu.memory_space<vmem>>, vector<16xf32>,
      %mul3A_450 = arith.mulf %get3A_449, %bitcast3A : vector<16xf32>
      %get3A_451 = arith.index_cast %scan3A_122 : i32 to index
      %get3A_452 = arith.constant 432 : index
      %get3A_453 = tpu.vector_load %arg10[%get3A_451, %get3A_452] {strides = array<i32>} : memref<32x1024xf32, #tpu.memory_space<vmem>>, vector<16xf32>,
      %mul3A_454 = arith.mulf %get3A_453, %bitcast3A_124 : vector<16xf32>
      %add3A_455 = arith.addf %mul3A_450, %mul3A_454 : vector<16xf32>
      %swap3A_456 = arith.index_cast %scan3A_122 : i32 to index
      %swap3A_457 = arith.constant 432 : index
      %swap3A_458 = tpu.vector_load %arg9[%swap3A_456, %swap3A_457] {strides = array<i32>} : memref<32x1024xf32, #tpu.memory_space<vmem>>, vector<16xf32>,
      tpu.vector_store %arg9[%swap3A_456, %swap3A_457], %add3A_455 {strides = array<i32>} : memref<32x1024xf32, #tpu.memory_space<vmem>>, vector<16xf32>,
      %get3A_459 = arith.index_cast %scan3A_122 : i32 to index
      %get3A_460 = arith.constant 448 : index
      %get3A_461 = tpu.vector_load %arg9[%get3A_459, %get3A_460] {strides = array<i32>} : memref<32x1024xf32, #tpu.memory_space<vmem>>, vector<16xf32>,
      %mul3A_462 = arith.mulf %get3A_461, %bitcast3A : vector<16xf32>
      %get3A_463 = arith.index_cast %scan3A_122 : i32 to index
      %get3A_464 = arith.constant 448 : index
      %get3A_465 = tpu.vector_load %arg10[%get3A_463, %get3A_464] {strides = array<i32>} : memref<32x1024xf32, #tpu.memory_space<vmem>>, vector<16xf32>,
      %mul3A_466 = arith.mulf %get3A_465, %bitcast3A_124 : vector<16xf32>
      %add3A_467 = arith.addf %mul3A_462, %mul3A_466 : vector<16xf32>
      %swap3A_468 = arith.index_cast %scan3A_122 : i32 to index
      %swap3A_469 = arith.constant 448 : index
      %swap3A_470 = tpu.vector_load %arg9[%swap3A_468, %swap3A_469] {strides = array<i32>} : memref<32x1024xf32, #tpu.memory_space<vmem>>, vector<16xf32>,
      tpu.vector_store %arg9[%swap3A_468, %swap3A_469], %add3A_467 {strides = array<i32>} : memref<32x1024xf32, #tpu.memory_space<vmem>>, vector<16xf32>,
      %get3A_471 = arith.index_cast %scan3A_122 : i32 to index
      %get3A_472 = arith.constant 464 : index
      %get3A_473 = tpu.vector_load %arg9[%get3A_471, %get3A_472] {strides = array<i32>} : memref<32x1024xf32, #tpu.memory_space<vmem>>, vector<16xf32>,
      %mul3A_474 = arith.mulf %get3A_473, %bitcast3A : vector<16xf32>
      %get3A_475 = arith.index_cast %scan3A_122 : i32 to index
      %get3A_476 = arith.constant 464 : index
      %get3A_477 = tpu.vector_load %arg10[%get3A_475, %get3A_476] {strides = array<i32>} : memref<32x1024xf32, #tpu.memory_space<vmem>>, vector<16xf32>,
      %mul3A_478 = arith.mulf %get3A_477, %bitcast3A_124 : vector<16xf32>
      %add3A_479 = arith.addf %mul3A_474, %mul3A_478 : vector<16xf32>
      %swap3A_480 = arith.index_cast %scan3A_122 : i32 to index
      %swap3A_481 = arith.constant 464 : index
      %swap3A_482 = tpu.vector_load %arg9[%swap3A_480, %swap3A_481] {strides = array<i32>} : memref<32x1024xf32, #tpu.memory_space<vmem>>, vector<16xf32>,
      tpu.vector_store %arg9[%swap3A_480, %swap3A_481], %add3A_479 {strides = array<i32>} : memref<32x1024xf32, #tpu.memory_space<vmem>>, vector<16xf32>,
      %get3A_483 = arith.index_cast %scan3A_122 : i32 to index
      %get3A_484 = arith.constant 480 : index
      %get3A_485 = tpu.vector_load %arg9[%get3A_483, %get3A_484] {strides = array<i32>} : memref<32x1024xf32, #tpu.memory_space<vmem>>, vector<16xf32>,
      %mul3A_486 = arith.mulf %get3A_485, %bitcast3A : vector<16xf32>
      %get3A_487 = arith.index_cast %scan3A_122 : i32 to index
      %get3A_488 = arith.constant 480 : index
      %get3A_489 = tpu.vector_load %arg10[%get3A_487, %get3A_488] {strides = array<i32>} : memref<32x1024xf32, #tpu.memory_space<vmem>>, vector<16xf32>,
      %mul3A_490 = arith.mulf %get3A_489, %bitcast3A_124 : vector<16xf32>
      %add3A_491 = arith.addf %mul3A_486, %mul3A_490 : vector<16xf32>
      %swap3A_492 = arith.index_cast %scan3A_122 : i32 to index
      %swap3A_493 = arith.constant 480 : index
      %swap3A_494 = tpu.vector_load %arg9[%swap3A_492, %swap3A_493] {strides = array<i32>} : memref<32x1024xf32, #tpu.memory_space<vmem>>, vector<16xf32>,
      tpu.vector_store %arg9[%swap3A_492, %swap3A_493], %add3A_491 {strides = array<i32>} : memref<32x1024xf32, #tpu.memory_space<vmem>>, vector<16xf32>,
      %get3A_495 = arith.index_cast %scan3A_122 : i32 to index
      %get3A_496 = arith.constant 496 : index
      %get3A_497 = tpu.vector_load %arg9[%get3A_495, %get3A_496] {strides = array<i32>} : memref<32x1024xf32, #tpu.memory_space<vmem>>, vector<16xf32>,
      %mul3A_498 = arith.mulf %get3A_497, %bitcast3A : vector<16xf32>
      %get3A_499 = arith.index_cast %scan3A_122 : i32 to index
      %get3A_500 = arith.constant 496 : index
      %get3A_501 = tpu.vector_load %arg10[%get3A_499, %get3A_500] {strides = array<i32>} : memref<32x1024xf32, #tpu.memory_space<vmem>>, vector<16xf32>,
      %mul3A_502 = arith.mulf %get3A_501, %bitcast3A_124 : vector<16xf32>
      %add3A_503 = arith.addf %mul3A_498, %mul3A_502 : vector<16xf32>
      %swap3A_504 = arith.index_cast %scan3A_122 : i32 to index
      %swap3A_505 = arith.constant 496 : index
      %swap3A_506 = tpu.vector_load %arg9[%swap3A_504, %swap3A_505] {strides = array<i32>} : memref<32x1024xf32, #tpu.memory_space<vmem>>, vector<16xf32>,
      tpu.vector_store %arg9[%swap3A_504, %swap3A_505], %add3A_503 {strides = array<i32>} : memref<32x1024xf32, #tpu.memory_space<vmem>>, vector<16xf32>,
      %get3A_507 = arith.index_cast %scan3A_122 : i32 to index
      %get3A_508 = arith.constant 512 : index
      %get3A_509 = tpu.vector_load %arg9[%get3A_507, %get3A_508] {strides = array<i32>} : memref<32x1024xf32, #tpu.memory_space<vmem>>, vector<16xf32>,
      %mul3A_510 = arith.mulf %get3A_509, %bitcast3A : vector<16xf32>
      %get3A_511 = arith.index_cast %scan3A_122 : i32 to index
      %get3A_512 = arith.constant 512 : index
      %get3A_513 = tpu.vector_load %arg10[%get3A_511, %get3A_512] {strides = array<i32>} : memref<32x1024xf32, #tpu.memory_space<vmem>>, vector<16xf32>,
      %mul3A_514 = arith.mulf %get3A_513, %bitcast3A_124 : vector<16xf32>
      %add3A_515 = arith.addf %mul3A_510, %mul3A_514 : vector<16xf32>
      %swap3A_516 = arith.index_cast %scan3A_122 : i32 to index
      %swap3A_517 = arith.constant 512 : index
      %swap3A_518 = tpu.vector_load %arg9[%swap3A_516, %swap3A_517] {strides = array<i32>} : memref<32x1024xf32, #tpu.memory_space<vmem>>, vector<16xf32>,
      tpu.vector_store %arg9[%swap3A_516, %swap3A_517], %add3A_515 {strides = array<i32>} : memref<32x1024xf32, #tpu.memory_space<vmem>>, vector<16xf32>,
      %get3A_519 = arith.index_cast %scan3A_122 : i32 to index
      %get3A_520 = arith.constant 528 : index
      %get3A_521 = tpu.vector_load %arg9[%get3A_519, %get3A_520] {strides = array<i32>} : memref<32x1024xf32, #tpu.memory_space<vmem>>, vector<16xf32>,
      %mul3A_522 = arith.mulf %get3A_521, %bitcast3A : vector<16xf32>
      %get3A_523 = arith.index_cast %scan3A_122 : i32 to index
      %get3A_524 = arith.constant 528 : index
      %get3A_525 = tpu.vector_load %arg10[%get3A_523, %get3A_524] {strides = array<i32>} : memref<32x1024xf32, #tpu.memory_space<vmem>>, vector<16xf32>,
      %mul3A_526 = arith.mulf %get3A_525, %bitcast3A_124 : vector<16xf32>
      %add3A_527 = arith.addf %mul3A_522, %mul3A_526 : vector<16xf32>
      %swap3A_528 = arith.index_cast %scan3A_122 : i32 to index
      %swap3A_529 = arith.constant 528 : index
      %swap3A_530 = tpu.vector_load %arg9[%swap3A_528, %swap3A_529] {strides = array<i32>} : memref<32x1024xf32, #tpu.memory_space<vmem>>, vector<16xf32>,
      tpu.vector_store %arg9[%swap3A_528, %swap3A_529], %add3A_527 {strides = array<i32>} : memref<32x1024xf32, #tpu.memory_space<vmem>>, vector<16xf32>,
      %get3A_531 = arith.index_cast %scan3A_122 : i32 to index
      %get3A_532 = arith.constant 544 : index
      %get3A_533 = tpu.vector_load %arg9[%get3A_531, %get3A_532] {strides = array<i32>} : memref<32x1024xf32, #tpu.memory_space<vmem>>, vector<16xf32>,
      %mul3A_534 = arith.mulf %get3A_533, %bitcast3A : vector<16xf32>
      %get3A_535 = arith.index_cast %scan3A_122 : i32 to index
      %get3A_536 = arith.constant 544 : index
      %get3A_537 = tpu.vector_load %arg10[%get3A_535, %get3A_536] {strides = array<i32>} : memref<32x1024xf32, #tpu.memory_space<vmem>>, vector<16xf32>,
      %mul3A_538 = arith.mulf %get3A_537, %bitcast3A_124 : vector<16xf32>
      %add3A_539 = arith.addf %mul3A_534, %mul3A_538 : vector<16xf32>
      %swap3A_540 = arith.index_cast %scan3A_122 : i32 to index
      %swap3A_541 = arith.constant 544 : index
      %swap3A_542 = tpu.vector_load %arg9[%swap3A_540, %swap3A_541] {strides = array<i32>} : memref<32x1024xf32, #tpu.memory_space<vmem>>, vector<16xf32>,
      tpu.vector_store %arg9[%swap3A_540, %swap3A_541], %add3A_539 {strides = array<i32>} : memref<32x1024xf32, #tpu.memory_space<vmem>>, vector<16xf32>,
      %get3A_543 = arith.index_cast %scan3A_122 : i32 to index
      %get3A_544 = arith.constant 560 : index
      %get3A_545 = tpu.vector_load %arg9[%get3A_543, %get3A_544] {strides = array<i32>} : memref<32x1024xf32, #tpu.memory_space<vmem>>, vector<16xf32>,
      %mul3A_546 = arith.mulf %get3A_545, %bitcast3A : vector<16xf32>
      %get3A_547 = arith.index_cast %scan3A_122 : i32 to index
      %get3A_548 = arith.constant 560 : index
      %get3A_549 = tpu.vector_load %arg10[%get3A_547, %get3A_548] {strides = array<i32>} : memref<32x1024xf32, #tpu.memory_space<vmem>>, vector<16xf32>,
      %mul3A_550 = arith.mulf %get3A_549, %bitcast3A_124 : vector<16xf32>
      %add3A_551 = arith.addf %mul3A_546, %mul3A_550 : vector<16xf32>
      %swap3A_552 = arith.index_cast %scan3A_122 : i32 to index
      %swap3A_553 = arith.constant 560 : index
      %swap3A_554 = tpu.vector_load %arg9[%swap3A_552, %swap3A_553] {strides = array<i32>} : memref<32x1024xf32, #tpu.memory_space<vmem>>, vector<16xf32>,
      tpu.vector_store %arg9[%swap3A_552, %swap3A_553], %add3A_551 {strides = array<i32>} : memref<32x1024xf32, #tpu.memory_space<vmem>>, vector<16xf32>,
      %get3A_555 = arith.index_cast %scan3A_122 : i32 to index
      %get3A_556 = arith.constant 576 : index
      %get3A_557 = tpu.vector_load %arg9[%get3A_555, %get3A_556] {strides = array<i32>} : memref<32x1024xf32, #tpu.memory_space<vmem>>, vector<16xf32>,
      %mul3A_558 = arith.mulf %get3A_557, %bitcast3A : vector<16xf32>
      %get3A_559 = arith.index_cast %scan3A_122 : i32 to index
      %get3A_560 = arith.constant 576 : index
      %get3A_561 = tpu.vector_load %arg10[%get3A_559, %get3A_560] {strides = array<i32>} : memref<32x1024xf32, #tpu.memory_space<vmem>>, vector<16xf32>,
      %mul3A_562 = arith.mulf %get3A_561, %bitcast3A_124 : vector<16xf32>
      %add3A_563 = arith.addf %mul3A_558, %mul3A_562 : vector<16xf32>
      %swap3A_564 = arith.index_cast %scan3A_122 : i32 to index
      %swap3A_565 = arith.constant 576 : index
      %swap3A_566 = tpu.vector_load %arg9[%swap3A_564, %swap3A_565] {strides = array<i32>} : memref<32x1024xf32, #tpu.memory_space<vmem>>, vector<16xf32>,
      tpu.vector_store %arg9[%swap3A_564, %swap3A_565], %add3A_563 {strides = array<i32>} : memref<32x1024xf32, #tpu.memory_space<vmem>>, vector<16xf32>,
      %get3A_567 = arith.index_cast %scan3A_122 : i32 to index
      %get3A_568 = arith.constant 592 : index
      %get3A_569 = tpu.vector_load %arg9[%get3A_567, %get3A_568] {strides = array<i32>} : memref<32x1024xf32, #tpu.memory_space<vmem>>, vector<16xf32>,
      %mul3A_570 = arith.mulf %get3A_569, %bitcast3A : vector<16xf32>
      %get3A_571 = arith.index_cast %scan3A_122 : i32 to index
      %get3A_572 = arith.constant 592 : index
      %get3A_573 = tpu.vector_load %arg10[%get3A_571, %get3A_572] {strides = array<i32>} : memref<32x1024xf32, #tpu.memory_space<vmem>>, vector<16xf32>,
      %mul3A_574 = arith.mulf %get3A_573, %bitcast3A_124 : vector<16xf32>
      %add3A_575 = arith.addf %mul3A_570, %mul3A_574 : vector<16xf32>
      %swap3A_576 = arith.index_cast %scan3A_122 : i32 to index
      %swap3A_577 = arith.constant 592 : index
      %swap3A_578 = tpu.vector_load %arg9[%swap3A_576, %swap3A_577] {strides = array<i32>} : memref<32x1024xf32, #tpu.memory_space<vmem>>, vector<16xf32>,
      tpu.vector_store %arg9[%swap3A_576, %swap3A_577], %add3A_575 {strides = array<i32>} : memref<32x1024xf32, #tpu.memory_space<vmem>>, vector<16xf32>,
      %get3A_579 = arith.index_cast %scan3A_122 : i32 to index
      %get3A_580 = arith.constant 608 : index
      %get3A_581 = tpu.vector_load %arg9[%get3A_579, %get3A_580] {strides = array<i32>} : memref<32x1024xf32, #tpu.memory_space<vmem>>, vector<16xf32>,
      %mul3A_582 = arith.mulf %get3A_581, %bitcast3A : vector<16xf32>
      %get3A_583 = arith.index_cast %scan3A_122 : i32 to index
      %get3A_584 = arith.constant 608 : index
      %get3A_585 = tpu.vector_load %arg10[%get3A_583, %get3A_584] {strides = array<i32>} : memref<32x1024xf32, #tpu.memory_space<vmem>>, vector<16xf32>,
      %mul3A_586 = arith.mulf %get3A_585, %bitcast3A_124 : vector<16xf32>
      %add3A_587 = arith.addf %mul3A_582, %mul3A_586 : vector<16xf32>
      %swap3A_588 = arith.index_cast %scan3A_122 : i32 to index
      %swap3A_589 = arith.constant 608 : index
      %swap3A_590 = tpu.vector_load %arg9[%swap3A_588, %swap3A_589] {strides = array<i32>} : memref<32x1024xf32, #tpu.memory_space<vmem>>, vector<16xf32>,
      tpu.vector_store %arg9[%swap3A_588, %swap3A_589], %add3A_587 {strides = array<i32>} : memref<32x1024xf32, #tpu.memory_space<vmem>>, vector<16xf32>,
      %get3A_591 = arith.index_cast %scan3A_122 : i32 to index
      %get3A_592 = arith.constant 624 : index
      %get3A_593 = tpu.vector_load %arg9[%get3A_591, %get3A_592] {strides = array<i32>} : memref<32x1024xf32, #tpu.memory_space<vmem>>, vector<16xf32>,
      %mul3A_594 = arith.mulf %get3A_593, %bitcast3A : vector<16xf32>
      %get3A_595 = arith.index_cast %scan3A_122 : i32 to index
      %get3A_596 = arith.constant 624 : index
      %get3A_597 = tpu.vector_load %arg10[%get3A_595, %get3A_596] {strides = array<i32>} : memref<32x1024xf32, #tpu.memory_space<vmem>>, vector<16xf32>,
      %mul3A_598 = arith.mulf %get3A_597, %bitcast3A_124 : vector<16xf32>
      %add3A_599 = arith.addf %mul3A_594, %mul3A_598 : vector<16xf32>
      %swap3A_600 = arith.index_cast %scan3A_122 : i32 to index
      %swap3A_601 = arith.constant 624 : index
      %swap3A_602 = tpu.vector_load %arg9[%swap3A_600, %swap3A_601] {strides = array<i32>} : memref<32x1024xf32, #tpu.memory_space<vmem>>, vector<16xf32>,
      tpu.vector_store %arg9[%swap3A_600, %swap3A_601], %add3A_599 {strides = array<i32>} : memref<32x1024xf32, #tpu.memory_space<vmem>>, vector<16xf32>,
      %get3A_603 = arith.index_cast %scan3A_122 : i32 to index
      %get3A_604 = arith.constant 640 : index
      %get3A_605 = tpu.vector_load %arg9[%get3A_603, %get3A_604] {strides = array<i32>} : memref<32x1024xf32, #tpu.memory_space<vmem>>, vector<16xf32>,
      %mul3A_606 = arith.mulf %get3A_605, %bitcast3A : vector<16xf32>
      %get3A_607 = arith.index_cast %scan3A_122 : i32 to index
      %get3A_608 = arith.constant 640 : index
      %get3A_609 = tpu.vector_load %arg10[%get3A_607, %get3A_608] {strides = array<i32>} : memref<32x1024xf32, #tpu.memory_space<vmem>>, vector<16xf32>,
      %mul3A_610 = arith.mulf %get3A_609, %bitcast3A_124 : vector<16xf32>
      %add3A_611 = arith.addf %mul3A_606, %mul3A_610 : vector<16xf32>
      %swap3A_612 = arith.index_cast %scan3A_122 : i32 to index
      %swap3A_613 = arith.constant 640 : index
      %swap3A_614 = tpu.vector_load %arg9[%swap3A_612, %swap3A_613] {strides = array<i32>} : memref<32x1024xf32, #tpu.memory_space<vmem>>, vector<16xf32>,
      tpu.vector_store %arg9[%swap3A_612, %swap3A_613], %add3A_611 {strides = array<i32>} : memref<32x1024xf32, #tpu.memory_space<vmem>>, vector<16xf32>,
      %get3A_615 = arith.index_cast %scan3A_122 : i32 to index
      %get3A_616 = arith.constant 656 : index
      %get3A_617 = tpu.vector_load %arg9[%get3A_615, %get3A_616] {strides = array<i32>} : memref<32x1024xf32, #tpu.memory_space<vmem>>, vector<16xf32>,
      %mul3A_618 = arith.mulf %get3A_617, %bitcast3A : vector<16xf32>
      %get3A_619 = arith.index_cast %scan3A_122 : i32 to index
      %get3A_620 = arith.constant 656 : index
      %get3A_621 = tpu.vector_load %arg10[%get3A_619, %get3A_620] {strides = array<i32>} : memref<32x1024xf32, #tpu.memory_space<vmem>>, vector<16xf32>,
      %mul3A_622 = arith.mulf %get3A_621, %bitcast3A_124 : vector<16xf32>
      %add3A_623 = arith.addf %mul3A_618, %mul3A_622 : vector<16xf32>
      %swap3A_624 = arith.index_cast %scan3A_122 : i32 to index
      %swap3A_625 = arith.constant 656 : index
      %swap3A_626 = tpu.vector_load %arg9[%swap3A_624, %swap3A_625] {strides = array<i32>} : memref<32x1024xf32, #tpu.memory_space<vmem>>, vector<16xf32>,
      tpu.vector_store %arg9[%swap3A_624, %swap3A_625], %add3A_623 {strides = array<i32>} : memref<32x1024xf32, #tpu.memory_space<vmem>>, vector<16xf32>,
      %get3A_627 = arith.index_cast %scan3A_122 : i32 to index
      %get3A_628 = arith.constant 672 : index
      %get3A_629 = tpu.vector_load %arg9[%get3A_627, %get3A_628] {strides = array<i32>} : memref<32x1024xf32, #tpu.memory_space<vmem>>, vector<16xf32>,
      %mul3A_630 = arith.mulf %get3A_629, %bitcast3A : vector<16xf32>
      %get3A_631 = arith.index_cast %scan3A_122 : i32 to index
      %get3A_632 = arith.constant 672 : index
      %get3A_633 = tpu.vector_load %arg10[%get3A_631, %get3A_632] {strides = array<i32>} : memref<32x1024xf32, #tpu.memory_space<vmem>>, vector<16xf32>,
      %mul3A_634 = arith.mulf %get3A_633, %bitcast3A_124 : vector<16xf32>
      %add3A_635 = arith.addf %mul3A_630, %mul3A_634 : vector<16xf32>
      %swap3A_636 = arith.index_cast %scan3A_122 : i32 to index
      %swap3A_637 = arith.constant 672 : index
      %swap3A_638 = tpu.vector_load %arg9[%swap3A_636, %swap3A_637] {strides = array<i32>} : memref<32x1024xf32, #tpu.memory_space<vmem>>, vector<16xf32>,
      tpu.vector_store %arg9[%swap3A_636, %swap3A_637], %add3A_635 {strides = array<i32>} : memref<32x1024xf32, #tpu.memory_space<vmem>>, vector<16xf32>,
      %get3A_639 = arith.index_cast %scan3A_122 : i32 to index
      %get3A_640 = arith.constant 688 : index
      %get3A_641 = tpu.vector_load %arg9[%get3A_639, %get3A_640] {strides = array<i32>} : memref<32x1024xf32, #tpu.memory_space<vmem>>, vector<16xf32>,
      %mul3A_642 = arith.mulf %get3A_641, %bitcast3A : vector<16xf32>
      %get3A_643 = arith.index_cast %scan3A_122 : i32 to index
      %get3A_644 = arith.constant 688 : index
      %get3A_645 = tpu.vector_load %arg10[%get3A_643, %get3A_644] {strides = array<i32>} : memref<32x1024xf32, #tpu.memory_space<vmem>>, vector<16xf32>,
      %mul3A_646 = arith.mulf %get3A_645, %bitcast3A_124 : vector<16xf32>
      %add3A_647 = arith.addf %mul3A_642, %mul3A_646 : vector<16xf32>
      %swap3A_648 = arith.index_cast %scan3A_122 : i32 to index
      %swap3A_649 = arith.constant 688 : index
      %swap3A_650 = tpu.vector_load %arg9[%swap3A_648, %swap3A_649] {strides = array<i32>} : memref<32x1024xf32, #tpu.memory_space<vmem>>, vector<16xf32>,
      tpu.vector_store %arg9[%swap3A_648, %swap3A_649], %add3A_647 {strides = array<i32>} : memref<32x1024xf32, #tpu.memory_space<vmem>>, vector<16xf32>,
      %get3A_651 = arith.index_cast %scan3A_122 : i32 to index
      %get3A_652 = arith.constant 704 : index
      %get3A_653 = tpu.vector_load %arg9[%get3A_651, %get3A_652] {strides = array<i32>} : memref<32x1024xf32, #tpu.memory_space<vmem>>, vector<16xf32>,
      %mul3A_654 = arith.mulf %get3A_653, %bitcast3A : vector<16xf32>
      %get3A_655 = arith.index_cast %scan3A_122 : i32 to index
      %get3A_656 = arith.constant 704 : index
      %get3A_657 = tpu.vector_load %arg10[%get3A_655, %get3A_656] {strides = array<i32>} : memref<32x1024xf32, #tpu.memory_space<vmem>>, vector<16xf32>,
      %mul3A_658 = arith.mulf %get3A_657, %bitcast3A_124 : vector<16xf32>
      %add3A_659 = arith.addf %mul3A_654, %mul3A_658 : vector<16xf32>
      %swap3A_660 = arith.index_cast %scan3A_122 : i32 to index
      %swap3A_661 = arith.constant 704 : index
      %swap3A_662 = tpu.vector_load %arg9[%swap3A_660, %swap3A_661] {strides = array<i32>} : memref<32x1024xf32, #tpu.memory_space<vmem>>, vector<16xf32>,
      tpu.vector_store %arg9[%swap3A_660, %swap3A_661], %add3A_659 {strides = array<i32>} : memref<32x1024xf32, #tpu.memory_space<vmem>>, vector<16xf32>,
      %get3A_663 = arith.index_cast %scan3A_122 : i32 to index
      %get3A_664 = arith.constant 720 : index
      %get3A_665 = tpu.vector_load %arg9[%get3A_663, %get3A_664] {strides = array<i32>} : memref<32x1024xf32, #tpu.memory_space<vmem>>, vector<16xf32>,
      %mul3A_666 = arith.mulf %get3A_665, %bitcast3A : vector<16xf32>
      %get3A_667 = arith.index_cast %scan3A_122 : i32 to index
      %get3A_668 = arith.constant 720 : index
      %get3A_669 = tpu.vector_load %arg10[%get3A_667, %get3A_668] {strides = array<i32>} : memref<32x1024xf32, #tpu.memory_space<vmem>>, vector<16xf32>,
      %mul3A_670 = arith.mulf %get3A_669, %bitcast3A_124 : vector<16xf32>
      %add3A_671 = arith.addf %mul3A_666, %mul3A_670 : vector<16xf32>
      %swap3A_672 = arith.index_cast %scan3A_122 : i32 to index
      %swap3A_673 = arith.constant 720 : index
      %swap3A_674 = tpu.vector_load %arg9[%swap3A_672, %swap3A_673] {strides = array<i32>} : memref<32x1024xf32, #tpu.memory_space<vmem>>, vector<16xf32>,
      tpu.vector_store %arg9[%swap3A_672, %swap3A_673], %add3A_671 {strides = array<i32>} : memref<32x1024xf32, #tpu.memory_space<vmem>>, vector<16xf32>,
      %get3A_675 = arith.index_cast %scan3A_122 : i32 to index
      %get3A_676 = arith.constant 736 : index
      %get3A_677 = tpu.vector_load %arg9[%get3A_675, %get3A_676] {strides = array<i32>} : memref<32x1024xf32, #tpu.memory_space<vmem>>, vector<16xf32>,
      %mul3A_678 = arith.mulf %get3A_677, %bitcast3A : vector<16xf32>
      %get3A_679 = arith.index_cast %scan3A_122 : i32 to index
      %get3A_680 = arith.constant 736 : index
      %get3A_681 = tpu.vector_load %arg10[%get3A_679, %get3A_680] {strides = array<i32>} : memref<32x1024xf32, #tpu.memory_space<vmem>>, vector<16xf32>,
      %mul3A_682 = arith.mulf %get3A_681, %bitcast3A_124 : vector<16xf32>
      %add3A_683 = arith.addf %mul3A_678, %mul3A_682 : vector<16xf32>
      %swap3A_684 = arith.index_cast %scan3A_122 : i32 to index
      %swap3A_685 = arith.constant 736 : index
      %swap3A_686 = tpu.vector_load %arg9[%swap3A_684, %swap3A_685] {strides = array<i32>} : memref<32x1024xf32, #tpu.memory_space<vmem>>, vector<16xf32>,
      tpu.vector_store %arg9[%swap3A_684, %swap3A_685], %add3A_683 {strides = array<i32>} : memref<32x1024xf32, #tpu.memory_space<vmem>>, vector<16xf32>,
      %get3A_687 = arith.index_cast %scan3A_122 : i32 to index
      %get3A_688 = arith.constant 752 : index
      %get3A_689 = tpu.vector_load %arg9[%get3A_687, %get3A_688] {strides = array<i32>} : memref<32x1024xf32, #tpu.memory_space<vmem>>, vector<16xf32>,
      %mul3A_690 = arith.mulf %get3A_689, %bitcast3A : vector<16xf32>
      %get3A_691 = arith.index_cast %scan3A_122 : i32 to index
      %get3A_692 = arith.constant 752 : index
      %get3A_693 = tpu.vector_load %arg10[%get3A_691, %get3A_692] {strides = array<i32>} : memref<32x1024xf32, #tpu.memory_space<vmem>>, vector<16xf32>,
      %mul3A_694 = arith.mulf %get3A_693, %bitcast3A_124 : vector<16xf32>
      %add3A_695 = arith.addf %mul3A_690, %mul3A_694 : vector<16xf32>
      %swap3A_696 = arith.index_cast %scan3A_122 : i32 to index
      %swap3A_697 = arith.constant 752 : index
      %swap3A_698 = tpu.vector_load %arg9[%swap3A_696, %swap3A_697] {strides = array<i32>} : memref<32x1024xf32, #tpu.memory_space<vmem>>, vector<16xf32>,
      tpu.vector_store %arg9[%swap3A_696, %swap3A_697], %add3A_695 {strides = array<i32>} : memref<32x1024xf32, #tpu.memory_space<vmem>>, vector<16xf32>,
      %get3A_699 = arith.index_cast %scan3A_122 : i32 to index
      %get3A_700 = arith.constant 768 : index
      %get3A_701 = tpu.vector_load %arg9[%get3A_699, %get3A_700] {strides = array<i32>} : memref<32x1024xf32, #tpu.memory_space<vmem>>, vector<16xf32>,
      %mul3A_702 = arith.mulf %get3A_701, %bitcast3A : vector<16xf32>
      %get3A_703 = arith.index_cast %scan3A_122 : i32 to index
      %get3A_704 = arith.constant 768 : index
      %get3A_705 = tpu.vector_load %arg10[%get3A_703, %get3A_704] {strides = array<i32>} : memref<32x1024xf32, #tpu.memory_space<vmem>>, vector<16xf32>,
      %mul3A_706 = arith.mulf %get3A_705, %bitcast3A_124 : vector<16xf32>
      %add3A_707 = arith.addf %mul3A_702, %mul3A_706 : vector<16xf32>
      %swap3A_708 = arith.index_cast %scan3A_122 : i32 to index
      %swap3A_709 = arith.constant 768 : index
      %swap3A_710 = tpu.vector_load %arg9[%swap3A_708, %swap3A_709] {strides = array<i32>} : memref<32x1024xf32, #tpu.memory_space<vmem>>, vector<16xf32>,
      tpu.vector_store %arg9[%swap3A_708, %swap3A_709], %add3A_707 {strides = array<i32>} : memref<32x1024xf32, #tpu.memory_space<vmem>>, vector<16xf32>,
      %get3A_711 = arith.index_cast %scan3A_122 : i32 to index
      %get3A_712 = arith.constant 784 : index
      %get3A_713 = tpu.vector_load %arg9[%get3A_711, %get3A_712] {strides = array<i32>} : memref<32x1024xf32, #tpu.memory_space<vmem>>, vector<16xf32>,
      %mul3A_714 = arith.mulf %get3A_713, %bitcast3A : vector<16xf32>
      %get3A_715 = arith.index_cast %scan3A_122 : i32 to index
      %get3A_716 = arith.constant 784 : index
      %get3A_717 = tpu.vector_load %arg10[%get3A_715, %get3A_716] {strides = array<i32>} : memref<32x1024xf32, #tpu.memory_space<vmem>>, vector<16xf32>,
      %mul3A_718 = arith.mulf %get3A_717, %bitcast3A_124 : vector<16xf32>
      %add3A_719 = arith.addf %mul3A_714, %mul3A_718 : vector<16xf32>
      %swap3A_720 = arith.index_cast %scan3A_122 : i32 to index
      %swap3A_721 = arith.constant 784 : index
      %swap3A_722 = tpu.vector_load %arg9[%swap3A_720, %swap3A_721] {strides = array<i32>} : memref<32x1024xf32, #tpu.memory_space<vmem>>, vector<16xf32>,
      tpu.vector_store %arg9[%swap3A_720, %swap3A_721], %add3A_719 {strides = array<i32>} : memref<32x1024xf32, #tpu.memory_space<vmem>>, vector<16xf32>,
      %get3A_723 = arith.index_cast %scan3A_122 : i32 to index
      %get3A_724 = arith.constant 800 : index
      %get3A_725 = tpu.vector_load %arg9[%get3A_723, %get3A_724] {strides = array<i32>} : memref<32x1024xf32, #tpu.memory_space<vmem>>, vector<16xf32>,
      %mul3A_726 = arith.mulf %get3A_725, %bitcast3A : vector<16xf32>
      %get3A_727 = arith.index_cast %scan3A_122 : i32 to index
      %get3A_728 = arith.constant 800 : index
      %get3A_729 = tpu.vector_load %arg10[%get3A_727, %get3A_728] {strides = array<i32>} : memref<32x1024xf32, #tpu.memory_space<vmem>>, vector<16xf32>,
      %mul3A_730 = arith.mulf %get3A_729, %bitcast3A_124 : vector<16xf32>
      %add3A_731 = arith.addf %mul3A_726, %mul3A_730 : vector<16xf32>
      %swap3A_732 = arith.index_cast %scan3A_122 : i32 to index
      %swap3A_733 = arith.constant 800 : index
      %swap3A_734 = tpu.vector_load %arg9[%swap3A_732, %swap3A_733] {strides = array<i32>} : memref<32x1024xf32, #tpu.memory_space<vmem>>, vector<16xf32>,
      tpu.vector_store %arg9[%swap3A_732, %swap3A_733], %add3A_731 {strides = array<i32>} : memref<32x1024xf32, #tpu.memory_space<vmem>>, vector<16xf32>,
      %get3A_735 = arith.index_cast %scan3A_122 : i32 to index
      %get3A_736 = arith.constant 816 : index
      %get3A_737 = tpu.vector_load %arg9[%get3A_735, %get3A_736] {strides = array<i32>} : memref<32x1024xf32, #tpu.memory_space<vmem>>, vector<16xf32>,
      %mul3A_738 = arith.mulf %get3A_737, %bitcast3A : vector<16xf32>
      %get3A_739 = arith.index_cast %scan3A_122 : i32 to index
      %get3A_740 = arith.constant 816 : index
      %get3A_741 = tpu.vector_load %arg10[%get3A_739, %get3A_740] {strides = array<i32>} : memref<32x1024xf32, #tpu.memory_space<vmem>>, vector<16xf32>,
      %mul3A_742 = arith.mulf %get3A_741, %bitcast3A_124 : vector<16xf32>
      %add3A_743 = arith.addf %mul3A_738, %mul3A_742 : vector<16xf32>
      %swap3A_744 = arith.index_cast %scan3A_122 : i32 to index
      %swap3A_745 = arith.constant 816 : index
      %swap3A_746 = tpu.vector_load %arg9[%swap3A_744, %swap3A_745] {strides = array<i32>} : memref<32x1024xf32, #tpu.memory_space<vmem>>, vector<16xf32>,
      tpu.vector_store %arg9[%swap3A_744, %swap3A_745], %add3A_743 {strides = array<i32>} : memref<32x1024xf32, #tpu.memory_space<vmem>>, vector<16xf32>,
      %get3A_747 = arith.index_cast %scan3A_122 : i32 to index
      %get3A_748 = arith.constant 832 : index
      %get3A_749 = tpu.vector_load %arg9[%get3A_747, %get3A_748] {strides = array<i32>} : memref<32x1024xf32, #tpu.memory_space<vmem>>, vector<16xf32>,
      %mul3A_750 = arith.mulf %get3A_749, %bitcast3A : vector<16xf32>
      %get3A_751 = arith.index_cast %scan3A_122 : i32 to index
      %get3A_752 = arith.constant 832 : index
      %get3A_753 = tpu.vector_load %arg10[%get3A_751, %get3A_752] {strides = array<i32>} : memref<32x1024xf32, #tpu.memory_space<vmem>>, vector<16xf32>,
      %mul3A_754 = arith.mulf %get3A_753, %bitcast3A_124 : vector<16xf32>
      %add3A_755 = arith.addf %mul3A_750, %mul3A_754 : vector<16xf32>
      %swap3A_756 = arith.index_cast %scan3A_122 : i32 to index
      %swap3A_757 = arith.constant 832 : index
      %swap3A_758 = tpu.vector_load %arg9[%swap3A_756, %swap3A_757] {strides = array<i32>} : memref<32x1024xf32, #tpu.memory_space<vmem>>, vector<16xf32>,
      tpu.vector_store %arg9[%swap3A_756, %swap3A_757], %add3A_755 {strides = array<i32>} : memref<32x1024xf32, #tpu.memory_space<vmem>>, vector<16xf32>,
      %get3A_759 = arith.index_cast %scan3A_122 : i32 to index
      %get3A_760 = arith.constant 848 : index
      %get3A_761 = tpu.vector_load %arg9[%get3A_759, %get3A_760] {strides = array<i32>} : memref<32x1024xf32, #tpu.memory_space<vmem>>, vector<16xf32>,
      %mul3A_762 = arith.mulf %get3A_761, %bitcast3A : vector<16xf32>
      %get3A_763 = arith.index_cast %scan3A_122 : i32 to index
      %get3A_764 = arith.constant 848 : index
      %get3A_765 = tpu.vector_load %arg10[%get3A_763, %get3A_764] {strides = array<i32>} : memref<32x1024xf32, #tpu.memory_space<vmem>>, vector<16xf32>,
      %mul3A_766 = arith.mulf %get3A_765, %bitcast3A_124 : vector<16xf32>
      %add3A_767 = arith.addf %mul3A_762, %mul3A_766 : vector<16xf32>
      %swap3A_768 = arith.index_cast %scan3A_122 : i32 to index
      %swap3A_769 = arith.constant 848 : index
      %swap3A_770 = tpu.vector_load %arg9[%swap3A_768, %swap3A_769] {strides = array<i32>} : memref<32x1024xf32, #tpu.memory_space<vmem>>, vector<16xf32>,
      tpu.vector_store %arg9[%swap3A_768, %swap3A_769], %add3A_767 {strides = array<i32>} : memref<32x1024xf32, #tpu.memory_space<vmem>>, vector<16xf32>,
      %get3A_771 = arith.index_cast %scan3A_122 : i32 to index
      %get3A_772 = arith.constant 864 : index
      %get3A_773 = tpu.vector_load %arg9[%get3A_771, %get3A_772] {strides = array<i32>} : memref<32x1024xf32, #tpu.memory_space<vmem>>, vector<16xf32>,
      %mul3A_774 = arith.mulf %get3A_773, %bitcast3A : vector<16xf32>
      %get3A_775 = arith.index_cast %scan3A_122 : i32 to index
      %get3A_776 = arith.constant 864 : index
      %get3A_777 = tpu.vector_load %arg10[%get3A_775, %get3A_776] {strides = array<i32>} : memref<32x1024xf32, #tpu.memory_space<vmem>>, vector<16xf32>,
      %mul3A_778 = arith.mulf %get3A_777, %bitcast3A_124 : vector<16xf32>
      %add3A_779 = arith.addf %mul3A_774, %mul3A_778 : vector<16xf32>
      %swap3A_780 = arith.index_cast %scan3A_122 : i32 to index
      %swap3A_781 = arith.constant 864 : index
      %swap3A_782 = tpu.vector_load %arg9[%swap3A_780, %swap3A_781] {strides = array<i32>} : memref<32x1024xf32, #tpu.memory_space<vmem>>, vector<16xf32>,
      tpu.vector_store %arg9[%swap3A_780, %swap3A_781], %add3A_779 {strides = array<i32>} : memref<32x1024xf32, #tpu.memory_space<vmem>>, vector<16xf32>,
      %get3A_783 = arith.index_cast %scan3A_122 : i32 to index
      %get3A_784 = arith.constant 880 : index
      %get3A_785 = tpu.vector_load %arg9[%get3A_783, %get3A_784] {strides = array<i32>} : memref<32x1024xf32, #tpu.memory_space<vmem>>, vector<16xf32>,
      %mul3A_786 = arith.mulf %get3A_785, %bitcast3A : vector<16xf32>
      %get3A_787 = arith.index_cast %scan3A_122 : i32 to index
      %get3A_788 = arith.constant 880 : index
      %get3A_789 = tpu.vector_load %arg10[%get3A_787, %get3A_788] {strides = array<i32>} : memref<32x1024xf32, #tpu.memory_space<vmem>>, vector<16xf32>,
      %mul3A_790 = arith.mulf %get3A_789, %bitcast3A_124 : vector<16xf32>
      %add3A_791 = arith.addf %mul3A_786, %mul3A_790 : vector<16xf32>
      %swap3A_792 = arith.index_cast %scan3A_122 : i32 to index
      %swap3A_793 = arith.constant 880 : index
      %swap3A_794 = tpu.vector_load %arg9[%swap3A_792, %swap3A_793] {strides = array<i32>} : memref<32x1024xf32, #tpu.memory_space<vmem>>, vector<16xf32>,
      tpu.vector_store %arg9[%swap3A_792, %swap3A_793], %add3A_791 {strides = array<i32>} : memref<32x1024xf32, #tpu.memory_space<vmem>>, vector<16xf32>,
      %get3A_795 = arith.index_cast %scan3A_122 : i32 to index
      %get3A_796 = arith.constant 896 : index
      %get3A_797 = tpu.vector_load %arg9[%get3A_795, %get3A_796] {strides = array<i32>} : memref<32x1024xf32, #tpu.memory_space<vmem>>, vector<16xf32>,
      %mul3A_798 = arith.mulf %get3A_797, %bitcast3A : vector<16xf32>
      %get3A_799 = arith.index_cast %scan3A_122 : i32 to index
      %get3A_800 = arith.constant 896 : index
      %get3A_801 = tpu.vector_load %arg10[%get3A_799, %get3A_800] {strides = array<i32>} : memref<32x1024xf32, #tpu.memory_space<vmem>>, vector<16xf32>,
      %mul3A_802 = arith.mulf %get3A_801, %bitcast3A_124 : vector<16xf32>
      %add3A_803 = arith.addf %mul3A_798, %mul3A_802 : vector<16xf32>
      %swap3A_804 = arith.index_cast %scan3A_122 : i32 to index
      %swap3A_805 = arith.constant 896 : index
      %swap3A_806 = tpu.vector_load %arg9[%swap3A_804, %swap3A_805] {strides = array<i32>} : memref<32x1024xf32, #tpu.memory_space<vmem>>, vector<16xf32>,
      tpu.vector_store %arg9[%swap3A_804, %swap3A_805], %add3A_803 {strides = array<i32>} : memref<32x1024xf32, #tpu.memory_space<vmem>>, vector<16xf32>,
      %get3A_807 = arith.index_cast %scan3A_122 : i32 to index
      %get3A_808 = arith.constant 912 : index
      %get3A_809 = tpu.vector_load %arg9[%get3A_807, %get3A_808] {strides = array<i32>} : memref<32x1024xf32, #tpu.memory_space<vmem>>, vector<16xf32>,
      %mul3A_810 = arith.mulf %get3A_809, %bitcast3A : vector<16xf32>
      %get3A_811 = arith.index_cast %scan3A_122 : i32 to index
      %get3A_812 = arith.constant 912 : index
      %get3A_813 = tpu.vector_load %arg10[%get3A_811, %get3A_812] {strides = array<i32>} : memref<32x1024xf32, #tpu.memory_space<vmem>>, vector<16xf32>,
      %mul3A_814 = arith.mulf %get3A_813, %bitcast3A_124 : vector<16xf32>
      %add3A_815 = arith.addf %mul3A_810, %mul3A_814 : vector<16xf32>
      %swap3A_816 = arith.index_cast %scan3A_122 : i32 to index
      %swap3A_817 = arith.constant 912 : index
      %swap3A_818 = tpu.vector_load %arg9[%swap3A_816, %swap3A_817] {strides = array<i32>} : memref<32x1024xf32, #tpu.memory_space<vmem>>, vector<16xf32>,
      tpu.vector_store %arg9[%swap3A_816, %swap3A_817], %add3A_815 {strides = array<i32>} : memref<32x1024xf32, #tpu.memory_space<vmem>>, vector<16xf32>,
      %get3A_819 = arith.index_cast %scan3A_122 : i32 to index
      %get3A_820 = arith.constant 928 : index
      %get3A_821 = tpu.vector_load %arg9[%get3A_819, %get3A_820] {strides = array<i32>} : memref<32x1024xf32, #tpu.memory_space<vmem>>, vector<16xf32>,
      %mul3A_822 = arith.mulf %get3A_821, %bitcast3A : vector<16xf32>
      %get3A_823 = arith.index_cast %scan3A_122 : i32 to index
      %get3A_824 = arith.constant 928 : index
      %get3A_825 = tpu.vector_load %arg10[%get3A_823, %get3A_824] {strides = array<i32>} : memref<32x1024xf32, #tpu.memory_space<vmem>>, vector<16xf32>,
      %mul3A_826 = arith.mulf %get3A_825, %bitcast3A_124 : vector<16xf32>
      %add3A_827 = arith.addf %mul3A_822, %mul3A_826 : vector<16xf32>
      %swap3A_828 = arith.index_cast %scan3A_122 : i32 to index
      %swap3A_829 = arith.constant 928 : index
      %swap3A_830 = tpu.vector_load %arg9[%swap3A_828, %swap3A_829] {strides = array<i32>} : memref<32x1024xf32, #tpu.memory_space<vmem>>, vector<16xf32>,
      tpu.vector_store %arg9[%swap3A_828, %swap3A_829], %add3A_827 {strides = array<i32>} : memref<32x1024xf32, #tpu.memory_space<vmem>>, vector<16xf32>,
      %get3A_831 = arith.index_cast %scan3A_122 : i32 to index
      %get3A_832 = arith.constant 944 : index
      %get3A_833 = tpu.vector_load %arg9[%get3A_831, %get3A_832] {strides = array<i32>} : memref<32x1024xf32, #tpu.memory_space<vmem>>, vector<16xf32>,
      %mul3A_834 = arith.mulf %get3A_833, %bitcast3A : vector<16xf32>
      %get3A_835 = arith.index_cast %scan3A_122 : i32 to index
      %get3A_836 = arith.constant 944 : index
      %get3A_837 = tpu.vector_load %arg10[%get3A_835, %get3A_836] {strides = array<i32>} : memref<32x1024xf32, #tpu.memory_space<vmem>>, vector<16xf32>,
      %mul3A_838 = arith.mulf %get3A_837, %bitcast3A_124 : vector<16xf32>
      %add3A_839 = arith.addf %mul3A_834, %mul3A_838 : vector<16xf32>
      %swap3A_840 = arith.index_cast %scan3A_122 : i32 to index
      %swap3A_841 = arith.constant 944 : index
      %swap3A_842 = tpu.vector_load %arg9[%swap3A_840, %swap3A_841] {strides = array<i32>} : memref<32x1024xf32, #tpu.memory_space<vmem>>, vector<16xf32>,
      tpu.vector_store %arg9[%swap3A_840, %swap3A_841], %add3A_839 {strides = array<i32>} : memref<32x1024xf32, #tpu.memory_space<vmem>>, vector<16xf32>,
      %get3A_843 = arith.index_cast %scan3A_122 : i32 to index
      %get3A_844 = arith.constant 960 : index
      %get3A_845 = tpu.vector_load %arg9[%get3A_843, %get3A_844] {strides = array<i32>} : memref<32x1024xf32, #tpu.memory_space<vmem>>, vector<16xf32>,
      %mul3A_846 = arith.mulf %get3A_845, %bitcast3A : vector<16xf32>
      %get3A_847 = arith.index_cast %scan3A_122 : i32 to index
      %get3A_848 = arith.constant 960 : index
      %get3A_849 = tpu.vector_load %arg10[%get3A_847, %get3A_848] {strides = array<i32>} : memref<32x1024xf32, #tpu.memory_space<vmem>>, vector<16xf32>,
      %mul3A_850 = arith.mulf %get3A_849, %bitcast3A_124 : vector<16xf32>
      %add3A_851 = arith.addf %mul3A_846, %mul3A_850 : vector<16xf32>
      %swap3A_852 = arith.index_cast %scan3A_122 : i32 to index
      %swap3A_853 = arith.constant 960 : index
      %swap3A_854 = tpu.vector_load %arg9[%swap3A_852, %swap3A_853] {strides = array<i32>} : memref<32x1024xf32, #tpu.memory_space<vmem>>, vector<16xf32>,
      tpu.vector_store %arg9[%swap3A_852, %swap3A_853], %add3A_851 {strides = array<i32>} : memref<32x1024xf32, #tpu.memory_space<vmem>>, vector<16xf32>,
      %get3A_855 = arith.index_cast %scan3A_122 : i32 to index
      %get3A_856 = arith.constant 976 : index
      %get3A_857 = tpu.vector_load %arg9[%get3A_855, %get3A_856] {strides = array<i32>} : memref<32x1024xf32, #tpu.memory_space<vmem>>, vector<16xf32>,
      %mul3A_858 = arith.mulf %get3A_857, %bitcast3A : vector<16xf32>
      %get3A_859 = arith.index_cast %scan3A_122 : i32 to index
      %get3A_860 = arith.constant 976 : index
      %get3A_861 = tpu.vector_load %arg10[%get3A_859, %get3A_860] {strides = array<i32>} : memref<32x1024xf32, #tpu.memory_space<vmem>>, vector<16xf32>,
      %mul3A_862 = arith.mulf %get3A_861, %bitcast3A_124 : vector<16xf32>
      %add3A_863 = arith.addf %mul3A_858, %mul3A_862 : vector<16xf32>
      %swap3A_864 = arith.index_cast %scan3A_122 : i32 to index
      %swap3A_865 = arith.constant 976 : index
      %swap3A_866 = tpu.vector_load %arg9[%swap3A_864, %swap3A_865] {strides = array<i32>} : memref<32x1024xf32, #tpu.memory_space<vmem>>, vector<16xf32>,
      tpu.vector_store %arg9[%swap3A_864, %swap3A_865], %add3A_863 {strides = array<i32>} : memref<32x1024xf32, #tpu.memory_space<vmem>>, vector<16xf32>,
      %get3A_867 = arith.index_cast %scan3A_122 : i32 to index
      %get3A_868 = arith.constant 992 : index
      %get3A_869 = tpu.vector_load %arg9[%get3A_867, %get3A_868] {strides = array<i32>} : memref<32x1024xf32, #tpu.memory_space<vmem>>, vector<16xf32>,
      %mul3A_870 = arith.mulf %get3A_869, %bitcast3A : vector<16xf32>
      %get3A_871 = arith.index_cast %scan3A_122 : i32 to index
      %get3A_872 = arith.constant 992 : index
      %get3A_873 = tpu.vector_load %arg10[%get3A_871, %get3A_872] {strides = array<i32>} : memref<32x1024xf32, #tpu.memory_space<vmem>>, vector<16xf32>,
      %mul3A_874 = arith.mulf %get3A_873, %bitcast3A_124 : vector<16xf32>
      %add3A_875 = arith.addf %mul3A_870, %mul3A_874 : vector<16xf32>
      %swap3A_876 = arith.index_cast %scan3A_122 : i32 to index
      %swap3A_877 = arith.constant 992 : index
      %swap3A_878 = tpu.vector_load %arg9[%swap3A_876, %swap3A_877] {strides = array<i32>} : memref<32x1024xf32, #tpu.memory_space<vmem>>, vector<16xf32>,
      tpu.vector_store %arg9[%swap3A_876, %swap3A_877], %add3A_875 {strides = array<i32>} : memref<32x1024xf32, #tpu.memory_space<vmem>>, vector<16xf32>,
      %get3A_879 = arith.index_cast %scan3A_122 : i32 to index
      %get3A_880 = arith.constant 1008 : index
      %get3A_881 = tpu.vector_load %arg9[%get3A_879, %get3A_880] {strides = array<i32>} : memref<32x1024xf32, #tpu.memory_space<vmem>>, vector<16xf32>,
      %mul3A_882 = arith.mulf %get3A_881, %bitcast3A : vector<16xf32>
      %get3A_883 = arith.index_cast %scan3A_122 : i32 to index
      %get3A_884 = arith.constant 1008 : index
      %get3A_885 = tpu.vector_load %arg10[%get3A_883, %get3A_884] {strides = array<i32>} : memref<32x1024xf32, #tpu.memory_space<vmem>>, vector<16xf32>,
      %mul3A_886 = arith.mulf %get3A_885, %bitcast3A_124 : vector<16xf32>
      %add3A_887 = arith.addf %mul3A_882, %mul3A_886 : vector<16xf32>
      %swap3A_888 = arith.index_cast %scan3A_122 : i32 to index
      %swap3A_889 = arith.constant 1008 : index
      %swap3A_890 = tpu.vector_load %arg9[%swap3A_888, %swap3A_889] {strides = array<i32>} : memref<32x1024xf32, #tpu.memory_space<vmem>>, vector<16xf32>,
      tpu.vector_store %arg9[%swap3A_888, %swap3A_889], %add3A_887 {strides = array<i32>} : memref<32x1024xf32, #tpu.memory_space<vmem>>, vector<16xf32>,
    }
    %scan3A_59 = arith.constant 32 : i32
    "tpu.region"() ({
      %run_scoped3A = tpu.sem_alloc : memref<!tpu.dma_semaphore, #tpu.memory_space<semaphore_mem>>
      %dma_start3A_122 = arith.constant 0 : i32
      %dma_start3A_123 = tpu.memref_slice %arg4[%add3A_4, %dma_start3A_122] : memref<2048x1024xf32, #tpu.memory_space<hbm>> -> memref<32x1024xf32, #tpu.memory_space<hbm>>
      %dma_start3A_124 = arith.constant 0 : i32
      %dma_start3A_125 = tpu.memref_slice %arg4[%add3A_4, %dma_start3A_124] : memref<2048x1024xf32, #tpu.memory_space<hbm>> -> memref<32x1024xf32, #tpu.memory_space<hbm>>
      tpu.enqueue_dma source(%arg9 : memref<32x1024xf32, #tpu.memory_space<vmem>>) target(%dma_start3A_125 : memref<32x1024xf32, #tpu.memory_space<hbm>>) target_semaphore(%run_scoped3A : memref<!tpu.dma_semaphore, #tpu.memory_space<semaphore_mem>>)
      %dma_wait3A_126 = arith.constant 0 : i32
      %dma_wait3A_127 = tpu.memref_slice %arg4[%add3A_4, %dma_wait3A_126] : memref<2048x1024xf32, #tpu.memory_space<hbm>> -> memref<32x1024xf32, #tpu.memory_space<hbm>>
      %dma_wait3A_128 = arith.constant 0 : i32
      %dma_wait3A_129 = tpu.memref_slice %arg4[%add3A_4, %dma_wait3A_128] : memref<2048x1024xf32, #tpu.memory_space<hbm>> -> memref<32x1024xf32, #tpu.memory_space<hbm>>
      tpu.wait_dma2 semaphore(%run_scoped3A : memref<!tpu.dma_semaphore, #tpu.memory_space<semaphore_mem>>) src(%arg9 : memref<32x1024xf32, #tpu.memory_space<vmem>>) dst(%dma_wait3A_129 : memref<32x1024xf32, #tpu.memory_space<hbm>>)
      tpu.yield
    }) : () -> ()
    %mul3A_60 = arith.constant 64 : i32
    %mul3A_61 = arith.muli %add3A, %mul3A_60 : i32
    %add3A_62 = arith.constant 32 : i32
    %add3A_63 = arith.addi %mul3A_61, %add3A_62 : i32
    %dma_start3A_64 = arith.constant 0 : i32
    %dma_start3A_65 = tpu.memref_slice %arg3[%dma_start3A_64, %add3A_63] : memref<4x2048xi32, #tpu.memory_space<hbm>> -> memref<1x32xi32, #tpu.memory_space<hbm>>
    %dma_start3A_66 = tpu.memref_squeeze %dma_start3A_65 : memref<1x32xi32, #tpu.memory_space<hbm>> -> memref<32xi32, #tpu.memory_space<hbm>>
    %dma_start3A_67 = tpu.memref_slice %arg3[%dma_start3A_64, %add3A_63] : memref<4x2048xi32, #tpu.memory_space<hbm>> -> memref<1x32xi32, #tpu.memory_space<hbm>>
    %dma_start3A_68 = tpu.memref_squeeze %dma_start3A_67 : memref<1x32xi32, #tpu.memory_space<hbm>> -> memref<32xi32, #tpu.memory_space<hbm>>
    tpu.enqueue_dma source(%dma_start3A_68 : memref<32xi32, #tpu.memory_space<hbm>>) target(%arg5 : memref<32xi32, #tpu.memory_space<vmem>>) target_semaphore(%arg11 : memref<!tpu.dma_semaphore, #tpu.memory_space<semaphore_mem>>)
    %dma_start3A_69 = arith.constant 1 : i32
    %dma_start3A_70 = tpu.memref_slice %arg3[%dma_start3A_69, %add3A_63] : memref<4x2048xi32, #tpu.memory_space<hbm>> -> memref<1x32xi32, #tpu.memory_space<hbm>>
    %dma_start3A_71 = tpu.memref_squeeze %dma_start3A_70 : memref<1x32xi32, #tpu.memory_space<hbm>> -> memref<32xi32, #tpu.memory_space<hbm>>
    %dma_start3A_72 = tpu.memref_slice %arg3[%dma_start3A_69, %add3A_63] : memref<4x2048xi32, #tpu.memory_space<hbm>> -> memref<1x32xi32, #tpu.memory_space<hbm>>
    %dma_start3A_73 = tpu.memref_squeeze %dma_start3A_72 : memref<1x32xi32, #tpu.memory_space<hbm>> -> memref<32xi32, #tpu.memory_space<hbm>>
    tpu.enqueue_dma source(%dma_start3A_73 : memref<32xi32, #tpu.memory_space<hbm>>) target(%arg6 : memref<32xi32, #tpu.memory_space<vmem>>) target_semaphore(%arg12 : memref<!tpu.dma_semaphore, #tpu.memory_space<semaphore_mem>>)
    %dma_start3A_74 = arith.constant 2 : i32
    %dma_start3A_75 = tpu.memref_slice %arg3[%dma_start3A_74, %add3A_63] : memref<4x2048xi32, #tpu.memory_space<hbm>> -> memref<1x32xi32, #tpu.memory_space<hbm>>
    %dma_start3A_76 = tpu.memref_squeeze %dma_start3A_75 : memref<1x32xi32, #tpu.memory_space<hbm>> -> memref<32xi32, #tpu.memory_space<hbm>>
    %dma_start3A_77 = tpu.memref_slice %arg3[%dma_start3A_74, %add3A_63] : memref<4x2048xi32, #tpu.memory_space<hbm>> -> memref<1x32xi32, #tpu.memory_space<hbm>>
    %dma_start3A_78 = tpu.memref_squeeze %dma_start3A_77 : memref<1x32xi32, #tpu.memory_space<hbm>> -> memref<32xi32, #tpu.memory_space<hbm>>
    tpu.enqueue_dma source(%dma_start3A_78 : memref<32xi32, #tpu.memory_space<hbm>>) target(%arg7 : memref<32xi32, #tpu.memory_space<vmem>>) target_semaphore(%arg11 : memref<!tpu.dma_semaphore, #tpu.memory_space<semaphore_mem>>)
    %dma_start3A_79 = arith.constant 3 : i32
    %dma_start3A_80 = tpu.memref_slice %arg3[%dma_start3A_79, %add3A_63] : memref<4x2048xi32, #tpu.memory_space<hbm>> -> memref<1x32xi32, #tpu.memory_space<hbm>>
    %dma_start3A_81 = tpu.memref_squeeze %dma_start3A_80 : memref<1x32xi32, #tpu.memory_space<hbm>> -> memref<32xi32, #tpu.memory_space<hbm>>
    %dma_start3A_82 = tpu.memref_slice %arg3[%dma_start3A_79, %add3A_63] : memref<4x2048xi32, #tpu.memory_space<hbm>> -> memref<1x32xi32, #tpu.memory_space<hbm>>
    %dma_start3A_83 = tpu.memref_squeeze %dma_start3A_82 : memref<1x32xi32, #tpu.memory_space<hbm>> -> memref<32xi32, #tpu.memory_space<hbm>>
    tpu.enqueue_dma source(%dma_start3A_83 : memref<32xi32, #tpu.memory_space<hbm>>) target(%arg8 : memref<32xi32, #tpu.memory_space<vmem>>) target_semaphore(%arg12 : memref<!tpu.dma_semaphore, #tpu.memory_space<semaphore_mem>>)
    %dma_wait3A_84 = arith.constant 0 : i32
    %dma_wait3A_85 = tpu.memref_slice %arg3[%dma_wait3A_84, %add3A_63] : memref<4x2048xi32, #tpu.memory_space<hbm>> -> memref<1x32xi32, #tpu.memory_space<hbm>>
    %dma_wait3A_86 = tpu.memref_squeeze %dma_wait3A_85 : memref<1x32xi32, #tpu.memory_space<hbm>> -> memref<32xi32, #tpu.memory_space<hbm>>
    %dma_wait3A_87 = tpu.memref_slice %arg3[%dma_wait3A_84, %add3A_63] : memref<4x2048xi32, #tpu.memory_space<hbm>> -> memref<1x32xi32, #tpu.memory_space<hbm>>
    %dma_wait3A_88 = tpu.memref_squeeze %dma_wait3A_87 : memref<1x32xi32, #tpu.memory_space<hbm>> -> memref<32xi32, #tpu.memory_space<hbm>>
    tpu.wait_dma2 semaphore(%arg11 : memref<!tpu.dma_semaphore, #tpu.memory_space<semaphore_mem>>) src(%dma_wait3A_88 : memref<32xi32, #tpu.memory_space<hbm>>) dst(%arg5 : memref<32xi32, #tpu.memory_space<vmem>>)
    %dma_wait3A_89 = arith.constant 1 : i32
    %dma_wait3A_90 = tpu.memref_slice %arg3[%dma_wait3A_89, %add3A_63] : memref<4x2048xi32, #tpu.memory_space<hbm>> -> memref<1x32xi32, #tpu.memory_space<hbm>>
    %dma_wait3A_91 = tpu.memref_squeeze %dma_wait3A_90 : memref<1x32xi32, #tpu.memory_space<hbm>> -> memref<32xi32, #tpu.memory_space<hbm>>
    %dma_wait3A_92 = tpu.memref_slice %arg3[%dma_wait3A_89, %add3A_63] : memref<4x2048xi32, #tpu.memory_space<hbm>> -> memref<1x32xi32, #tpu.memory_space<hbm>>
    %dma_wait3A_93 = tpu.memref_squeeze %dma_wait3A_92 : memref<1x32xi32, #tpu.memory_space<hbm>> -> memref<32xi32, #tpu.memory_space<hbm>>
    tpu.wait_dma2 semaphore(%arg12 : memref<!tpu.dma_semaphore, #tpu.memory_space<semaphore_mem>>) src(%dma_wait3A_93 : memref<32xi32, #tpu.memory_space<hbm>>) dst(%arg6 : memref<32xi32, #tpu.memory_space<vmem>>)
    %dma_wait3A_94 = arith.constant 2 : i32
    %dma_wait3A_95 = tpu.memref_slice %arg3[%dma_wait3A_94, %add3A_63] : memref<4x2048xi32, #tpu.memory_space<hbm>> -> memref<1x32xi32, #tpu.memory_space<hbm>>
    %dma_wait3A_96 = tpu.memref_squeeze %dma_wait3A_95 : memref<1x32xi32, #tpu.memory_space<hbm>> -> memref<32xi32, #tpu.memory_space<hbm>>
    %dma_wait3A_97 = tpu.memref_slice %arg3[%dma_wait3A_94, %add3A_63] : memref<4x2048xi32, #tpu.memory_space<hbm>> -> memref<1x32xi32, #tpu.memory_space<hbm>>
    %dma_wait3A_98 = tpu.memref_squeeze %dma_wait3A_97 : memref<1x32xi32, #tpu.memory_space<hbm>> -> memref<32xi32, #tpu.memory_space<hbm>>
    tpu.wait_dma2 semaphore(%arg11 : memref<!tpu.dma_semaphore, #tpu.memory_space<semaphore_mem>>) src(%dma_wait3A_98 : memref<32xi32, #tpu.memory_space<hbm>>) dst(%arg7 : memref<32xi32, #tpu.memory_space<vmem>>)
    %dma_wait3A_99 = arith.constant 3 : i32
    %dma_wait3A_100 = tpu.memref_slice %arg3[%dma_wait3A_99, %add3A_63] : memref<4x2048xi32, #tpu.memory_space<hbm>> -> memref<1x32xi32, #tpu.memory_space<hbm>>
    %dma_wait3A_101 = tpu.memref_squeeze %dma_wait3A_100 : memref<1x32xi32, #tpu.memory_space<hbm>> -> memref<32xi32, #tpu.memory_space<hbm>>
    %dma_wait3A_102 = tpu.memref_slice %arg3[%dma_wait3A_99, %add3A_63] : memref<4x2048xi32, #tpu.memory_space<hbm>> -> memref<1x32xi32, #tpu.memory_space<hbm>>
    %dma_wait3A_103 = tpu.memref_squeeze %dma_wait3A_102 : memref<1x32xi32, #tpu.memory_space<hbm>> -> memref<32xi32, #tpu.memory_space<hbm>>
    tpu.wait_dma2 semaphore(%arg12 : memref<!tpu.dma_semaphore, #tpu.memory_space<semaphore_mem>>) src(%dma_wait3A_103 : memref<32xi32, #tpu.memory_space<hbm>>) dst(%arg8 : memref<32xi32, #tpu.memory_space<vmem>>)
    %dma_start3A_104 = arith.constant 0 : i32
    %dma_start3A_105 = arith.constant 0 : i32
    %dma_start3A_106 = tpu.memref_slice %arg2[%dma_start3A_104, %dma_start3A_105] : memref<5120x1024xf32, #tpu.memory_space<hbm>> -> memref<5120x1024xf32, #tpu.memory_space<hbm>>
    tpu.enqueue_indirect_dma source(%dma_start3A_106 : memref<5120x1024xf32, #tpu.memory_space<hbm>>) target(%arg9 : memref<32x1024xf32, #tpu.memory_space<vmem>>) offsets(%arg5 : memref<32xi32, #tpu.memory_space<vmem>>) semaphore(%arg11 : memref<!tpu.dma_semaphore, #tpu.memory_space<semaphore_mem>>)
    %dma_start3A_107 = arith.constant 0 : i32
    %dma_start3A_108 = arith.constant 0 : i32
    %dma_start3A_109 = tpu.memref_slice %arg2[%dma_start3A_107, %dma_start3A_108] : memref<5120x1024xf32, #tpu.memory_space<hbm>> -> memref<5120x1024xf32, #tpu.memory_space<hbm>>
    tpu.enqueue_indirect_dma source(%dma_start3A_109 : memref<5120x1024xf32, #tpu.memory_space<hbm>>) target(%arg10 : memref<32x1024xf32, #tpu.memory_space<vmem>>) offsets(%arg6 : memref<32xi32, #tpu.memory_space<vmem>>) semaphore(%arg12 : memref<!tpu.dma_semaphore, #tpu.memory_space<semaphore_mem>>)
    %dma_wait3A_110 = arith.constant 0 : i32
    %dma_wait3A_111 = arith.constant 0 : i32
    %dma_wait3A_112 = tpu.memref_slice %arg2[%dma_wait3A_110, %dma_wait3A_111] : memref<5120x1024xf32, #tpu.memory_space<hbm>> -> memref<5120x1024xf32, #tpu.memory_space<hbm>>
    tpu.wait_indirect_dma semaphore(%arg11 : memref<!tpu.dma_semaphore, #tpu.memory_space<semaphore_mem>>) src(%dma_wait3A_112 : memref<5120x1024xf32, #tpu.memory_space<hbm>>) dst(%arg9 : memref<32x1024xf32, #tpu.memory_space<vmem>>)
    %dma_wait3A_113 = arith.constant 0 : i32
    %dma_wait3A_114 = arith.constant 0 : i32
    %dma_wait3A_115 = tpu.memref_slice %arg2[%dma_wait3A_113, %dma_wait3A_114] : memref<5120x1024xf32, #tpu.memory_space<hbm>> -> memref<5120x1024xf32, #tpu.memory_space<hbm>>
    tpu.wait_indirect_dma semaphore(%arg12 : memref<!tpu.dma_semaphore, #tpu.memory_space<semaphore_mem>>) src(%dma_wait3A_115 : memref<5120x1024xf32, #tpu.memory_space<hbm>>) dst(%arg10 : memref<32x1024xf32, #tpu.memory_space<vmem>>)
    %scan3A_116 = arith.constant 0 : i32
    %scan3A_117 = arith.constant 0 : i32
    %scan3A_118 = arith.constant 32 : i32
    %scan3A_119 = arith.addi %scan3A_117, %scan3A_118 : i32
    %scan3A_120 = arith.constant 1 : i32
    scf.for %scan3A_122 = %scan3A_117 to %scan3A_119 step %scan3A_120  : i32 {
      %broadcast_in_dim3A = vector.broadcast %scan3A_122 : i32 to vector<16xi32>
      %gather3A = tpu.vector_load_idx %arg7[%broadcast_in_dim3A] : memref<32xi32, #tpu.memory_space<vmem>>[vector<16xi32>], vector<16xi32>,
      %bitcast3A = vector.bitcast %gather3A : vector<16xi32> to vector<16xf32>
      %gather3A_123 = tpu.vector_load_idx %arg8[%broadcast_in_dim3A] : memref<32xi32, #tpu.memory_space<vmem>>[vector<16xi32>], vector<16xi32>,
      %bitcast3A_124 = vector.bitcast %gather3A_123 : vector<16xi32> to vector<16xf32>
      %get3A = arith.index_cast %scan3A_122 : i32 to index
      %get3A_125 = arith.constant 0 : index
      %get3A_126 = tpu.vector_load %arg9[%get3A, %get3A_125] {strides = array<i32>} : memref<32x1024xf32, #tpu.memory_space<vmem>>, vector<16xf32>,
      %mul3A_127 = arith.mulf %get3A_126, %bitcast3A : vector<16xf32>
      %get3A_128 = arith.index_cast %scan3A_122 : i32 to index
      %get3A_129 = arith.constant 0 : index
      %get3A_130 = tpu.vector_load %arg10[%get3A_128, %get3A_129] {strides = array<i32>} : memref<32x1024xf32, #tpu.memory_space<vmem>>, vector<16xf32>,
      %mul3A_131 = arith.mulf %get3A_130, %bitcast3A_124 : vector<16xf32>
      %add3A_132 = arith.addf %mul3A_127, %mul3A_131 : vector<16xf32>
      %swap3A = arith.index_cast %scan3A_122 : i32 to index
      %swap3A_133 = arith.constant 0 : index
      %swap3A_134 = tpu.vector_load %arg9[%swap3A, %swap3A_133] {strides = array<i32>} : memref<32x1024xf32, #tpu.memory_space<vmem>>, vector<16xf32>,
      tpu.vector_store %arg9[%swap3A, %swap3A_133], %add3A_132 {strides = array<i32>} : memref<32x1024xf32, #tpu.memory_space<vmem>>, vector<16xf32>,
      %get3A_135 = arith.index_cast %scan3A_122 : i32 to index
      %get3A_136 = arith.constant 16 : index
      %get3A_137 = tpu.vector_load %arg9[%get3A_135, %get3A_136] {strides = array<i32>} : memref<32x1024xf32, #tpu.memory_space<vmem>>, vector<16xf32>,
      %mul3A_138 = arith.mulf %get3A_137, %bitcast3A : vector<16xf32>
      %get3A_139 = arith.index_cast %scan3A_122 : i32 to index
      %get3A_140 = arith.constant 16 : index
      %get3A_141 = tpu.vector_load %arg10[%get3A_139, %get3A_140] {strides = array<i32>} : memref<32x1024xf32, #tpu.memory_space<vmem>>, vector<16xf32>,
      %mul3A_142 = arith.mulf %get3A_141, %bitcast3A_124 : vector<16xf32>
      %add3A_143 = arith.addf %mul3A_138, %mul3A_142 : vector<16xf32>
      %swap3A_144 = arith.index_cast %scan3A_122 : i32 to index
      %swap3A_145 = arith.constant 16 : index
      %swap3A_146 = tpu.vector_load %arg9[%swap3A_144, %swap3A_145] {strides = array<i32>} : memref<32x1024xf32, #tpu.memory_space<vmem>>, vector<16xf32>,
      tpu.vector_store %arg9[%swap3A_144, %swap3A_145], %add3A_143 {strides = array<i32>} : memref<32x1024xf32, #tpu.memory_space<vmem>>, vector<16xf32>,
      %get3A_147 = arith.index_cast %scan3A_122 : i32 to index
      %get3A_148 = arith.constant 32 : index
      %get3A_149 = tpu.vector_load %arg9[%get3A_147, %get3A_148] {strides = array<i32>} : memref<32x1024xf32, #tpu.memory_space<vmem>>, vector<16xf32>,
      %mul3A_150 = arith.mulf %get3A_149, %bitcast3A : vector<16xf32>
      %get3A_151 = arith.index_cast %scan3A_122 : i32 to index
      %get3A_152 = arith.constant 32 : index
      %get3A_153 = tpu.vector_load %arg10[%get3A_151, %get3A_152] {strides = array<i32>} : memref<32x1024xf32, #tpu.memory_space<vmem>>, vector<16xf32>,
      %mul3A_154 = arith.mulf %get3A_153, %bitcast3A_124 : vector<16xf32>
      %add3A_155 = arith.addf %mul3A_150, %mul3A_154 : vector<16xf32>
      %swap3A_156 = arith.index_cast %scan3A_122 : i32 to index
      %swap3A_157 = arith.constant 32 : index
      %swap3A_158 = tpu.vector_load %arg9[%swap3A_156, %swap3A_157] {strides = array<i32>} : memref<32x1024xf32, #tpu.memory_space<vmem>>, vector<16xf32>,
      tpu.vector_store %arg9[%swap3A_156, %swap3A_157], %add3A_155 {strides = array<i32>} : memref<32x1024xf32, #tpu.memory_space<vmem>>, vector<16xf32>,
      %get3A_159 = arith.index_cast %scan3A_122 : i32 to index
      %get3A_160 = arith.constant 48 : index
      %get3A_161 = tpu.vector_load %arg9[%get3A_159, %get3A_160] {strides = array<i32>} : memref<32x1024xf32, #tpu.memory_space<vmem>>, vector<16xf32>,
      %mul3A_162 = arith.mulf %get3A_161, %bitcast3A : vector<16xf32>
      %get3A_163 = arith.index_cast %scan3A_122 : i32 to index
      %get3A_164 = arith.constant 48 : index
      %get3A_165 = tpu.vector_load %arg10[%get3A_163, %get3A_164] {strides = array<i32>} : memref<32x1024xf32, #tpu.memory_space<vmem>>, vector<16xf32>,
      %mul3A_166 = arith.mulf %get3A_165, %bitcast3A_124 : vector<16xf32>
      %add3A_167 = arith.addf %mul3A_162, %mul3A_166 : vector<16xf32>
      %swap3A_168 = arith.index_cast %scan3A_122 : i32 to index
      %swap3A_169 = arith.constant 48 : index
      %swap3A_170 = tpu.vector_load %arg9[%swap3A_168, %swap3A_169] {strides = array<i32>} : memref<32x1024xf32, #tpu.memory_space<vmem>>, vector<16xf32>,
      tpu.vector_store %arg9[%swap3A_168, %swap3A_169], %add3A_167 {strides = array<i32>} : memref<32x1024xf32, #tpu.memory_space<vmem>>, vector<16xf32>,
      %get3A_171 = arith.index_cast %scan3A_122 : i32 to index
      %get3A_172 = arith.constant 64 : index
      %get3A_173 = tpu.vector_load %arg9[%get3A_171, %get3A_172] {strides = array<i32>} : memref<32x1024xf32, #tpu.memory_space<vmem>>, vector<16xf32>,
      %mul3A_174 = arith.mulf %get3A_173, %bitcast3A : vector<16xf32>
      %get3A_175 = arith.index_cast %scan3A_122 : i32 to index
      %get3A_176 = arith.constant 64 : index
      %get3A_177 = tpu.vector_load %arg10[%get3A_175, %get3A_176] {strides = array<i32>} : memref<32x1024xf32, #tpu.memory_space<vmem>>, vector<16xf32>,
      %mul3A_178 = arith.mulf %get3A_177, %bitcast3A_124 : vector<16xf32>
      %add3A_179 = arith.addf %mul3A_174, %mul3A_178 : vector<16xf32>
      %swap3A_180 = arith.index_cast %scan3A_122 : i32 to index
      %swap3A_181 = arith.constant 64 : index
      %swap3A_182 = tpu.vector_load %arg9[%swap3A_180, %swap3A_181] {strides = array<i32>} : memref<32x1024xf32, #tpu.memory_space<vmem>>, vector<16xf32>,
      tpu.vector_store %arg9[%swap3A_180, %swap3A_181], %add3A_179 {strides = array<i32>} : memref<32x1024xf32, #tpu.memory_space<vmem>>, vector<16xf32>,
      %get3A_183 = arith.index_cast %scan3A_122 : i32 to index
      %get3A_184 = arith.constant 80 : index
      %get3A_185 = tpu.vector_load %arg9[%get3A_183, %get3A_184] {strides = array<i32>} : memref<32x1024xf32, #tpu.memory_space<vmem>>, vector<16xf32>,
      %mul3A_186 = arith.mulf %get3A_185, %bitcast3A : vector<16xf32>
      %get3A_187 = arith.index_cast %scan3A_122 : i32 to index
      %get3A_188 = arith.constant 80 : index
      %get3A_189 = tpu.vector_load %arg10[%get3A_187, %get3A_188] {strides = array<i32>} : memref<32x1024xf32, #tpu.memory_space<vmem>>, vector<16xf32>,
      %mul3A_190 = arith.mulf %get3A_189, %bitcast3A_124 : vector<16xf32>
      %add3A_191 = arith.addf %mul3A_186, %mul3A_190 : vector<16xf32>
      %swap3A_192 = arith.index_cast %scan3A_122 : i32 to index
      %swap3A_193 = arith.constant 80 : index
      %swap3A_194 = tpu.vector_load %arg9[%swap3A_192, %swap3A_193] {strides = array<i32>} : memref<32x1024xf32, #tpu.memory_space<vmem>>, vector<16xf32>,
      tpu.vector_store %arg9[%swap3A_192, %swap3A_193], %add3A_191 {strides = array<i32>} : memref<32x1024xf32, #tpu.memory_space<vmem>>, vector<16xf32>,
      %get3A_195 = arith.index_cast %scan3A_122 : i32 to index
      %get3A_196 = arith.constant 96 : index
      %get3A_197 = tpu.vector_load %arg9[%get3A_195, %get3A_196] {strides = array<i32>} : memref<32x1024xf32, #tpu.memory_space<vmem>>, vector<16xf32>,
      %mul3A_198 = arith.mulf %get3A_197, %bitcast3A : vector<16xf32>
      %get3A_199 = arith.index_cast %scan3A_122 : i32 to index
      %get3A_200 = arith.constant 96 : index
      %get3A_201 = tpu.vector_load %arg10[%get3A_199, %get3A_200] {strides = array<i32>} : memref<32x1024xf32, #tpu.memory_space<vmem>>, vector<16xf32>,
      %mul3A_202 = arith.mulf %get3A_201, %bitcast3A_124 : vector<16xf32>
      %add3A_203 = arith.addf %mul3A_198, %mul3A_202 : vector<16xf32>
      %swap3A_204 = arith.index_cast %scan3A_122 : i32 to index
      %swap3A_205 = arith.constant 96 : index
      %swap3A_206 = tpu.vector_load %arg9[%swap3A_204, %swap3A_205] {strides = array<i32>} : memref<32x1024xf32, #tpu.memory_space<vmem>>, vector<16xf32>,
      tpu.vector_store %arg9[%swap3A_204, %swap3A_205], %add3A_203 {strides = array<i32>} : memref<32x1024xf32, #tpu.memory_space<vmem>>, vector<16xf32>,
      %get3A_207 = arith.index_cast %scan3A_122 : i32 to index
      %get3A_208 = arith.constant 112 : index
      %get3A_209 = tpu.vector_load %arg9[%get3A_207, %get3A_208] {strides = array<i32>} : memref<32x1024xf32, #tpu.memory_space<vmem>>, vector<16xf32>,
      %mul3A_210 = arith.mulf %get3A_209, %bitcast3A : vector<16xf32>
      %get3A_211 = arith.index_cast %scan3A_122 : i32 to index
      %get3A_212 = arith.constant 112 : index
      %get3A_213 = tpu.vector_load %arg10[%get3A_211, %get3A_212] {strides = array<i32>} : memref<32x1024xf32, #tpu.memory_space<vmem>>, vector<16xf32>,
      %mul3A_214 = arith.mulf %get3A_213, %bitcast3A_124 : vector<16xf32>
      %add3A_215 = arith.addf %mul3A_210, %mul3A_214 : vector<16xf32>
      %swap3A_216 = arith.index_cast %scan3A_122 : i32 to index
      %swap3A_217 = arith.constant 112 : index
      %swap3A_218 = tpu.vector_load %arg9[%swap3A_216, %swap3A_217] {strides = array<i32>} : memref<32x1024xf32, #tpu.memory_space<vmem>>, vector<16xf32>,
      tpu.vector_store %arg9[%swap3A_216, %swap3A_217], %add3A_215 {strides = array<i32>} : memref<32x1024xf32, #tpu.memory_space<vmem>>, vector<16xf32>,
      %get3A_219 = arith.index_cast %scan3A_122 : i32 to index
      %get3A_220 = arith.constant 128 : index
      %get3A_221 = tpu.vector_load %arg9[%get3A_219, %get3A_220] {strides = array<i32>} : memref<32x1024xf32, #tpu.memory_space<vmem>>, vector<16xf32>,
      %mul3A_222 = arith.mulf %get3A_221, %bitcast3A : vector<16xf32>
      %get3A_223 = arith.index_cast %scan3A_122 : i32 to index
      %get3A_224 = arith.constant 128 : index
      %get3A_225 = tpu.vector_load %arg10[%get3A_223, %get3A_224] {strides = array<i32>} : memref<32x1024xf32, #tpu.memory_space<vmem>>, vector<16xf32>,
      %mul3A_226 = arith.mulf %get3A_225, %bitcast3A_124 : vector<16xf32>
      %add3A_227 = arith.addf %mul3A_222, %mul3A_226 : vector<16xf32>
      %swap3A_228 = arith.index_cast %scan3A_122 : i32 to index
      %swap3A_229 = arith.constant 128 : index
      %swap3A_230 = tpu.vector_load %arg9[%swap3A_228, %swap3A_229] {strides = array<i32>} : memref<32x1024xf32, #tpu.memory_space<vmem>>, vector<16xf32>,
      tpu.vector_store %arg9[%swap3A_228, %swap3A_229], %add3A_227 {strides = array<i32>} : memref<32x1024xf32, #tpu.memory_space<vmem>>, vector<16xf32>,
      %get3A_231 = arith.index_cast %scan3A_122 : i32 to index
      %get3A_232 = arith.constant 144 : index
      %get3A_233 = tpu.vector_load %arg9[%get3A_231, %get3A_232] {strides = array<i32>} : memref<32x1024xf32, #tpu.memory_space<vmem>>, vector<16xf32>,
      %mul3A_234 = arith.mulf %get3A_233, %bitcast3A : vector<16xf32>
      %get3A_235 = arith.index_cast %scan3A_122 : i32 to index
      %get3A_236 = arith.constant 144 : index
      %get3A_237 = tpu.vector_load %arg10[%get3A_235, %get3A_236] {strides = array<i32>} : memref<32x1024xf32, #tpu.memory_space<vmem>>, vector<16xf32>,
      %mul3A_238 = arith.mulf %get3A_237, %bitcast3A_124 : vector<16xf32>
      %add3A_239 = arith.addf %mul3A_234, %mul3A_238 : vector<16xf32>
      %swap3A_240 = arith.index_cast %scan3A_122 : i32 to index
      %swap3A_241 = arith.constant 144 : index
      %swap3A_242 = tpu.vector_load %arg9[%swap3A_240, %swap3A_241] {strides = array<i32>} : memref<32x1024xf32, #tpu.memory_space<vmem>>, vector<16xf32>,
      tpu.vector_store %arg9[%swap3A_240, %swap3A_241], %add3A_239 {strides = array<i32>} : memref<32x1024xf32, #tpu.memory_space<vmem>>, vector<16xf32>,
      %get3A_243 = arith.index_cast %scan3A_122 : i32 to index
      %get3A_244 = arith.constant 160 : index
      %get3A_245 = tpu.vector_load %arg9[%get3A_243, %get3A_244] {strides = array<i32>} : memref<32x1024xf32, #tpu.memory_space<vmem>>, vector<16xf32>,
      %mul3A_246 = arith.mulf %get3A_245, %bitcast3A : vector<16xf32>
      %get3A_247 = arith.index_cast %scan3A_122 : i32 to index
      %get3A_248 = arith.constant 160 : index
      %get3A_249 = tpu.vector_load %arg10[%get3A_247, %get3A_248] {strides = array<i32>} : memref<32x1024xf32, #tpu.memory_space<vmem>>, vector<16xf32>,
      %mul3A_250 = arith.mulf %get3A_249, %bitcast3A_124 : vector<16xf32>
      %add3A_251 = arith.addf %mul3A_246, %mul3A_250 : vector<16xf32>
      %swap3A_252 = arith.index_cast %scan3A_122 : i32 to index
      %swap3A_253 = arith.constant 160 : index
      %swap3A_254 = tpu.vector_load %arg9[%swap3A_252, %swap3A_253] {strides = array<i32>} : memref<32x1024xf32, #tpu.memory_space<vmem>>, vector<16xf32>,
      tpu.vector_store %arg9[%swap3A_252, %swap3A_253], %add3A_251 {strides = array<i32>} : memref<32x1024xf32, #tpu.memory_space<vmem>>, vector<16xf32>,
      %get3A_255 = arith.index_cast %scan3A_122 : i32 to index
      %get3A_256 = arith.constant 176 : index
      %get3A_257 = tpu.vector_load %arg9[%get3A_255, %get3A_256] {strides = array<i32>} : memref<32x1024xf32, #tpu.memory_space<vmem>>, vector<16xf32>,
      %mul3A_258 = arith.mulf %get3A_257, %bitcast3A : vector<16xf32>
      %get3A_259 = arith.index_cast %scan3A_122 : i32 to index
      %get3A_260 = arith.constant 176 : index
      %get3A_261 = tpu.vector_load %arg10[%get3A_259, %get3A_260] {strides = array<i32>} : memref<32x1024xf32, #tpu.memory_space<vmem>>, vector<16xf32>,
      %mul3A_262 = arith.mulf %get3A_261, %bitcast3A_124 : vector<16xf32>
      %add3A_263 = arith.addf %mul3A_258, %mul3A_262 : vector<16xf32>
      %swap3A_264 = arith.index_cast %scan3A_122 : i32 to index
      %swap3A_265 = arith.constant 176 : index
      %swap3A_266 = tpu.vector_load %arg9[%swap3A_264, %swap3A_265] {strides = array<i32>} : memref<32x1024xf32, #tpu.memory_space<vmem>>, vector<16xf32>,
      tpu.vector_store %arg9[%swap3A_264, %swap3A_265], %add3A_263 {strides = array<i32>} : memref<32x1024xf32, #tpu.memory_space<vmem>>, vector<16xf32>,
      %get3A_267 = arith.index_cast %scan3A_122 : i32 to index
      %get3A_268 = arith.constant 192 : index
      %get3A_269 = tpu.vector_load %arg9[%get3A_267, %get3A_268] {strides = array<i32>} : memref<32x1024xf32, #tpu.memory_space<vmem>>, vector<16xf32>,
      %mul3A_270 = arith.mulf %get3A_269, %bitcast3A : vector<16xf32>
      %get3A_271 = arith.index_cast %scan3A_122 : i32 to index
      %get3A_272 = arith.constant 192 : index
      %get3A_273 = tpu.vector_load %arg10[%get3A_271, %get3A_272] {strides = array<i32>} : memref<32x1024xf32, #tpu.memory_space<vmem>>, vector<16xf32>,
      %mul3A_274 = arith.mulf %get3A_273, %bitcast3A_124 : vector<16xf32>
      %add3A_275 = arith.addf %mul3A_270, %mul3A_274 : vector<16xf32>
      %swap3A_276 = arith.index_cast %scan3A_122 : i32 to index
      %swap3A_277 = arith.constant 192 : index
      %swap3A_278 = tpu.vector_load %arg9[%swap3A_276, %swap3A_277] {strides = array<i32>} : memref<32x1024xf32, #tpu.memory_space<vmem>>, vector<16xf32>,
      tpu.vector_store %arg9[%swap3A_276, %swap3A_277], %add3A_275 {strides = array<i32>} : memref<32x1024xf32, #tpu.memory_space<vmem>>, vector<16xf32>,
      %get3A_279 = arith.index_cast %scan3A_122 : i32 to index
      %get3A_280 = arith.constant 208 : index
      %get3A_281 = tpu.vector_load %arg9[%get3A_279, %get3A_280] {strides = array<i32>} : memref<32x1024xf32, #tpu.memory_space<vmem>>, vector<16xf32>,
      %mul3A_282 = arith.mulf %get3A_281, %bitcast3A : vector<16xf32>
      %get3A_283 = arith.index_cast %scan3A_122 : i32 to index
      %get3A_284 = arith.constant 208 : index
      %get3A_285 = tpu.vector_load %arg10[%get3A_283, %get3A_284] {strides = array<i32>} : memref<32x1024xf32, #tpu.memory_space<vmem>>, vector<16xf32>,
      %mul3A_286 = arith.mulf %get3A_285, %bitcast3A_124 : vector<16xf32>
      %add3A_287 = arith.addf %mul3A_282, %mul3A_286 : vector<16xf32>
      %swap3A_288 = arith.index_cast %scan3A_122 : i32 to index
      %swap3A_289 = arith.constant 208 : index
      %swap3A_290 = tpu.vector_load %arg9[%swap3A_288, %swap3A_289] {strides = array<i32>} : memref<32x1024xf32, #tpu.memory_space<vmem>>, vector<16xf32>,
      tpu.vector_store %arg9[%swap3A_288, %swap3A_289], %add3A_287 {strides = array<i32>} : memref<32x1024xf32, #tpu.memory_space<vmem>>, vector<16xf32>,
      %get3A_291 = arith.index_cast %scan3A_122 : i32 to index
      %get3A_292 = arith.constant 224 : index
      %get3A_293 = tpu.vector_load %arg9[%get3A_291, %get3A_292] {strides = array<i32>} : memref<32x1024xf32, #tpu.memory_space<vmem>>, vector<16xf32>,
      %mul3A_294 = arith.mulf %get3A_293, %bitcast3A : vector<16xf32>
      %get3A_295 = arith.index_cast %scan3A_122 : i32 to index
      %get3A_296 = arith.constant 224 : index
      %get3A_297 = tpu.vector_load %arg10[%get3A_295, %get3A_296] {strides = array<i32>} : memref<32x1024xf32, #tpu.memory_space<vmem>>, vector<16xf32>,
      %mul3A_298 = arith.mulf %get3A_297, %bitcast3A_124 : vector<16xf32>
      %add3A_299 = arith.addf %mul3A_294, %mul3A_298 : vector<16xf32>
      %swap3A_300 = arith.index_cast %scan3A_122 : i32 to index
      %swap3A_301 = arith.constant 224 : index
      %swap3A_302 = tpu.vector_load %arg9[%swap3A_300, %swap3A_301] {strides = array<i32>} : memref<32x1024xf32, #tpu.memory_space<vmem>>, vector<16xf32>,
      tpu.vector_store %arg9[%swap3A_300, %swap3A_301], %add3A_299 {strides = array<i32>} : memref<32x1024xf32, #tpu.memory_space<vmem>>, vector<16xf32>,
      %get3A_303 = arith.index_cast %scan3A_122 : i32 to index
      %get3A_304 = arith.constant 240 : index
      %get3A_305 = tpu.vector_load %arg9[%get3A_303, %get3A_304] {strides = array<i32>} : memref<32x1024xf32, #tpu.memory_space<vmem>>, vector<16xf32>,
      %mul3A_306 = arith.mulf %get3A_305, %bitcast3A : vector<16xf32>
      %get3A_307 = arith.index_cast %scan3A_122 : i32 to index
      %get3A_308 = arith.constant 240 : index
      %get3A_309 = tpu.vector_load %arg10[%get3A_307, %get3A_308] {strides = array<i32>} : memref<32x1024xf32, #tpu.memory_space<vmem>>, vector<16xf32>,
      %mul3A_310 = arith.mulf %get3A_309, %bitcast3A_124 : vector<16xf32>
      %add3A_311 = arith.addf %mul3A_306, %mul3A_310 : vector<16xf32>
      %swap3A_312 = arith.index_cast %scan3A_122 : i32 to index
      %swap3A_313 = arith.constant 240 : index
      %swap3A_314 = tpu.vector_load %arg9[%swap3A_312, %swap3A_313] {strides = array<i32>} : memref<32x1024xf32, #tpu.memory_space<vmem>>, vector<16xf32>,
      tpu.vector_store %arg9[%swap3A_312, %swap3A_313], %add3A_311 {strides = array<i32>} : memref<32x1024xf32, #tpu.memory_space<vmem>>, vector<16xf32>,
      %get3A_315 = arith.index_cast %scan3A_122 : i32 to index
      %get3A_316 = arith.constant 256 : index
      %get3A_317 = tpu.vector_load %arg9[%get3A_315, %get3A_316] {strides = array<i32>} : memref<32x1024xf32, #tpu.memory_space<vmem>>, vector<16xf32>,
      %mul3A_318 = arith.mulf %get3A_317, %bitcast3A : vector<16xf32>
      %get3A_319 = arith.index_cast %scan3A_122 : i32 to index
      %get3A_320 = arith.constant 256 : index
      %get3A_321 = tpu.vector_load %arg10[%get3A_319, %get3A_320] {strides = array<i32>} : memref<32x1024xf32, #tpu.memory_space<vmem>>, vector<16xf32>,
      %mul3A_322 = arith.mulf %get3A_321, %bitcast3A_124 : vector<16xf32>
      %add3A_323 = arith.addf %mul3A_318, %mul3A_322 : vector<16xf32>
      %swap3A_324 = arith.index_cast %scan3A_122 : i32 to index
      %swap3A_325 = arith.constant 256 : index
      %swap3A_326 = tpu.vector_load %arg9[%swap3A_324, %swap3A_325] {strides = array<i32>} : memref<32x1024xf32, #tpu.memory_space<vmem>>, vector<16xf32>,
      tpu.vector_store %arg9[%swap3A_324, %swap3A_325], %add3A_323 {strides = array<i32>} : memref<32x1024xf32, #tpu.memory_space<vmem>>, vector<16xf32>,
      %get3A_327 = arith.index_cast %scan3A_122 : i32 to index
      %get3A_328 = arith.constant 272 : index
      %get3A_329 = tpu.vector_load %arg9[%get3A_327, %get3A_328] {strides = array<i32>} : memref<32x1024xf32, #tpu.memory_space<vmem>>, vector<16xf32>,
      %mul3A_330 = arith.mulf %get3A_329, %bitcast3A : vector<16xf32>
      %get3A_331 = arith.index_cast %scan3A_122 : i32 to index
      %get3A_332 = arith.constant 272 : index
      %get3A_333 = tpu.vector_load %arg10[%get3A_331, %get3A_332] {strides = array<i32>} : memref<32x1024xf32, #tpu.memory_space<vmem>>, vector<16xf32>,
      %mul3A_334 = arith.mulf %get3A_333, %bitcast3A_124 : vector<16xf32>
      %add3A_335 = arith.addf %mul3A_330, %mul3A_334 : vector<16xf32>
      %swap3A_336 = arith.index_cast %scan3A_122 : i32 to index
      %swap3A_337 = arith.constant 272 : index
      %swap3A_338 = tpu.vector_load %arg9[%swap3A_336, %swap3A_337] {strides = array<i32>} : memref<32x1024xf32, #tpu.memory_space<vmem>>, vector<16xf32>,
      tpu.vector_store %arg9[%swap3A_336, %swap3A_337], %add3A_335 {strides = array<i32>} : memref<32x1024xf32, #tpu.memory_space<vmem>>, vector<16xf32>,
      %get3A_339 = arith.index_cast %scan3A_122 : i32 to index
      %get3A_340 = arith.constant 288 : index
      %get3A_341 = tpu.vector_load %arg9[%get3A_339, %get3A_340] {strides = array<i32>} : memref<32x1024xf32, #tpu.memory_space<vmem>>, vector<16xf32>,
      %mul3A_342 = arith.mulf %get3A_341, %bitcast3A : vector<16xf32>
      %get3A_343 = arith.index_cast %scan3A_122 : i32 to index
      %get3A_344 = arith.constant 288 : index
      %get3A_345 = tpu.vector_load %arg10[%get3A_343, %get3A_344] {strides = array<i32>} : memref<32x1024xf32, #tpu.memory_space<vmem>>, vector<16xf32>,
      %mul3A_346 = arith.mulf %get3A_345, %bitcast3A_124 : vector<16xf32>
      %add3A_347 = arith.addf %mul3A_342, %mul3A_346 : vector<16xf32>
      %swap3A_348 = arith.index_cast %scan3A_122 : i32 to index
      %swap3A_349 = arith.constant 288 : index
      %swap3A_350 = tpu.vector_load %arg9[%swap3A_348, %swap3A_349] {strides = array<i32>} : memref<32x1024xf32, #tpu.memory_space<vmem>>, vector<16xf32>,
      tpu.vector_store %arg9[%swap3A_348, %swap3A_349], %add3A_347 {strides = array<i32>} : memref<32x1024xf32, #tpu.memory_space<vmem>>, vector<16xf32>,
      %get3A_351 = arith.index_cast %scan3A_122 : i32 to index
      %get3A_352 = arith.constant 304 : index
      %get3A_353 = tpu.vector_load %arg9[%get3A_351, %get3A_352] {strides = array<i32>} : memref<32x1024xf32, #tpu.memory_space<vmem>>, vector<16xf32>,
      %mul3A_354 = arith.mulf %get3A_353, %bitcast3A : vector<16xf32>
      %get3A_355 = arith.index_cast %scan3A_122 : i32 to index
      %get3A_356 = arith.constant 304 : index
      %get3A_357 = tpu.vector_load %arg10[%get3A_355, %get3A_356] {strides = array<i32>} : memref<32x1024xf32, #tpu.memory_space<vmem>>, vector<16xf32>,
      %mul3A_358 = arith.mulf %get3A_357, %bitcast3A_124 : vector<16xf32>
      %add3A_359 = arith.addf %mul3A_354, %mul3A_358 : vector<16xf32>
      %swap3A_360 = arith.index_cast %scan3A_122 : i32 to index
      %swap3A_361 = arith.constant 304 : index
      %swap3A_362 = tpu.vector_load %arg9[%swap3A_360, %swap3A_361] {strides = array<i32>} : memref<32x1024xf32, #tpu.memory_space<vmem>>, vector<16xf32>,
      tpu.vector_store %arg9[%swap3A_360, %swap3A_361], %add3A_359 {strides = array<i32>} : memref<32x1024xf32, #tpu.memory_space<vmem>>, vector<16xf32>,
      %get3A_363 = arith.index_cast %scan3A_122 : i32 to index
      %get3A_364 = arith.constant 320 : index
      %get3A_365 = tpu.vector_load %arg9[%get3A_363, %get3A_364] {strides = array<i32>} : memref<32x1024xf32, #tpu.memory_space<vmem>>, vector<16xf32>,
      %mul3A_366 = arith.mulf %get3A_365, %bitcast3A : vector<16xf32>
      %get3A_367 = arith.index_cast %scan3A_122 : i32 to index
      %get3A_368 = arith.constant 320 : index
      %get3A_369 = tpu.vector_load %arg10[%get3A_367, %get3A_368] {strides = array<i32>} : memref<32x1024xf32, #tpu.memory_space<vmem>>, vector<16xf32>,
      %mul3A_370 = arith.mulf %get3A_369, %bitcast3A_124 : vector<16xf32>
      %add3A_371 = arith.addf %mul3A_366, %mul3A_370 : vector<16xf32>
      %swap3A_372 = arith.index_cast %scan3A_122 : i32 to index
      %swap3A_373 = arith.constant 320 : index
      %swap3A_374 = tpu.vector_load %arg9[%swap3A_372, %swap3A_373] {strides = array<i32>} : memref<32x1024xf32, #tpu.memory_space<vmem>>, vector<16xf32>,
      tpu.vector_store %arg9[%swap3A_372, %swap3A_373], %add3A_371 {strides = array<i32>} : memref<32x1024xf32, #tpu.memory_space<vmem>>, vector<16xf32>,
      %get3A_375 = arith.index_cast %scan3A_122 : i32 to index
      %get3A_376 = arith.constant 336 : index
      %get3A_377 = tpu.vector_load %arg9[%get3A_375, %get3A_376] {strides = array<i32>} : memref<32x1024xf32, #tpu.memory_space<vmem>>, vector<16xf32>,
      %mul3A_378 = arith.mulf %get3A_377, %bitcast3A : vector<16xf32>
      %get3A_379 = arith.index_cast %scan3A_122 : i32 to index
      %get3A_380 = arith.constant 336 : index
      %get3A_381 = tpu.vector_load %arg10[%get3A_379, %get3A_380] {strides = array<i32>} : memref<32x1024xf32, #tpu.memory_space<vmem>>, vector<16xf32>,
      %mul3A_382 = arith.mulf %get3A_381, %bitcast3A_124 : vector<16xf32>
      %add3A_383 = arith.addf %mul3A_378, %mul3A_382 : vector<16xf32>
      %swap3A_384 = arith.index_cast %scan3A_122 : i32 to index
      %swap3A_385 = arith.constant 336 : index
      %swap3A_386 = tpu.vector_load %arg9[%swap3A_384, %swap3A_385] {strides = array<i32>} : memref<32x1024xf32, #tpu.memory_space<vmem>>, vector<16xf32>,
      tpu.vector_store %arg9[%swap3A_384, %swap3A_385], %add3A_383 {strides = array<i32>} : memref<32x1024xf32, #tpu.memory_space<vmem>>, vector<16xf32>,
      %get3A_387 = arith.index_cast %scan3A_122 : i32 to index
      %get3A_388 = arith.constant 352 : index
      %get3A_389 = tpu.vector_load %arg9[%get3A_387, %get3A_388] {strides = array<i32>} : memref<32x1024xf32, #tpu.memory_space<vmem>>, vector<16xf32>,
      %mul3A_390 = arith.mulf %get3A_389, %bitcast3A : vector<16xf32>
      %get3A_391 = arith.index_cast %scan3A_122 : i32 to index
      %get3A_392 = arith.constant 352 : index
      %get3A_393 = tpu.vector_load %arg10[%get3A_391, %get3A_392] {strides = array<i32>} : memref<32x1024xf32, #tpu.memory_space<vmem>>, vector<16xf32>,
      %mul3A_394 = arith.mulf %get3A_393, %bitcast3A_124 : vector<16xf32>
      %add3A_395 = arith.addf %mul3A_390, %mul3A_394 : vector<16xf32>
      %swap3A_396 = arith.index_cast %scan3A_122 : i32 to index
      %swap3A_397 = arith.constant 352 : index
      %swap3A_398 = tpu.vector_load %arg9[%swap3A_396, %swap3A_397] {strides = array<i32>} : memref<32x1024xf32, #tpu.memory_space<vmem>>, vector<16xf32>,
      tpu.vector_store %arg9[%swap3A_396, %swap3A_397], %add3A_395 {strides = array<i32>} : memref<32x1024xf32, #tpu.memory_space<vmem>>, vector<16xf32>,
      %get3A_399 = arith.index_cast %scan3A_122 : i32 to index
      %get3A_400 = arith.constant 368 : index
      %get3A_401 = tpu.vector_load %arg9[%get3A_399, %get3A_400] {strides = array<i32>} : memref<32x1024xf32, #tpu.memory_space<vmem>>, vector<16xf32>,
      %mul3A_402 = arith.mulf %get3A_401, %bitcast3A : vector<16xf32>
      %get3A_403 = arith.index_cast %scan3A_122 : i32 to index
      %get3A_404 = arith.constant 368 : index
      %get3A_405 = tpu.vector_load %arg10[%get3A_403, %get3A_404] {strides = array<i32>} : memref<32x1024xf32, #tpu.memory_space<vmem>>, vector<16xf32>,
      %mul3A_406 = arith.mulf %get3A_405, %bitcast3A_124 : vector<16xf32>
      %add3A_407 = arith.addf %mul3A_402, %mul3A_406 : vector<16xf32>
      %swap3A_408 = arith.index_cast %scan3A_122 : i32 to index
      %swap3A_409 = arith.constant 368 : index
      %swap3A_410 = tpu.vector_load %arg9[%swap3A_408, %swap3A_409] {strides = array<i32>} : memref<32x1024xf32, #tpu.memory_space<vmem>>, vector<16xf32>,
      tpu.vector_store %arg9[%swap3A_408, %swap3A_409], %add3A_407 {strides = array<i32>} : memref<32x1024xf32, #tpu.memory_space<vmem>>, vector<16xf32>,
      %get3A_411 = arith.index_cast %scan3A_122 : i32 to index
      %get3A_412 = arith.constant 384 : index
      %get3A_413 = tpu.vector_load %arg9[%get3A_411, %get3A_412] {strides = array<i32>} : memref<32x1024xf32, #tpu.memory_space<vmem>>, vector<16xf32>,
      %mul3A_414 = arith.mulf %get3A_413, %bitcast3A : vector<16xf32>
      %get3A_415 = arith.index_cast %scan3A_122 : i32 to index
      %get3A_416 = arith.constant 384 : index
      %get3A_417 = tpu.vector_load %arg10[%get3A_415, %get3A_416] {strides = array<i32>} : memref<32x1024xf32, #tpu.memory_space<vmem>>, vector<16xf32>,
      %mul3A_418 = arith.mulf %get3A_417, %bitcast3A_124 : vector<16xf32>
      %add3A_419 = arith.addf %mul3A_414, %mul3A_418 : vector<16xf32>
      %swap3A_420 = arith.index_cast %scan3A_122 : i32 to index
      %swap3A_421 = arith.constant 384 : index
      %swap3A_422 = tpu.vector_load %arg9[%swap3A_420, %swap3A_421] {strides = array<i32>} : memref<32x1024xf32, #tpu.memory_space<vmem>>, vector<16xf32>,
      tpu.vector_store %arg9[%swap3A_420, %swap3A_421], %add3A_419 {strides = array<i32>} : memref<32x1024xf32, #tpu.memory_space<vmem>>, vector<16xf32>,
      %get3A_423 = arith.index_cast %scan3A_122 : i32 to index
      %get3A_424 = arith.constant 400 : index
      %get3A_425 = tpu.vector_load %arg9[%get3A_423, %get3A_424] {strides = array<i32>} : memref<32x1024xf32, #tpu.memory_space<vmem>>, vector<16xf32>,
      %mul3A_426 = arith.mulf %get3A_425, %bitcast3A : vector<16xf32>
      %get3A_427 = arith.index_cast %scan3A_122 : i32 to index
      %get3A_428 = arith.constant 400 : index
      %get3A_429 = tpu.vector_load %arg10[%get3A_427, %get3A_428] {strides = array<i32>} : memref<32x1024xf32, #tpu.memory_space<vmem>>, vector<16xf32>,
      %mul3A_430 = arith.mulf %get3A_429, %bitcast3A_124 : vector<16xf32>
      %add3A_431 = arith.addf %mul3A_426, %mul3A_430 : vector<16xf32>
      %swap3A_432 = arith.index_cast %scan3A_122 : i32 to index
      %swap3A_433 = arith.constant 400 : index
      %swap3A_434 = tpu.vector_load %arg9[%swap3A_432, %swap3A_433] {strides = array<i32>} : memref<32x1024xf32, #tpu.memory_space<vmem>>, vector<16xf32>,
      tpu.vector_store %arg9[%swap3A_432, %swap3A_433], %add3A_431 {strides = array<i32>} : memref<32x1024xf32, #tpu.memory_space<vmem>>, vector<16xf32>,
      %get3A_435 = arith.index_cast %scan3A_122 : i32 to index
      %get3A_436 = arith.constant 416 : index
      %get3A_437 = tpu.vector_load %arg9[%get3A_435, %get3A_436] {strides = array<i32>} : memref<32x1024xf32, #tpu.memory_space<vmem>>, vector<16xf32>,
      %mul3A_438 = arith.mulf %get3A_437, %bitcast3A : vector<16xf32>
      %get3A_439 = arith.index_cast %scan3A_122 : i32 to index
      %get3A_440 = arith.constant 416 : index
      %get3A_441 = tpu.vector_load %arg10[%get3A_439, %get3A_440] {strides = array<i32>} : memref<32x1024xf32, #tpu.memory_space<vmem>>, vector<16xf32>,
      %mul3A_442 = arith.mulf %get3A_441, %bitcast3A_124 : vector<16xf32>
      %add3A_443 = arith.addf %mul3A_438, %mul3A_442 : vector<16xf32>
      %swap3A_444 = arith.index_cast %scan3A_122 : i32 to index
      %swap3A_445 = arith.constant 416 : index
      %swap3A_446 = tpu.vector_load %arg9[%swap3A_444, %swap3A_445] {strides = array<i32>} : memref<32x1024xf32, #tpu.memory_space<vmem>>, vector<16xf32>,
      tpu.vector_store %arg9[%swap3A_444, %swap3A_445], %add3A_443 {strides = array<i32>} : memref<32x1024xf32, #tpu.memory_space<vmem>>, vector<16xf32>,
      %get3A_447 = arith.index_cast %scan3A_122 : i32 to index
      %get3A_448 = arith.constant 432 : index
      %get3A_449 = tpu.vector_load %arg9[%get3A_447, %get3A_448] {strides = array<i32>} : memref<32x1024xf32, #tpu.memory_space<vmem>>, vector<16xf32>,
      %mul3A_450 = arith.mulf %get3A_449, %bitcast3A : vector<16xf32>
      %get3A_451 = arith.index_cast %scan3A_122 : i32 to index
      %get3A_452 = arith.constant 432 : index
      %get3A_453 = tpu.vector_load %arg10[%get3A_451, %get3A_452] {strides = array<i32>} : memref<32x1024xf32, #tpu.memory_space<vmem>>, vector<16xf32>,
      %mul3A_454 = arith.mulf %get3A_453, %bitcast3A_124 : vector<16xf32>
      %add3A_455 = arith.addf %mul3A_450, %mul3A_454 : vector<16xf32>
      %swap3A_456 = arith.index_cast %scan3A_122 : i32 to index
      %swap3A_457 = arith.constant 432 : index
      %swap3A_458 = tpu.vector_load %arg9[%swap3A_456, %swap3A_457] {strides = array<i32>} : memref<32x1024xf32, #tpu.memory_space<vmem>>, vector<16xf32>,
      tpu.vector_store %arg9[%swap3A_456, %swap3A_457], %add3A_455 {strides = array<i32>} : memref<32x1024xf32, #tpu.memory_space<vmem>>, vector<16xf32>,
      %get3A_459 = arith.index_cast %scan3A_122 : i32 to index
      %get3A_460 = arith.constant 448 : index
      %get3A_461 = tpu.vector_load %arg9[%get3A_459, %get3A_460] {strides = array<i32>} : memref<32x1024xf32, #tpu.memory_space<vmem>>, vector<16xf32>,
      %mul3A_462 = arith.mulf %get3A_461, %bitcast3A : vector<16xf32>
      %get3A_463 = arith.index_cast %scan3A_122 : i32 to index
      %get3A_464 = arith.constant 448 : index
      %get3A_465 = tpu.vector_load %arg10[%get3A_463, %get3A_464] {strides = array<i32>} : memref<32x1024xf32, #tpu.memory_space<vmem>>, vector<16xf32>,
      %mul3A_466 = arith.mulf %get3A_465, %bitcast3A_124 : vector<16xf32>
      %add3A_467 = arith.addf %mul3A_462, %mul3A_466 : vector<16xf32>
      %swap3A_468 = arith.index_cast %scan3A_122 : i32 to index
      %swap3A_469 = arith.constant 448 : index
      %swap3A_470 = tpu.vector_load %arg9[%swap3A_468, %swap3A_469] {strides = array<i32>} : memref<32x1024xf32, #tpu.memory_space<vmem>>, vector<16xf32>,
      tpu.vector_store %arg9[%swap3A_468, %swap3A_469], %add3A_467 {strides = array<i32>} : memref<32x1024xf32, #tpu.memory_space<vmem>>, vector<16xf32>,
      %get3A_471 = arith.index_cast %scan3A_122 : i32 to index
      %get3A_472 = arith.constant 464 : index
      %get3A_473 = tpu.vector_load %arg9[%get3A_471, %get3A_472] {strides = array<i32>} : memref<32x1024xf32, #tpu.memory_space<vmem>>, vector<16xf32>,
      %mul3A_474 = arith.mulf %get3A_473, %bitcast3A : vector<16xf32>
      %get3A_475 = arith.index_cast %scan3A_122 : i32 to index
      %get3A_476 = arith.constant 464 : index
      %get3A_477 = tpu.vector_load %arg10[%get3A_475, %get3A_476] {strides = array<i32>} : memref<32x1024xf32, #tpu.memory_space<vmem>>, vector<16xf32>,
      %mul3A_478 = arith.mulf %get3A_477, %bitcast3A_124 : vector<16xf32>
      %add3A_479 = arith.addf %mul3A_474, %mul3A_478 : vector<16xf32>
      %swap3A_480 = arith.index_cast %scan3A_122 : i32 to index
      %swap3A_481 = arith.constant 464 : index
      %swap3A_482 = tpu.vector_load %arg9[%swap3A_480, %swap3A_481] {strides = array<i32>} : memref<32x1024xf32, #tpu.memory_space<vmem>>, vector<16xf32>,
      tpu.vector_store %arg9[%swap3A_480, %swap3A_481], %add3A_479 {strides = array<i32>} : memref<32x1024xf32, #tpu.memory_space<vmem>>, vector<16xf32>,
      %get3A_483 = arith.index_cast %scan3A_122 : i32 to index
      %get3A_484 = arith.constant 480 : index
      %get3A_485 = tpu.vector_load %arg9[%get3A_483, %get3A_484] {strides = array<i32>} : memref<32x1024xf32, #tpu.memory_space<vmem>>, vector<16xf32>,
      %mul3A_486 = arith.mulf %get3A_485, %bitcast3A : vector<16xf32>
      %get3A_487 = arith.index_cast %scan3A_122 : i32 to index
      %get3A_488 = arith.constant 480 : index
      %get3A_489 = tpu.vector_load %arg10[%get3A_487, %get3A_488] {strides = array<i32>} : memref<32x1024xf32, #tpu.memory_space<vmem>>, vector<16xf32>,
      %mul3A_490 = arith.mulf %get3A_489, %bitcast3A_124 : vector<16xf32>
      %add3A_491 = arith.addf %mul3A_486, %mul3A_490 : vector<16xf32>
      %swap3A_492 = arith.index_cast %scan3A_122 : i32 to index
      %swap3A_493 = arith.constant 480 : index
      %swap3A_494 = tpu.vector_load %arg9[%swap3A_492, %swap3A_493] {strides = array<i32>} : memref<32x1024xf32, #tpu.memory_space<vmem>>, vector<16xf32>,
      tpu.vector_store %arg9[%swap3A_492, %swap3A_493], %add3A_491 {strides = array<i32>} : memref<32x1024xf32, #tpu.memory_space<vmem>>, vector<16xf32>,
      %get3A_495 = arith.index_cast %scan3A_122 : i32 to index
      %get3A_496 = arith.constant 496 : index
      %get3A_497 = tpu.vector_load %arg9[%get3A_495, %get3A_496] {strides = array<i32>} : memref<32x1024xf32, #tpu.memory_space<vmem>>, vector<16xf32>,
      %mul3A_498 = arith.mulf %get3A_497, %bitcast3A : vector<16xf32>
      %get3A_499 = arith.index_cast %scan3A_122 : i32 to index
      %get3A_500 = arith.constant 496 : index
      %get3A_501 = tpu.vector_load %arg10[%get3A_499, %get3A_500] {strides = array<i32>} : memref<32x1024xf32, #tpu.memory_space<vmem>>, vector<16xf32>,
      %mul3A_502 = arith.mulf %get3A_501, %bitcast3A_124 : vector<16xf32>
      %add3A_503 = arith.addf %mul3A_498, %mul3A_502 : vector<16xf32>
      %swap3A_504 = arith.index_cast %scan3A_122 : i32 to index
      %swap3A_505 = arith.constant 496 : index
      %swap3A_506 = tpu.vector_load %arg9[%swap3A_504, %swap3A_505] {strides = array<i32>} : memref<32x1024xf32, #tpu.memory_space<vmem>>, vector<16xf32>,
      tpu.vector_store %arg9[%swap3A_504, %swap3A_505], %add3A_503 {strides = array<i32>} : memref<32x1024xf32, #tpu.memory_space<vmem>>, vector<16xf32>,
      %get3A_507 = arith.index_cast %scan3A_122 : i32 to index
      %get3A_508 = arith.constant 512 : index
      %get3A_509 = tpu.vector_load %arg9[%get3A_507, %get3A_508] {strides = array<i32>} : memref<32x1024xf32, #tpu.memory_space<vmem>>, vector<16xf32>,
      %mul3A_510 = arith.mulf %get3A_509, %bitcast3A : vector<16xf32>
      %get3A_511 = arith.index_cast %scan3A_122 : i32 to index
      %get3A_512 = arith.constant 512 : index
      %get3A_513 = tpu.vector_load %arg10[%get3A_511, %get3A_512] {strides = array<i32>} : memref<32x1024xf32, #tpu.memory_space<vmem>>, vector<16xf32>,
      %mul3A_514 = arith.mulf %get3A_513, %bitcast3A_124 : vector<16xf32>
      %add3A_515 = arith.addf %mul3A_510, %mul3A_514 : vector<16xf32>
      %swap3A_516 = arith.index_cast %scan3A_122 : i32 to index
      %swap3A_517 = arith.constant 512 : index
      %swap3A_518 = tpu.vector_load %arg9[%swap3A_516, %swap3A_517] {strides = array<i32>} : memref<32x1024xf32, #tpu.memory_space<vmem>>, vector<16xf32>,
      tpu.vector_store %arg9[%swap3A_516, %swap3A_517], %add3A_515 {strides = array<i32>} : memref<32x1024xf32, #tpu.memory_space<vmem>>, vector<16xf32>,
      %get3A_519 = arith.index_cast %scan3A_122 : i32 to index
      %get3A_520 = arith.constant 528 : index
      %get3A_521 = tpu.vector_load %arg9[%get3A_519, %get3A_520] {strides = array<i32>} : memref<32x1024xf32, #tpu.memory_space<vmem>>, vector<16xf32>,
      %mul3A_522 = arith.mulf %get3A_521, %bitcast3A : vector<16xf32>
      %get3A_523 = arith.index_cast %scan3A_122 : i32 to index
      %get3A_524 = arith.constant 528 : index
      %get3A_525 = tpu.vector_load %arg10[%get3A_523, %get3A_524] {strides = array<i32>} : memref<32x1024xf32, #tpu.memory_space<vmem>>, vector<16xf32>,
      %mul3A_526 = arith.mulf %get3A_525, %bitcast3A_124 : vector<16xf32>
      %add3A_527 = arith.addf %mul3A_522, %mul3A_526 : vector<16xf32>
      %swap3A_528 = arith.index_cast %scan3A_122 : i32 to index
      %swap3A_529 = arith.constant 528 : index
      %swap3A_530 = tpu.vector_load %arg9[%swap3A_528, %swap3A_529] {strides = array<i32>} : memref<32x1024xf32, #tpu.memory_space<vmem>>, vector<16xf32>,
      tpu.vector_store %arg9[%swap3A_528, %swap3A_529], %add3A_527 {strides = array<i32>} : memref<32x1024xf32, #tpu.memory_space<vmem>>, vector<16xf32>,
      %get3A_531 = arith.index_cast %scan3A_122 : i32 to index
      %get3A_532 = arith.constant 544 : index
      %get3A_533 = tpu.vector_load %arg9[%get3A_531, %get3A_532] {strides = array<i32>} : memref<32x1024xf32, #tpu.memory_space<vmem>>, vector<16xf32>,
      %mul3A_534 = arith.mulf %get3A_533, %bitcast3A : vector<16xf32>
      %get3A_535 = arith.index_cast %scan3A_122 : i32 to index
      %get3A_536 = arith.constant 544 : index
      %get3A_537 = tpu.vector_load %arg10[%get3A_535, %get3A_536] {strides = array<i32>} : memref<32x1024xf32, #tpu.memory_space<vmem>>, vector<16xf32>,
      %mul3A_538 = arith.mulf %get3A_537, %bitcast3A_124 : vector<16xf32>
      %add3A_539 = arith.addf %mul3A_534, %mul3A_538 : vector<16xf32>
      %swap3A_540 = arith.index_cast %scan3A_122 : i32 to index
      %swap3A_541 = arith.constant 544 : index
      %swap3A_542 = tpu.vector_load %arg9[%swap3A_540, %swap3A_541] {strides = array<i32>} : memref<32x1024xf32, #tpu.memory_space<vmem>>, vector<16xf32>,
      tpu.vector_store %arg9[%swap3A_540, %swap3A_541], %add3A_539 {strides = array<i32>} : memref<32x1024xf32, #tpu.memory_space<vmem>>, vector<16xf32>,
      %get3A_543 = arith.index_cast %scan3A_122 : i32 to index
      %get3A_544 = arith.constant 560 : index
      %get3A_545 = tpu.vector_load %arg9[%get3A_543, %get3A_544] {strides = array<i32>} : memref<32x1024xf32, #tpu.memory_space<vmem>>, vector<16xf32>,
      %mul3A_546 = arith.mulf %get3A_545, %bitcast3A : vector<16xf32>
      %get3A_547 = arith.index_cast %scan3A_122 : i32 to index
      %get3A_548 = arith.constant 560 : index
      %get3A_549 = tpu.vector_load %arg10[%get3A_547, %get3A_548] {strides = array<i32>} : memref<32x1024xf32, #tpu.memory_space<vmem>>, vector<16xf32>,
      %mul3A_550 = arith.mulf %get3A_549, %bitcast3A_124 : vector<16xf32>
      %add3A_551 = arith.addf %mul3A_546, %mul3A_550 : vector<16xf32>
      %swap3A_552 = arith.index_cast %scan3A_122 : i32 to index
      %swap3A_553 = arith.constant 560 : index
      %swap3A_554 = tpu.vector_load %arg9[%swap3A_552, %swap3A_553] {strides = array<i32>} : memref<32x1024xf32, #tpu.memory_space<vmem>>, vector<16xf32>,
      tpu.vector_store %arg9[%swap3A_552, %swap3A_553], %add3A_551 {strides = array<i32>} : memref<32x1024xf32, #tpu.memory_space<vmem>>, vector<16xf32>,
      %get3A_555 = arith.index_cast %scan3A_122 : i32 to index
      %get3A_556 = arith.constant 576 : index
      %get3A_557 = tpu.vector_load %arg9[%get3A_555, %get3A_556] {strides = array<i32>} : memref<32x1024xf32, #tpu.memory_space<vmem>>, vector<16xf32>,
      %mul3A_558 = arith.mulf %get3A_557, %bitcast3A : vector<16xf32>
      %get3A_559 = arith.index_cast %scan3A_122 : i32 to index
      %get3A_560 = arith.constant 576 : index
      %get3A_561 = tpu.vector_load %arg10[%get3A_559, %get3A_560] {strides = array<i32>} : memref<32x1024xf32, #tpu.memory_space<vmem>>, vector<16xf32>,
      %mul3A_562 = arith.mulf %get3A_561, %bitcast3A_124 : vector<16xf32>
      %add3A_563 = arith.addf %mul3A_558, %mul3A_562 : vector<16xf32>
      %swap3A_564 = arith.index_cast %scan3A_122 : i32 to index
      %swap3A_565 = arith.constant 576 : index
      %swap3A_566 = tpu.vector_load %arg9[%swap3A_564, %swap3A_565] {strides = array<i32>} : memref<32x1024xf32, #tpu.memory_space<vmem>>, vector<16xf32>,
      tpu.vector_store %arg9[%swap3A_564, %swap3A_565], %add3A_563 {strides = array<i32>} : memref<32x1024xf32, #tpu.memory_space<vmem>>, vector<16xf32>,
      %get3A_567 = arith.index_cast %scan3A_122 : i32 to index
      %get3A_568 = arith.constant 592 : index
      %get3A_569 = tpu.vector_load %arg9[%get3A_567, %get3A_568] {strides = array<i32>} : memref<32x1024xf32, #tpu.memory_space<vmem>>, vector<16xf32>,
      %mul3A_570 = arith.mulf %get3A_569, %bitcast3A : vector<16xf32>
      %get3A_571 = arith.index_cast %scan3A_122 : i32 to index
      %get3A_572 = arith.constant 592 : index
      %get3A_573 = tpu.vector_load %arg10[%get3A_571, %get3A_572] {strides = array<i32>} : memref<32x1024xf32, #tpu.memory_space<vmem>>, vector<16xf32>,
      %mul3A_574 = arith.mulf %get3A_573, %bitcast3A_124 : vector<16xf32>
      %add3A_575 = arith.addf %mul3A_570, %mul3A_574 : vector<16xf32>
      %swap3A_576 = arith.index_cast %scan3A_122 : i32 to index
      %swap3A_577 = arith.constant 592 : index
      %swap3A_578 = tpu.vector_load %arg9[%swap3A_576, %swap3A_577] {strides = array<i32>} : memref<32x1024xf32, #tpu.memory_space<vmem>>, vector<16xf32>,
      tpu.vector_store %arg9[%swap3A_576, %swap3A_577], %add3A_575 {strides = array<i32>} : memref<32x1024xf32, #tpu.memory_space<vmem>>, vector<16xf32>,
      %get3A_579 = arith.index_cast %scan3A_122 : i32 to index
      %get3A_580 = arith.constant 608 : index
      %get3A_581 = tpu.vector_load %arg9[%get3A_579, %get3A_580] {strides = array<i32>} : memref<32x1024xf32, #tpu.memory_space<vmem>>, vector<16xf32>,
      %mul3A_582 = arith.mulf %get3A_581, %bitcast3A : vector<16xf32>
      %get3A_583 = arith.index_cast %scan3A_122 : i32 to index
      %get3A_584 = arith.constant 608 : index
      %get3A_585 = tpu.vector_load %arg10[%get3A_583, %get3A_584] {strides = array<i32>} : memref<32x1024xf32, #tpu.memory_space<vmem>>, vector<16xf32>,
      %mul3A_586 = arith.mulf %get3A_585, %bitcast3A_124 : vector<16xf32>
      %add3A_587 = arith.addf %mul3A_582, %mul3A_586 : vector<16xf32>
      %swap3A_588 = arith.index_cast %scan3A_122 : i32 to index
      %swap3A_589 = arith.constant 608 : index
      %swap3A_590 = tpu.vector_load %arg9[%swap3A_588, %swap3A_589] {strides = array<i32>} : memref<32x1024xf32, #tpu.memory_space<vmem>>, vector<16xf32>,
      tpu.vector_store %arg9[%swap3A_588, %swap3A_589], %add3A_587 {strides = array<i32>} : memref<32x1024xf32, #tpu.memory_space<vmem>>, vector<16xf32>,
      %get3A_591 = arith.index_cast %scan3A_122 : i32 to index
      %get3A_592 = arith.constant 624 : index
      %get3A_593 = tpu.vector_load %arg9[%get3A_591, %get3A_592] {strides = array<i32>} : memref<32x1024xf32, #tpu.memory_space<vmem>>, vector<16xf32>,
      %mul3A_594 = arith.mulf %get3A_593, %bitcast3A : vector<16xf32>
      %get3A_595 = arith.index_cast %scan3A_122 : i32 to index
      %get3A_596 = arith.constant 624 : index
      %get3A_597 = tpu.vector_load %arg10[%get3A_595, %get3A_596] {strides = array<i32>} : memref<32x1024xf32, #tpu.memory_space<vmem>>, vector<16xf32>,
      %mul3A_598 = arith.mulf %get3A_597, %bitcast3A_124 : vector<16xf32>
      %add3A_599 = arith.addf %mul3A_594, %mul3A_598 : vector<16xf32>
      %swap3A_600 = arith.index_cast %scan3A_122 : i32 to index
      %swap3A_601 = arith.constant 624 : index
      %swap3A_602 = tpu.vector_load %arg9[%swap3A_600, %swap3A_601] {strides = array<i32>} : memref<32x1024xf32, #tpu.memory_space<vmem>>, vector<16xf32>,
      tpu.vector_store %arg9[%swap3A_600, %swap3A_601], %add3A_599 {strides = array<i32>} : memref<32x1024xf32, #tpu.memory_space<vmem>>, vector<16xf32>,
      %get3A_603 = arith.index_cast %scan3A_122 : i32 to index
      %get3A_604 = arith.constant 640 : index
      %get3A_605 = tpu.vector_load %arg9[%get3A_603, %get3A_604] {strides = array<i32>} : memref<32x1024xf32, #tpu.memory_space<vmem>>, vector<16xf32>,
      %mul3A_606 = arith.mulf %get3A_605, %bitcast3A : vector<16xf32>
      %get3A_607 = arith.index_cast %scan3A_122 : i32 to index
      %get3A_608 = arith.constant 640 : index
      %get3A_609 = tpu.vector_load %arg10[%get3A_607, %get3A_608] {strides = array<i32>} : memref<32x1024xf32, #tpu.memory_space<vmem>>, vector<16xf32>,
      %mul3A_610 = arith.mulf %get3A_609, %bitcast3A_124 : vector<16xf32>
      %add3A_611 = arith.addf %mul3A_606, %mul3A_610 : vector<16xf32>
      %swap3A_612 = arith.index_cast %scan3A_122 : i32 to index
      %swap3A_613 = arith.constant 640 : index
      %swap3A_614 = tpu.vector_load %arg9[%swap3A_612, %swap3A_613] {strides = array<i32>} : memref<32x1024xf32, #tpu.memory_space<vmem>>, vector<16xf32>,
      tpu.vector_store %arg9[%swap3A_612, %swap3A_613], %add3A_611 {strides = array<i32>} : memref<32x1024xf32, #tpu.memory_space<vmem>>, vector<16xf32>,
      %get3A_615 = arith.index_cast %scan3A_122 : i32 to index
      %get3A_616 = arith.constant 656 : index
      %get3A_617 = tpu.vector_load %arg9[%get3A_615, %get3A_616] {strides = array<i32>} : memref<32x1024xf32, #tpu.memory_space<vmem>>, vector<16xf32>,
      %mul3A_618 = arith.mulf %get3A_617, %bitcast3A : vector<16xf32>
      %get3A_619 = arith.index_cast %scan3A_122 : i32 to index
      %get3A_620 = arith.constant 656 : index
      %get3A_621 = tpu.vector_load %arg10[%get3A_619, %get3A_620] {strides = array<i32>} : memref<32x1024xf32, #tpu.memory_space<vmem>>, vector<16xf32>,
      %mul3A_622 = arith.mulf %get3A_621, %bitcast3A_124 : vector<16xf32>
      %add3A_623 = arith.addf %mul3A_618, %mul3A_622 : vector<16xf32>
      %swap3A_624 = arith.index_cast %scan3A_122 : i32 to index
      %swap3A_625 = arith.constant 656 : index
      %swap3A_626 = tpu.vector_load %arg9[%swap3A_624, %swap3A_625] {strides = array<i32>} : memref<32x1024xf32, #tpu.memory_space<vmem>>, vector<16xf32>,
      tpu.vector_store %arg9[%swap3A_624, %swap3A_625], %add3A_623 {strides = array<i32>} : memref<32x1024xf32, #tpu.memory_space<vmem>>, vector<16xf32>,
      %get3A_627 = arith.index_cast %scan3A_122 : i32 to index
      %get3A_628 = arith.constant 672 : index
      %get3A_629 = tpu.vector_load %arg9[%get3A_627, %get3A_628] {strides = array<i32>} : memref<32x1024xf32, #tpu.memory_space<vmem>>, vector<16xf32>,
      %mul3A_630 = arith.mulf %get3A_629, %bitcast3A : vector<16xf32>
      %get3A_631 = arith.index_cast %scan3A_122 : i32 to index
      %get3A_632 = arith.constant 672 : index
      %get3A_633 = tpu.vector_load %arg10[%get3A_631, %get3A_632] {strides = array<i32>} : memref<32x1024xf32, #tpu.memory_space<vmem>>, vector<16xf32>,
      %mul3A_634 = arith.mulf %get3A_633, %bitcast3A_124 : vector<16xf32>
      %add3A_635 = arith.addf %mul3A_630, %mul3A_634 : vector<16xf32>
      %swap3A_636 = arith.index_cast %scan3A_122 : i32 to index
      %swap3A_637 = arith.constant 672 : index
      %swap3A_638 = tpu.vector_load %arg9[%swap3A_636, %swap3A_637] {strides = array<i32>} : memref<32x1024xf32, #tpu.memory_space<vmem>>, vector<16xf32>,
      tpu.vector_store %arg9[%swap3A_636, %swap3A_637], %add3A_635 {strides = array<i32>} : memref<32x1024xf32, #tpu.memory_space<vmem>>, vector<16xf32>,
      %get3A_639 = arith.index_cast %scan3A_122 : i32 to index
      %get3A_640 = arith.constant 688 : index
      %get3A_641 = tpu.vector_load %arg9[%get3A_639, %get3A_640] {strides = array<i32>} : memref<32x1024xf32, #tpu.memory_space<vmem>>, vector<16xf32>,
      %mul3A_642 = arith.mulf %get3A_641, %bitcast3A : vector<16xf32>
      %get3A_643 = arith.index_cast %scan3A_122 : i32 to index
      %get3A_644 = arith.constant 688 : index
      %get3A_645 = tpu.vector_load %arg10[%get3A_643, %get3A_644] {strides = array<i32>} : memref<32x1024xf32, #tpu.memory_space<vmem>>, vector<16xf32>,
      %mul3A_646 = arith.mulf %get3A_645, %bitcast3A_124 : vector<16xf32>
      %add3A_647 = arith.addf %mul3A_642, %mul3A_646 : vector<16xf32>
      %swap3A_648 = arith.index_cast %scan3A_122 : i32 to index
      %swap3A_649 = arith.constant 688 : index
      %swap3A_650 = tpu.vector_load %arg9[%swap3A_648, %swap3A_649] {strides = array<i32>} : memref<32x1024xf32, #tpu.memory_space<vmem>>, vector<16xf32>,
      tpu.vector_store %arg9[%swap3A_648, %swap3A_649], %add3A_647 {strides = array<i32>} : memref<32x1024xf32, #tpu.memory_space<vmem>>, vector<16xf32>,
      %get3A_651 = arith.index_cast %scan3A_122 : i32 to index
      %get3A_652 = arith.constant 704 : index
      %get3A_653 = tpu.vector_load %arg9[%get3A_651, %get3A_652] {strides = array<i32>} : memref<32x1024xf32, #tpu.memory_space<vmem>>, vector<16xf32>,
      %mul3A_654 = arith.mulf %get3A_653, %bitcast3A : vector<16xf32>
      %get3A_655 = arith.index_cast %scan3A_122 : i32 to index
      %get3A_656 = arith.constant 704 : index
      %get3A_657 = tpu.vector_load %arg10[%get3A_655, %get3A_656] {strides = array<i32>} : memref<32x1024xf32, #tpu.memory_space<vmem>>, vector<16xf32>,
      %mul3A_658 = arith.mulf %get3A_657, %bitcast3A_124 : vector<16xf32>
      %add3A_659 = arith.addf %mul3A_654, %mul3A_658 : vector<16xf32>
      %swap3A_660 = arith.index_cast %scan3A_122 : i32 to index
      %swap3A_661 = arith.constant 704 : index
      %swap3A_662 = tpu.vector_load %arg9[%swap3A_660, %swap3A_661] {strides = array<i32>} : memref<32x1024xf32, #tpu.memory_space<vmem>>, vector<16xf32>,
      tpu.vector_store %arg9[%swap3A_660, %swap3A_661], %add3A_659 {strides = array<i32>} : memref<32x1024xf32, #tpu.memory_space<vmem>>, vector<16xf32>,
      %get3A_663 = arith.index_cast %scan3A_122 : i32 to index
      %get3A_664 = arith.constant 720 : index
      %get3A_665 = tpu.vector_load %arg9[%get3A_663, %get3A_664] {strides = array<i32>} : memref<32x1024xf32, #tpu.memory_space<vmem>>, vector<16xf32>,
      %mul3A_666 = arith.mulf %get3A_665, %bitcast3A : vector<16xf32>
      %get3A_667 = arith.index_cast %scan3A_122 : i32 to index
      %get3A_668 = arith.constant 720 : index
      %get3A_669 = tpu.vector_load %arg10[%get3A_667, %get3A_668] {strides = array<i32>} : memref<32x1024xf32, #tpu.memory_space<vmem>>, vector<16xf32>,
      %mul3A_670 = arith.mulf %get3A_669, %bitcast3A_124 : vector<16xf32>
      %add3A_671 = arith.addf %mul3A_666, %mul3A_670 : vector<16xf32>
      %swap3A_672 = arith.index_cast %scan3A_122 : i32 to index
      %swap3A_673 = arith.constant 720 : index
      %swap3A_674 = tpu.vector_load %arg9[%swap3A_672, %swap3A_673] {strides = array<i32>} : memref<32x1024xf32, #tpu.memory_space<vmem>>, vector<16xf32>,
      tpu.vector_store %arg9[%swap3A_672, %swap3A_673], %add3A_671 {strides = array<i32>} : memref<32x1024xf32, #tpu.memory_space<vmem>>, vector<16xf32>,
      %get3A_675 = arith.index_cast %scan3A_122 : i32 to index
      %get3A_676 = arith.constant 736 : index
      %get3A_677 = tpu.vector_load %arg9[%get3A_675, %get3A_676] {strides = array<i32>} : memref<32x1024xf32, #tpu.memory_space<vmem>>, vector<16xf32>,
      %mul3A_678 = arith.mulf %get3A_677, %bitcast3A : vector<16xf32>
      %get3A_679 = arith.index_cast %scan3A_122 : i32 to index
      %get3A_680 = arith.constant 736 : index
      %get3A_681 = tpu.vector_load %arg10[%get3A_679, %get3A_680] {strides = array<i32>} : memref<32x1024xf32, #tpu.memory_space<vmem>>, vector<16xf32>,
      %mul3A_682 = arith.mulf %get3A_681, %bitcast3A_124 : vector<16xf32>
      %add3A_683 = arith.addf %mul3A_678, %mul3A_682 : vector<16xf32>
      %swap3A_684 = arith.index_cast %scan3A_122 : i32 to index
      %swap3A_685 = arith.constant 736 : index
      %swap3A_686 = tpu.vector_load %arg9[%swap3A_684, %swap3A_685] {strides = array<i32>} : memref<32x1024xf32, #tpu.memory_space<vmem>>, vector<16xf32>,
      tpu.vector_store %arg9[%swap3A_684, %swap3A_685], %add3A_683 {strides = array<i32>} : memref<32x1024xf32, #tpu.memory_space<vmem>>, vector<16xf32>,
      %get3A_687 = arith.index_cast %scan3A_122 : i32 to index
      %get3A_688 = arith.constant 752 : index
      %get3A_689 = tpu.vector_load %arg9[%get3A_687, %get3A_688] {strides = array<i32>} : memref<32x1024xf32, #tpu.memory_space<vmem>>, vector<16xf32>,
      %mul3A_690 = arith.mulf %get3A_689, %bitcast3A : vector<16xf32>
      %get3A_691 = arith.index_cast %scan3A_122 : i32 to index
      %get3A_692 = arith.constant 752 : index
      %get3A_693 = tpu.vector_load %arg10[%get3A_691, %get3A_692] {strides = array<i32>} : memref<32x1024xf32, #tpu.memory_space<vmem>>, vector<16xf32>,
      %mul3A_694 = arith.mulf %get3A_693, %bitcast3A_124 : vector<16xf32>
      %add3A_695 = arith.addf %mul3A_690, %mul3A_694 : vector<16xf32>
      %swap3A_696 = arith.index_cast %scan3A_122 : i32 to index
      %swap3A_697 = arith.constant 752 : index
      %swap3A_698 = tpu.vector_load %arg9[%swap3A_696, %swap3A_697] {strides = array<i32>} : memref<32x1024xf32, #tpu.memory_space<vmem>>, vector<16xf32>,
      tpu.vector_store %arg9[%swap3A_696, %swap3A_697], %add3A_695 {strides = array<i32>} : memref<32x1024xf32, #tpu.memory_space<vmem>>, vector<16xf32>,
      %get3A_699 = arith.index_cast %scan3A_122 : i32 to index
      %get3A_700 = arith.constant 768 : index
      %get3A_701 = tpu.vector_load %arg9[%get3A_699, %get3A_700] {strides = array<i32>} : memref<32x1024xf32, #tpu.memory_space<vmem>>, vector<16xf32>,
      %mul3A_702 = arith.mulf %get3A_701, %bitcast3A : vector<16xf32>
      %get3A_703 = arith.index_cast %scan3A_122 : i32 to index
      %get3A_704 = arith.constant 768 : index
      %get3A_705 = tpu.vector_load %arg10[%get3A_703, %get3A_704] {strides = array<i32>} : memref<32x1024xf32, #tpu.memory_space<vmem>>, vector<16xf32>,
      %mul3A_706 = arith.mulf %get3A_705, %bitcast3A_124 : vector<16xf32>
      %add3A_707 = arith.addf %mul3A_702, %mul3A_706 : vector<16xf32>
      %swap3A_708 = arith.index_cast %scan3A_122 : i32 to index
      %swap3A_709 = arith.constant 768 : index
      %swap3A_710 = tpu.vector_load %arg9[%swap3A_708, %swap3A_709] {strides = array<i32>} : memref<32x1024xf32, #tpu.memory_space<vmem>>, vector<16xf32>,
      tpu.vector_store %arg9[%swap3A_708, %swap3A_709], %add3A_707 {strides = array<i32>} : memref<32x1024xf32, #tpu.memory_space<vmem>>, vector<16xf32>,
      %get3A_711 = arith.index_cast %scan3A_122 : i32 to index
      %get3A_712 = arith.constant 784 : index
      %get3A_713 = tpu.vector_load %arg9[%get3A_711, %get3A_712] {strides = array<i32>} : memref<32x1024xf32, #tpu.memory_space<vmem>>, vector<16xf32>,
      %mul3A_714 = arith.mulf %get3A_713, %bitcast3A : vector<16xf32>
      %get3A_715 = arith.index_cast %scan3A_122 : i32 to index
      %get3A_716 = arith.constant 784 : index
      %get3A_717 = tpu.vector_load %arg10[%get3A_715, %get3A_716] {strides = array<i32>} : memref<32x1024xf32, #tpu.memory_space<vmem>>, vector<16xf32>,
      %mul3A_718 = arith.mulf %get3A_717, %bitcast3A_124 : vector<16xf32>
      %add3A_719 = arith.addf %mul3A_714, %mul3A_718 : vector<16xf32>
      %swap3A_720 = arith.index_cast %scan3A_122 : i32 to index
      %swap3A_721 = arith.constant 784 : index
      %swap3A_722 = tpu.vector_load %arg9[%swap3A_720, %swap3A_721] {strides = array<i32>} : memref<32x1024xf32, #tpu.memory_space<vmem>>, vector<16xf32>,
      tpu.vector_store %arg9[%swap3A_720, %swap3A_721], %add3A_719 {strides = array<i32>} : memref<32x1024xf32, #tpu.memory_space<vmem>>, vector<16xf32>,
      %get3A_723 = arith.index_cast %scan3A_122 : i32 to index
      %get3A_724 = arith.constant 800 : index
      %get3A_725 = tpu.vector_load %arg9[%get3A_723, %get3A_724] {strides = array<i32>} : memref<32x1024xf32, #tpu.memory_space<vmem>>, vector<16xf32>,
      %mul3A_726 = arith.mulf %get3A_725, %bitcast3A : vector<16xf32>
      %get3A_727 = arith.index_cast %scan3A_122 : i32 to index
      %get3A_728 = arith.constant 800 : index
      %get3A_729 = tpu.vector_load %arg10[%get3A_727, %get3A_728] {strides = array<i32>} : memref<32x1024xf32, #tpu.memory_space<vmem>>, vector<16xf32>,
      %mul3A_730 = arith.mulf %get3A_729, %bitcast3A_124 : vector<16xf32>
      %add3A_731 = arith.addf %mul3A_726, %mul3A_730 : vector<16xf32>
      %swap3A_732 = arith.index_cast %scan3A_122 : i32 to index
      %swap3A_733 = arith.constant 800 : index
      %swap3A_734 = tpu.vector_load %arg9[%swap3A_732, %swap3A_733] {strides = array<i32>} : memref<32x1024xf32, #tpu.memory_space<vmem>>, vector<16xf32>,
      tpu.vector_store %arg9[%swap3A_732, %swap3A_733], %add3A_731 {strides = array<i32>} : memref<32x1024xf32, #tpu.memory_space<vmem>>, vector<16xf32>,
      %get3A_735 = arith.index_cast %scan3A_122 : i32 to index
      %get3A_736 = arith.constant 816 : index
      %get3A_737 = tpu.vector_load %arg9[%get3A_735, %get3A_736] {strides = array<i32>} : memref<32x1024xf32, #tpu.memory_space<vmem>>, vector<16xf32>,
      %mul3A_738 = arith.mulf %get3A_737, %bitcast3A : vector<16xf32>
      %get3A_739 = arith.index_cast %scan3A_122 : i32 to index
      %get3A_740 = arith.constant 816 : index
      %get3A_741 = tpu.vector_load %arg10[%get3A_739, %get3A_740] {strides = array<i32>} : memref<32x1024xf32, #tpu.memory_space<vmem>>, vector<16xf32>,
      %mul3A_742 = arith.mulf %get3A_741, %bitcast3A_124 : vector<16xf32>
      %add3A_743 = arith.addf %mul3A_738, %mul3A_742 : vector<16xf32>
      %swap3A_744 = arith.index_cast %scan3A_122 : i32 to index
      %swap3A_745 = arith.constant 816 : index
      %swap3A_746 = tpu.vector_load %arg9[%swap3A_744, %swap3A_745] {strides = array<i32>} : memref<32x1024xf32, #tpu.memory_space<vmem>>, vector<16xf32>,
      tpu.vector_store %arg9[%swap3A_744, %swap3A_745], %add3A_743 {strides = array<i32>} : memref<32x1024xf32, #tpu.memory_space<vmem>>, vector<16xf32>,
      %get3A_747 = arith.index_cast %scan3A_122 : i32 to index
      %get3A_748 = arith.constant 832 : index
      %get3A_749 = tpu.vector_load %arg9[%get3A_747, %get3A_748] {strides = array<i32>} : memref<32x1024xf32, #tpu.memory_space<vmem>>, vector<16xf32>,
      %mul3A_750 = arith.mulf %get3A_749, %bitcast3A : vector<16xf32>
      %get3A_751 = arith.index_cast %scan3A_122 : i32 to index
      %get3A_752 = arith.constant 832 : index
      %get3A_753 = tpu.vector_load %arg10[%get3A_751, %get3A_752] {strides = array<i32>} : memref<32x1024xf32, #tpu.memory_space<vmem>>, vector<16xf32>,
      %mul3A_754 = arith.mulf %get3A_753, %bitcast3A_124 : vector<16xf32>
      %add3A_755 = arith.addf %mul3A_750, %mul3A_754 : vector<16xf32>
      %swap3A_756 = arith.index_cast %scan3A_122 : i32 to index
      %swap3A_757 = arith.constant 832 : index
      %swap3A_758 = tpu.vector_load %arg9[%swap3A_756, %swap3A_757] {strides = array<i32>} : memref<32x1024xf32, #tpu.memory_space<vmem>>, vector<16xf32>,
      tpu.vector_store %arg9[%swap3A_756, %swap3A_757], %add3A_755 {strides = array<i32>} : memref<32x1024xf32, #tpu.memory_space<vmem>>, vector<16xf32>,
      %get3A_759 = arith.index_cast %scan3A_122 : i32 to index
      %get3A_760 = arith.constant 848 : index
      %get3A_761 = tpu.vector_load %arg9[%get3A_759, %get3A_760] {strides = array<i32>} : memref<32x1024xf32, #tpu.memory_space<vmem>>, vector<16xf32>,
      %mul3A_762 = arith.mulf %get3A_761, %bitcast3A : vector<16xf32>
      %get3A_763 = arith.index_cast %scan3A_122 : i32 to index
      %get3A_764 = arith.constant 848 : index
      %get3A_765 = tpu.vector_load %arg10[%get3A_763, %get3A_764] {strides = array<i32>} : memref<32x1024xf32, #tpu.memory_space<vmem>>, vector<16xf32>,
      %mul3A_766 = arith.mulf %get3A_765, %bitcast3A_124 : vector<16xf32>
      %add3A_767 = arith.addf %mul3A_762, %mul3A_766 : vector<16xf32>
      %swap3A_768 = arith.index_cast %scan3A_122 : i32 to index
      %swap3A_769 = arith.constant 848 : index
      %swap3A_770 = tpu.vector_load %arg9[%swap3A_768, %swap3A_769] {strides = array<i32>} : memref<32x1024xf32, #tpu.memory_space<vmem>>, vector<16xf32>,
      tpu.vector_store %arg9[%swap3A_768, %swap3A_769], %add3A_767 {strides = array<i32>} : memref<32x1024xf32, #tpu.memory_space<vmem>>, vector<16xf32>,
      %get3A_771 = arith.index_cast %scan3A_122 : i32 to index
      %get3A_772 = arith.constant 864 : index
      %get3A_773 = tpu.vector_load %arg9[%get3A_771, %get3A_772] {strides = array<i32>} : memref<32x1024xf32, #tpu.memory_space<vmem>>, vector<16xf32>,
      %mul3A_774 = arith.mulf %get3A_773, %bitcast3A : vector<16xf32>
      %get3A_775 = arith.index_cast %scan3A_122 : i32 to index
      %get3A_776 = arith.constant 864 : index
      %get3A_777 = tpu.vector_load %arg10[%get3A_775, %get3A_776] {strides = array<i32>} : memref<32x1024xf32, #tpu.memory_space<vmem>>, vector<16xf32>,
      %mul3A_778 = arith.mulf %get3A_777, %bitcast3A_124 : vector<16xf32>
      %add3A_779 = arith.addf %mul3A_774, %mul3A_778 : vector<16xf32>
      %swap3A_780 = arith.index_cast %scan3A_122 : i32 to index
      %swap3A_781 = arith.constant 864 : index
      %swap3A_782 = tpu.vector_load %arg9[%swap3A_780, %swap3A_781] {strides = array<i32>} : memref<32x1024xf32, #tpu.memory_space<vmem>>, vector<16xf32>,
      tpu.vector_store %arg9[%swap3A_780, %swap3A_781], %add3A_779 {strides = array<i32>} : memref<32x1024xf32, #tpu.memory_space<vmem>>, vector<16xf32>,
      %get3A_783 = arith.index_cast %scan3A_122 : i32 to index
      %get3A_784 = arith.constant 880 : index
      %get3A_785 = tpu.vector_load %arg9[%get3A_783, %get3A_784] {strides = array<i32>} : memref<32x1024xf32, #tpu.memory_space<vmem>>, vector<16xf32>,
      %mul3A_786 = arith.mulf %get3A_785, %bitcast3A : vector<16xf32>
      %get3A_787 = arith.index_cast %scan3A_122 : i32 to index
      %get3A_788 = arith.constant 880 : index
      %get3A_789 = tpu.vector_load %arg10[%get3A_787, %get3A_788] {strides = array<i32>} : memref<32x1024xf32, #tpu.memory_space<vmem>>, vector<16xf32>,
      %mul3A_790 = arith.mulf %get3A_789, %bitcast3A_124 : vector<16xf32>
      %add3A_791 = arith.addf %mul3A_786, %mul3A_790 : vector<16xf32>
      %swap3A_792 = arith.index_cast %scan3A_122 : i32 to index
      %swap3A_793 = arith.constant 880 : index
      %swap3A_794 = tpu.vector_load %arg9[%swap3A_792, %swap3A_793] {strides = array<i32>} : memref<32x1024xf32, #tpu.memory_space<vmem>>, vector<16xf32>,
      tpu.vector_store %arg9[%swap3A_792, %swap3A_793], %add3A_791 {strides = array<i32>} : memref<32x1024xf32, #tpu.memory_space<vmem>>, vector<16xf32>,
      %get3A_795 = arith.index_cast %scan3A_122 : i32 to index
      %get3A_796 = arith.constant 896 : index
      %get3A_797 = tpu.vector_load %arg9[%get3A_795, %get3A_796] {strides = array<i32>} : memref<32x1024xf32, #tpu.memory_space<vmem>>, vector<16xf32>,
      %mul3A_798 = arith.mulf %get3A_797, %bitcast3A : vector<16xf32>
      %get3A_799 = arith.index_cast %scan3A_122 : i32 to index
      %get3A_800 = arith.constant 896 : index
      %get3A_801 = tpu.vector_load %arg10[%get3A_799, %get3A_800] {strides = array<i32>} : memref<32x1024xf32, #tpu.memory_space<vmem>>, vector<16xf32>,
      %mul3A_802 = arith.mulf %get3A_801, %bitcast3A_124 : vector<16xf32>
      %add3A_803 = arith.addf %mul3A_798, %mul3A_802 : vector<16xf32>
      %swap3A_804 = arith.index_cast %scan3A_122 : i32 to index
      %swap3A_805 = arith.constant 896 : index
      %swap3A_806 = tpu.vector_load %arg9[%swap3A_804, %swap3A_805] {strides = array<i32>} : memref<32x1024xf32, #tpu.memory_space<vmem>>, vector<16xf32>,
      tpu.vector_store %arg9[%swap3A_804, %swap3A_805], %add3A_803 {strides = array<i32>} : memref<32x1024xf32, #tpu.memory_space<vmem>>, vector<16xf32>,
      %get3A_807 = arith.index_cast %scan3A_122 : i32 to index
      %get3A_808 = arith.constant 912 : index
      %get3A_809 = tpu.vector_load %arg9[%get3A_807, %get3A_808] {strides = array<i32>} : memref<32x1024xf32, #tpu.memory_space<vmem>>, vector<16xf32>,
      %mul3A_810 = arith.mulf %get3A_809, %bitcast3A : vector<16xf32>
      %get3A_811 = arith.index_cast %scan3A_122 : i32 to index
      %get3A_812 = arith.constant 912 : index
      %get3A_813 = tpu.vector_load %arg10[%get3A_811, %get3A_812] {strides = array<i32>} : memref<32x1024xf32, #tpu.memory_space<vmem>>, vector<16xf32>,
      %mul3A_814 = arith.mulf %get3A_813, %bitcast3A_124 : vector<16xf32>
      %add3A_815 = arith.addf %mul3A_810, %mul3A_814 : vector<16xf32>
      %swap3A_816 = arith.index_cast %scan3A_122 : i32 to index
      %swap3A_817 = arith.constant 912 : index
      %swap3A_818 = tpu.vector_load %arg9[%swap3A_816, %swap3A_817] {strides = array<i32>} : memref<32x1024xf32, #tpu.memory_space<vmem>>, vector<16xf32>,
      tpu.vector_store %arg9[%swap3A_816, %swap3A_817], %add3A_815 {strides = array<i32>} : memref<32x1024xf32, #tpu.memory_space<vmem>>, vector<16xf32>,
      %get3A_819 = arith.index_cast %scan3A_122 : i32 to index
      %get3A_820 = arith.constant 928 : index
      %get3A_821 = tpu.vector_load %arg9[%get3A_819, %get3A_820] {strides = array<i32>} : memref<32x1024xf32, #tpu.memory_space<vmem>>, vector<16xf32>,
      %mul3A_822 = arith.mulf %get3A_821, %bitcast3A : vector<16xf32>
      %get3A_823 = arith.index_cast %scan3A_122 : i32 to index
      %get3A_824 = arith.constant 928 : index
      %get3A_825 = tpu.vector_load %arg10[%get3A_823, %get3A_824] {strides = array<i32>} : memref<32x1024xf32, #tpu.memory_space<vmem>>, vector<16xf32>,
      %mul3A_826 = arith.mulf %get3A_825, %bitcast3A_124 : vector<16xf32>
      %add3A_827 = arith.addf %mul3A_822, %mul3A_826 : vector<16xf32>
      %swap3A_828 = arith.index_cast %scan3A_122 : i32 to index
      %swap3A_829 = arith.constant 928 : index
      %swap3A_830 = tpu.vector_load %arg9[%swap3A_828, %swap3A_829] {strides = array<i32>} : memref<32x1024xf32, #tpu.memory_space<vmem>>, vector<16xf32>,
      tpu.vector_store %arg9[%swap3A_828, %swap3A_829], %add3A_827 {strides = array<i32>} : memref<32x1024xf32, #tpu.memory_space<vmem>>, vector<16xf32>,
      %get3A_831 = arith.index_cast %scan3A_122 : i32 to index
      %get3A_832 = arith.constant 944 : index
      %get3A_833 = tpu.vector_load %arg9[%get3A_831, %get3A_832] {strides = array<i32>} : memref<32x1024xf32, #tpu.memory_space<vmem>>, vector<16xf32>,
      %mul3A_834 = arith.mulf %get3A_833, %bitcast3A : vector<16xf32>
      %get3A_835 = arith.index_cast %scan3A_122 : i32 to index
      %get3A_836 = arith.constant 944 : index
      %get3A_837 = tpu.vector_load %arg10[%get3A_835, %get3A_836] {strides = array<i32>} : memref<32x1024xf32, #tpu.memory_space<vmem>>, vector<16xf32>,
      %mul3A_838 = arith.mulf %get3A_837, %bitcast3A_124 : vector<16xf32>
      %add3A_839 = arith.addf %mul3A_834, %mul3A_838 : vector<16xf32>
      %swap3A_840 = arith.index_cast %scan3A_122 : i32 to index
      %swap3A_841 = arith.constant 944 : index
      %swap3A_842 = tpu.vector_load %arg9[%swap3A_840, %swap3A_841] {strides = array<i32>} : memref<32x1024xf32, #tpu.memory_space<vmem>>, vector<16xf32>,
      tpu.vector_store %arg9[%swap3A_840, %swap3A_841], %add3A_839 {strides = array<i32>} : memref<32x1024xf32, #tpu.memory_space<vmem>>, vector<16xf32>,
      %get3A_843 = arith.index_cast %scan3A_122 : i32 to index
      %get3A_844 = arith.constant 960 : index
      %get3A_845 = tpu.vector_load %arg9[%get3A_843, %get3A_844] {strides = array<i32>} : memref<32x1024xf32, #tpu.memory_space<vmem>>, vector<16xf32>,
      %mul3A_846 = arith.mulf %get3A_845, %bitcast3A : vector<16xf32>
      %get3A_847 = arith.index_cast %scan3A_122 : i32 to index
      %get3A_848 = arith.constant 960 : index
      %get3A_849 = tpu.vector_load %arg10[%get3A_847, %get3A_848] {strides = array<i32>} : memref<32x1024xf32, #tpu.memory_space<vmem>>, vector<16xf32>,
      %mul3A_850 = arith.mulf %get3A_849, %bitcast3A_124 : vector<16xf32>
      %add3A_851 = arith.addf %mul3A_846, %mul3A_850 : vector<16xf32>
      %swap3A_852 = arith.index_cast %scan3A_122 : i32 to index
      %swap3A_853 = arith.constant 960 : index
      %swap3A_854 = tpu.vector_load %arg9[%swap3A_852, %swap3A_853] {strides = array<i32>} : memref<32x1024xf32, #tpu.memory_space<vmem>>, vector<16xf32>,
      tpu.vector_store %arg9[%swap3A_852, %swap3A_853], %add3A_851 {strides = array<i32>} : memref<32x1024xf32, #tpu.memory_space<vmem>>, vector<16xf32>,
      %get3A_855 = arith.index_cast %scan3A_122 : i32 to index
      %get3A_856 = arith.constant 976 : index
      %get3A_857 = tpu.vector_load %arg9[%get3A_855, %get3A_856] {strides = array<i32>} : memref<32x1024xf32, #tpu.memory_space<vmem>>, vector<16xf32>,
      %mul3A_858 = arith.mulf %get3A_857, %bitcast3A : vector<16xf32>
      %get3A_859 = arith.index_cast %scan3A_122 : i32 to index
      %get3A_860 = arith.constant 976 : index
      %get3A_861 = tpu.vector_load %arg10[%get3A_859, %get3A_860] {strides = array<i32>} : memref<32x1024xf32, #tpu.memory_space<vmem>>, vector<16xf32>,
      %mul3A_862 = arith.mulf %get3A_861, %bitcast3A_124 : vector<16xf32>
      %add3A_863 = arith.addf %mul3A_858, %mul3A_862 : vector<16xf32>
      %swap3A_864 = arith.index_cast %scan3A_122 : i32 to index
      %swap3A_865 = arith.constant 976 : index
      %swap3A_866 = tpu.vector_load %arg9[%swap3A_864, %swap3A_865] {strides = array<i32>} : memref<32x1024xf32, #tpu.memory_space<vmem>>, vector<16xf32>,
      tpu.vector_store %arg9[%swap3A_864, %swap3A_865], %add3A_863 {strides = array<i32>} : memref<32x1024xf32, #tpu.memory_space<vmem>>, vector<16xf32>,
      %get3A_867 = arith.index_cast %scan3A_122 : i32 to index
      %get3A_868 = arith.constant 992 : index
      %get3A_869 = tpu.vector_load %arg9[%get3A_867, %get3A_868] {strides = array<i32>} : memref<32x1024xf32, #tpu.memory_space<vmem>>, vector<16xf32>,
      %mul3A_870 = arith.mulf %get3A_869, %bitcast3A : vector<16xf32>
      %get3A_871 = arith.index_cast %scan3A_122 : i32 to index
      %get3A_872 = arith.constant 992 : index
      %get3A_873 = tpu.vector_load %arg10[%get3A_871, %get3A_872] {strides = array<i32>} : memref<32x1024xf32, #tpu.memory_space<vmem>>, vector<16xf32>,
      %mul3A_874 = arith.mulf %get3A_873, %bitcast3A_124 : vector<16xf32>
      %add3A_875 = arith.addf %mul3A_870, %mul3A_874 : vector<16xf32>
      %swap3A_876 = arith.index_cast %scan3A_122 : i32 to index
      %swap3A_877 = arith.constant 992 : index
      %swap3A_878 = tpu.vector_load %arg9[%swap3A_876, %swap3A_877] {strides = array<i32>} : memref<32x1024xf32, #tpu.memory_space<vmem>>, vector<16xf32>,
      tpu.vector_store %arg9[%swap3A_876, %swap3A_877], %add3A_875 {strides = array<i32>} : memref<32x1024xf32, #tpu.memory_space<vmem>>, vector<16xf32>,
      %get3A_879 = arith.index_cast %scan3A_122 : i32 to index
      %get3A_880 = arith.constant 1008 : index
      %get3A_881 = tpu.vector_load %arg9[%get3A_879, %get3A_880] {strides = array<i32>} : memref<32x1024xf32, #tpu.memory_space<vmem>>, vector<16xf32>,
      %mul3A_882 = arith.mulf %get3A_881, %bitcast3A : vector<16xf32>
      %get3A_883 = arith.index_cast %scan3A_122 : i32 to index
      %get3A_884 = arith.constant 1008 : index
      %get3A_885 = tpu.vector_load %arg10[%get3A_883, %get3A_884] {strides = array<i32>} : memref<32x1024xf32, #tpu.memory_space<vmem>>, vector<16xf32>,
      %mul3A_886 = arith.mulf %get3A_885, %bitcast3A_124 : vector<16xf32>
      %add3A_887 = arith.addf %mul3A_882, %mul3A_886 : vector<16xf32>
      %swap3A_888 = arith.index_cast %scan3A_122 : i32 to index
      %swap3A_889 = arith.constant 1008 : index
      %swap3A_890 = tpu.vector_load %arg9[%swap3A_888, %swap3A_889] {strides = array<i32>} : memref<32x1024xf32, #tpu.memory_space<vmem>>, vector<16xf32>,
      tpu.vector_store %arg9[%swap3A_888, %swap3A_889], %add3A_887 {strides = array<i32>} : memref<32x1024xf32, #tpu.memory_space<vmem>>, vector<16xf32>,
    }
    %scan3A_121 = arith.constant 32 : i32
    "tpu.region"() ({
      %run_scoped3A = tpu.sem_alloc : memref<!tpu.dma_semaphore, #tpu.memory_space<semaphore_mem>>
      %dma_start3A_122 = arith.constant 0 : i32
      %dma_start3A_123 = tpu.memref_slice %arg4[%add3A_63, %dma_start3A_122] : memref<2048x1024xf32, #tpu.memory_space<hbm>> -> memref<32x1024xf32, #tpu.memory_space<hbm>>
      %dma_start3A_124 = arith.constant 0 : i32
      %dma_start3A_125 = tpu.memref_slice %arg4[%add3A_63, %dma_start3A_124] : memref<2048x1024xf32, #tpu.memory_space<hbm>> -> memref<32x1024xf32, #tpu.memory_space<hbm>>
      tpu.enqueue_dma source(%arg9 : memref<32x1024xf32, #tpu.memory_space<vmem>>) target(%dma_start3A_125 : memref<32x1024xf32, #tpu.memory_space<hbm>>) target_semaphore(%run_scoped3A : memref<!tpu.dma_semaphore, #tpu.memory_space<semaphore_mem>>)
      %dma_wait3A_126 = arith.constant 0 : i32
      %dma_wait3A_127 = tpu.memref_slice %arg4[%add3A_63, %dma_wait3A_126] : memref<2048x1024xf32, #tpu.memory_space<hbm>> -> memref<32x1024xf32, #tpu.memory_space<hbm>>
      %dma_wait3A_128 = arith.constant 0 : i32
      %dma_wait3A_129 = tpu.memref_slice %arg4[%add3A_63, %dma_wait3A_128] : memref<2048x1024xf32, #tpu.memory_space<hbm>> -> memref<32x1024xf32, #tpu.memory_space<hbm>>
      tpu.wait_dma2 semaphore(%run_scoped3A : memref<!tpu.dma_semaphore, #tpu.memory_space<semaphore_mem>>) src(%arg9 : memref<32x1024xf32, #tpu.memory_space<vmem>>) dst(%dma_wait3A_129 : memref<32x1024xf32, #tpu.memory_space<hbm>>)
      tpu.yield
    }) : () -> ()
    return
  }
}

module attributes {stable_mosaic.version = 14 : i64} {
  func.func @_router_body(%arg0: i32, %arg1: memref<256x1024xf32, #tpu.memory_space<vmem>>, %arg2: memref<128x1024xf32, #tpu.memory_space<vmem>>, %arg3: memref<256x128xi32, #tpu.memory_space<vmem>>, %arg4: memref<256x128xf32, #tpu.memory_space<vmem>>) attributes {dimension_semantics = [#tpu.dimension_semantics<arbitrary>], iteration_bounds = array<i64: 8>, scalar_prefetch = 0 : i64, scratch_operands = 0 : i64, tpu.core_type = #tpu.core_type<tc>, window_params = [{transform_indices = @transform_0, window_bounds = array<i64: 256, 1024>}, {pipeline_mode = #tpu.pipeline_mode<synchronous>, transform_indices = @transform_1, window_bounds = array<i64: 128, 1024>}, {transform_indices = @transform_2, window_bounds = array<i64: 256, 128>}, {transform_indices = @transform_3, window_bounds = array<i64: 256, 128>}]} {
    %get3A = arith.constant 0 : index
    %get3A_0 = arith.constant 0 : index
    %get3A_1 = vector.load %arg1[%get3A, %get3A_0] : memref<256x1024xf32, #tpu.memory_space<vmem>>, vector<256x1024xf32>
    %convert_element_type3A = arith.truncf %get3A_1 : vector<256x1024xf32> to vector<256x1024xbf16>
    %get3A_2 = arith.constant 0 : index
    %get3A_3 = arith.constant 0 : index
    %get3A_4 = vector.load %arg2[%get3A_2, %get3A_3] : memref<128x1024xf32, #tpu.memory_space<vmem>>, vector<128x1024xf32>
    %convert_element_type3A_5 = arith.truncf %get3A_4 : vector<128x1024xf32> to vector<128x1024xbf16>
    %dot_general3A = arith.constant dense<0.000000e+00> : vector<256x128xf32>
    %dot_general3A_6 = tpu.matmul %convert_element_type3A, %convert_element_type3A_5, %dot_general3A {dimension_numbers = #tpu.dot_dimension_numbers<[1], [1], [0], [0], [0, 0, 1, 0], [], []>, transpose_lhs_hint = false} : vector<256x1024xbf16>, vector<128x1024xbf16>, vector<256x128xf32> -> vector<256x128xf32>
    %iota3A = tpu.iota {dimensions = array<i32: 1>} : vector<256x128xi32>
    %lt3A = arith.constant 8 : i32
    %lt3A_7 = vector.broadcast %lt3A : i32 to vector<256x128xi32>
    %lt3A_8 = arith.cmpi slt, %iota3A, %lt3A_7 : vector<256x128xi32>
    %jit3A = arith.constant -1.000000e+30 : f32
    %broadcast_in_dim3A = vector.broadcast %jit3A : f32 to vector<256x128xf32>
    %select_n3A = arith.select %lt3A_8, %dot_general3A_6, %broadcast_in_dim3A : vector<256x128xi1>, vector<256x128xf32>
    %reduce_max3A = arith.constant dense<0xFF800000> : vector<256xf32>
    %reduce_max3A_9 = vector.multi_reduction <maximumf>, %select_n3A, %reduce_max3A [1] : vector<256x128xf32> to vector<256xf32>
    %broadcast_in_dim3A_10 = vector.shape_cast %reduce_max3A_9 : vector<256xf32> to vector<256x1xf32>
    %ge3A = vector.broadcast %broadcast_in_dim3A_10 : vector<256x1xf32> to vector<256x128xf32>
    %ge3A_11 = arith.cmpf oge, %select_n3A, %ge3A : vector<256x128xf32>
    %jit3A_12 = arith.constant 128 : i32
    %broadcast_in_dim3A_13 = vector.broadcast %jit3A_12 : i32 to vector<256x128xi32>
    %select_n3A_14 = arith.select %ge3A_11, %iota3A, %broadcast_in_dim3A_13 : vector<256x128xi1>, vector<256x128xi32>
    %reduce_min3A = arith.constant dense<2147483647> : vector<256xi32>
    %reduce_min3A_15 = vector.multi_reduction <minsi>, %select_n3A_14, %reduce_min3A [1] : vector<256x128xi32> to vector<256xi32>
    %broadcast_in_dim3A_16 = vector.shape_cast %reduce_min3A_15 : vector<256xi32> to vector<256x1xi32>
    %eq3A = vector.broadcast %broadcast_in_dim3A_16 : vector<256x1xi32> to vector<256x128xi32>
    %eq3A_17 = arith.cmpi eq, %iota3A, %eq3A : vector<256x128xi32>
    %jit3A_18 = arith.constant -1.000000e+30 : f32
    %broadcast_in_dim3A_19 = vector.broadcast %jit3A_18 : f32 to vector<256x128xf32>
    %select_n3A_20 = arith.select %eq3A_17, %broadcast_in_dim3A_19, %select_n3A : vector<256x128xi1>, vector<256x128xf32>
    %reduce_max3A_21 = arith.constant dense<0xFF800000> : vector<256xf32>
    %reduce_max3A_22 = vector.multi_reduction <maximumf>, %select_n3A_20, %reduce_max3A_21 [1] : vector<256x128xf32> to vector<256xf32>
    %broadcast_in_dim3A_23 = vector.shape_cast %reduce_max3A_22 : vector<256xf32> to vector<256x1xf32>
    %ge3A_24 = vector.broadcast %broadcast_in_dim3A_23 : vector<256x1xf32> to vector<256x128xf32>
    %ge3A_25 = arith.cmpf oge, %select_n3A_20, %ge3A_24 : vector<256x128xf32>
    %jit3A_26 = arith.constant 128 : i32
    %broadcast_in_dim3A_27 = vector.broadcast %jit3A_26 : i32 to vector<256x128xi32>
    %select_n3A_28 = arith.select %ge3A_25, %iota3A, %broadcast_in_dim3A_27 : vector<256x128xi1>, vector<256x128xi32>
    %reduce_min3A_29 = arith.constant dense<2147483647> : vector<256xi32>
    %reduce_min3A_30 = vector.multi_reduction <minsi>, %select_n3A_28, %reduce_min3A_29 [1] : vector<256x128xi32> to vector<256xi32>
    %broadcast_in_dim3A_31 = vector.shape_cast %reduce_min3A_30 : vector<256xi32> to vector<256x1xi32>
    %sub3A = arith.subf %broadcast_in_dim3A_10, %broadcast_in_dim3A_23 : vector<256x1xf32>
    %logistic3A = arith.negf %sub3A : vector<256x1xf32>
    %logistic3A_32 = math.exp %logistic3A : vector<256x1xf32>
    %logistic3A_33 = arith.constant 1.000000e+00 : f32
    %logistic3A_34 = vector.broadcast %logistic3A_33 : f32 to vector<256x1xf32>
    %logistic3A_35 = arith.addf %logistic3A_34, %logistic3A_32 : vector<256x1xf32>
    %logistic3A_36 = arith.divf %logistic3A_34, %logistic3A_35 : vector<256x1xf32>
    %eq3A_37 = arith.constant 0 : i32
    %eq3A_38 = vector.broadcast %eq3A_37 : i32 to vector<256x128xi32>
    %eq3A_39 = arith.cmpi eq, %iota3A, %eq3A_38 : vector<256x128xi32>
    %eq3A_40 = arith.constant 1 : i32
    %eq3A_41 = vector.broadcast %eq3A_40 : i32 to vector<256x128xi32>
    %eq3A_42 = arith.cmpi eq, %iota3A, %eq3A_41 : vector<256x128xi32>
    %jit3A_43 = arith.constant 0 : i32
    %broadcast_in_dim3A_44 = vector.shape_cast %broadcast_in_dim3A_31 : vector<256x1xi32> to vector<256x1xi32>
    %broadcast_in_dim3A_45 = vector.broadcast %broadcast_in_dim3A_44 : vector<256x1xi32> to vector<256x128xi32>
    %broadcast_in_dim3A_46 = vector.broadcast %jit3A_43 : i32 to vector<256x128xi32>
    %select_n3A_47 = arith.select %eq3A_42, %broadcast_in_dim3A_45, %broadcast_in_dim3A_46 : vector<256x128xi1>, vector<256x128xi32>
    %broadcast_in_dim3A_48 = vector.shape_cast %broadcast_in_dim3A_16 : vector<256x1xi32> to vector<256x1xi32>
    %broadcast_in_dim3A_49 = vector.broadcast %broadcast_in_dim3A_48 : vector<256x1xi32> to vector<256x128xi32>
    %select_n3A_50 = arith.select %eq3A_39, %broadcast_in_dim3A_49, %select_n3A_47 : vector<256x128xi1>, vector<256x128xi32>
    %swap3A = arith.constant 0 : index
    %swap3A_51 = arith.constant 0 : index
    %swap3A_52 = vector.load %arg3[%swap3A, %swap3A_51] : memref<256x128xi32, #tpu.memory_space<vmem>>, vector<256x128xi32>
    tpu.vector_store %arg3[%swap3A, %swap3A_51], %select_n3A_50 {strides = array<i32>} : memref<256x128xi32, #tpu.memory_space<vmem>>, vector<256x128xi32>,
    %eq3A_53 = arith.constant 0 : i32
    %eq3A_54 = vector.broadcast %eq3A_53 : i32 to vector<256x128xi32>
    %eq3A_55 = arith.cmpi eq, %iota3A, %eq3A_54 : vector<256x128xi32>
    %eq3A_56 = arith.constant 1 : i32
    %eq3A_57 = vector.broadcast %eq3A_56 : i32 to vector<256x128xi32>
    %eq3A_58 = arith.cmpi eq, %iota3A, %eq3A_57 : vector<256x128xi32>
    %sub3A_59 = arith.constant 1.000000e+00 : f32
    %sub3A_60 = vector.broadcast %sub3A_59 : f32 to vector<256x1xf32>
    %sub3A_61 = arith.subf %sub3A_60, %logistic3A_36 : vector<256x1xf32>
    %jit3A_62 = arith.constant 0.000000e+00 : f32
    %broadcast_in_dim3A_63 = vector.shape_cast %sub3A_61 : vector<256x1xf32> to vector<256x1xf32>
    %broadcast_in_dim3A_64 = vector.broadcast %broadcast_in_dim3A_63 : vector<256x1xf32> to vector<256x128xf32>
    %broadcast_in_dim3A_65 = vector.broadcast %jit3A_62 : f32 to vector<256x128xf32>
    %select_n3A_66 = arith.select %eq3A_58, %broadcast_in_dim3A_64, %broadcast_in_dim3A_65 : vector<256x128xi1>, vector<256x128xf32>
    %broadcast_in_dim3A_67 = vector.shape_cast %logistic3A_36 : vector<256x1xf32> to vector<256x1xf32>
    %broadcast_in_dim3A_68 = vector.broadcast %broadcast_in_dim3A_67 : vector<256x1xf32> to vector<256x128xf32>
    %select_n3A_69 = arith.select %eq3A_55, %broadcast_in_dim3A_68, %select_n3A_66 : vector<256x128xi1>, vector<256x128xf32>
    %swap3A_70 = arith.constant 0 : index
    %swap3A_71 = arith.constant 0 : index
    %swap3A_72 = vector.load %arg4[%swap3A_70, %swap3A_71] : memref<256x128xf32, #tpu.memory_space<vmem>>, vector<256x128xf32>
    tpu.vector_store %arg4[%swap3A_70, %swap3A_71], %select_n3A_69 {strides = array<i32>} : memref<256x128xf32, #tpu.memory_space<vmem>>, vector<256x128xf32>,
    return
  }
  func.func @transform_0(%arg0: i32) -> (i32, i32) {
    %c0_i32 = arith.constant 0 : i32
    %c0_i32_0 = arith.constant 0 : i32
    return %arg0, %c0_i32 : i32, i32
  }
  func.func @transform_1(%arg0: i32) -> (i32, i32) {
    %c0_i32 = arith.constant 0 : i32
    %c0_i32_0 = arith.constant 0 : i32
    %c0_i32_1 = arith.constant 0 : i32
    return %c0_i32, %c0_i32_0 : i32, i32
  }
  func.func @transform_2(%arg0: i32) -> (i32, i32) {
    %c0_i32 = arith.constant 0 : i32
    %c0_i32_0 = arith.constant 0 : i32
    return %arg0, %c0_i32 : i32, i32
  }
  func.func @transform_3(%arg0: i32) -> (i32, i32) {
    %c0_i32 = arith.constant 0 : i32
    %c0_i32_0 = arith.constant 0 : i32
    return %arg0, %c0_i32 : i32, i32
  }
}

module attributes {stable_mosaic.version = 14 : i64} {
  func.func @_mm_body(%arg0: i32, %arg1: i32, %arg2: memref<8xi32, #tpu.memory_space<smem>>, %arg3: memref<8xi32, #tpu.memory_space<smem>>, %arg4: memref<5120x1024xbf16, #tpu.memory_space<vmem>>, %arg5: memref<1x1024x1024xf32, #tpu.memory_space<vmem>>, %arg6: memref<1x1024x1024xf32, #tpu.memory_space<vmem>>, %arg7: memref<1x1024x1024xf32, #tpu.memory_space<vmem>>, %arg8: memref<5120x1024xf32, #tpu.memory_space<vmem>>, %arg9: memref<1024x1024xbf16, #tpu.memory_space<vmem>>, %arg10: memref<1024x1024xbf16, #tpu.memory_space<vmem>>, %arg11: memref<1024x1024xbf16, #tpu.memory_space<vmem>>) attributes {dimension_semantics = [#tpu.dimension_semantics<arbitrary>, #tpu.dimension_semantics<arbitrary>], iteration_bounds = array<i64: 4, 8>, scalar_prefetch = 2 : i64, scratch_operands = 3 : i64, tpu.core_type = #tpu.core_type<tc>, window_params = [{pipeline_mode = #tpu.pipeline_mode<synchronous>, transform_indices = @transform_0, window_bounds = array<i64: 5120, 1024>}, {transform_indices = @transform_1, window_bounds = array<i64: 1, 1024, 1024>}, {transform_indices = @transform_2, window_bounds = array<i64: 1, 1024, 1024>}, {transform_indices = @transform_3, window_bounds = array<i64: 1, 1024, 1024>}, {pipeline_mode = #tpu.pipeline_mode<synchronous>, transform_indices = @transform_4, window_bounds = array<i64: 5120, 1024>}]} {
    %get3A = arith.constant 0 : index
    %get3A_0 = arith.constant 0 : index
    %get3A_1 = arith.constant 0 : index
    %get3A_2 = vector.load %arg5[%get3A, %get3A_0, %get3A_1] : memref<1x1024x1024xf32, #tpu.memory_space<vmem>>, vector<1x1024x1024xf32>
    %get3A_3 = vector.shape_cast %get3A_2 : vector<1x1024x1024xf32> to vector<1024x1024xf32>
    %convert_element_type3A = arith.truncf %get3A_3 : vector<1024x1024xf32> to vector<1024x1024xbf16>
    %swap3A = arith.constant 0 : index
    %swap3A_4 = arith.constant 0 : index
    %swap3A_5 = vector.load %arg9[%swap3A, %swap3A_4] : memref<1024x1024xbf16, #tpu.memory_space<vmem>>, vector<1024x1024xbf16>
    tpu.vector_store %arg9[%swap3A, %swap3A_4], %convert_element_type3A {strides = array<i32>} : memref<1024x1024xbf16, #tpu.memory_space<vmem>>, vector<1024x1024xbf16>,
    %get3A_6 = arith.constant 0 : index
    %get3A_7 = arith.constant 0 : index
    %get3A_8 = arith.constant 0 : index
    %get3A_9 = vector.load %arg6[%get3A_6, %get3A_7, %get3A_8] : memref<1x1024x1024xf32, #tpu.memory_space<vmem>>, vector<1x1024x1024xf32>
    %get3A_10 = vector.shape_cast %get3A_9 : vector<1x1024x1024xf32> to vector<1024x1024xf32>
    %convert_element_type3A_11 = arith.truncf %get3A_10 : vector<1024x1024xf32> to vector<1024x1024xbf16>
    %swap3A_12 = arith.constant 0 : index
    %swap3A_13 = arith.constant 0 : index
    %swap3A_14 = vector.load %arg10[%swap3A_12, %swap3A_13] : memref<1024x1024xbf16, #tpu.memory_space<vmem>>, vector<1024x1024xbf16>
    tpu.vector_store %arg10[%swap3A_12, %swap3A_13], %convert_element_type3A_11 {strides = array<i32>} : memref<1024x1024xbf16, #tpu.memory_space<vmem>>, vector<1024x1024xbf16>,
    %get3A_15 = arith.constant 0 : index
    %get3A_16 = arith.constant 0 : index
    %get3A_17 = arith.constant 0 : index
    %get3A_18 = vector.load %arg7[%get3A_15, %get3A_16, %get3A_17] : memref<1x1024x1024xf32, #tpu.memory_space<vmem>>, vector<1x1024x1024xf32>
    %get3A_19 = vector.shape_cast %get3A_18 : vector<1x1024x1024xf32> to vector<1024x1024xf32>
    %convert_element_type3A_20 = arith.truncf %get3A_19 : vector<1024x1024xf32> to vector<1024x1024xbf16>
    %swap3A_21 = arith.constant 0 : index
    %swap3A_22 = arith.constant 0 : index
    %swap3A_23 = vector.load %arg11[%swap3A_21, %swap3A_22] : memref<1024x1024xbf16, #tpu.memory_space<vmem>>, vector<1024x1024xbf16>
    tpu.vector_store %arg11[%swap3A_21, %swap3A_22], %convert_element_type3A_20 {strides = array<i32>} : memref<1024x1024xbf16, #tpu.memory_space<vmem>>, vector<1024x1024xbf16>,
    %get3A_24 = arith.index_cast %arg1 : i32 to index
    %get3A_25 = memref.load %arg3[%get3A_24] : memref<8xi32, #tpu.memory_space<smem>>
    %get3A_26 = arith.index_cast %arg1 : i32 to index
    %get3A_27 = memref.load %arg2[%get3A_26] : memref<8xi32, #tpu.memory_space<smem>>
    %while3A = arith.constant 0 : i32
    %while3A_28 = arith.constant 0 : i32
    %while3A_29 = arith.subi %get3A_27, %while3A_28 : i32
    %while3A_30 = arith.addi %while3A_28, %while3A_29 : i32
    %while3A_31 = arith.constant 1 : i32
    %while3A_32 = arith.divsi %while3A_29, %while3A_31 : i32
    %while3A_33 = arith.muli %while3A_32, %while3A_31 : i32
    %while3A_34 = arith.addi %while3A_28, %while3A_33 : i32
    %while3A_35 = arith.constant 1 : i32
    scf.for %while3A_37 = %while3A_28 to %while3A_34 step %while3A_35  : i32 {
      %add3A = arith.addi %get3A_25, %while3A_37 : i32
      %mul3A = arith.constant 128 : i32
      %mul3A_38 = arith.muli %add3A, %mul3A : i32
      %multiple_of3A = tpu.assume_multiple %mul3A_38, 128 : i32
      %get3A_39 = arith.index_cast %multiple_of3A : i32 to index
      %get3A_40 = arith.constant 0 : index
      %get3A_41 = vector.load %arg4[%get3A_39, %get3A_40] : memref<5120x1024xbf16, #tpu.memory_space<vmem>>, vector<128x1024xbf16>
      %get3A_42 = arith.constant 0 : index
      %get3A_43 = arith.constant 0 : index
      %get3A_44 = vector.load %arg9[%get3A_42, %get3A_43] : memref<1024x1024xbf16, #tpu.memory_space<vmem>>, vector<1024x1024xbf16>
      %dot_general3A = arith.constant dense<0.000000e+00> : vector<128x1024xf32>
      %dot_general3A_45 = tpu.matmul %get3A_41, %get3A_44, %dot_general3A {dimension_numbers = #tpu.dot_dimension_numbers<[1], [1], [0], [0], [0, 0, 1, 0], [], []>, transpose_lhs_hint = false} : vector<128x1024xbf16>, vector<1024x1024xbf16>, vector<128x1024xf32> -> vector<128x1024xf32>
      %get3A_46 = arith.constant 0 : index
      %get3A_47 = arith.constant 0 : index
      %get3A_48 = vector.load %arg10[%get3A_46, %get3A_47] : memref<1024x1024xbf16, #tpu.memory_space<vmem>>, vector<1024x1024xbf16>
      %dot_general3A_49 = arith.constant dense<0.000000e+00> : vector<128x1024xf32>
      %dot_general3A_50 = tpu.matmul %get3A_41, %get3A_48, %dot_general3A_49 {dimension_numbers = #tpu.dot_dimension_numbers<[1], [1], [0], [0], [0, 0, 1, 0], [], []>, transpose_lhs_hint = false} : vector<128x1024xbf16>, vector<1024x1024xbf16>, vector<128x1024xf32> -> vector<128x1024xf32>
      %logistic3A = arith.negf %dot_general3A_45 : vector<128x1024xf32>
      %logistic3A_51 = math.exp %logistic3A : vector<128x1024xf32>
      %logistic3A_52 = arith.constant 1.000000e+00 : f32
      %logistic3A_53 = vector.broadcast %logistic3A_52 : f32 to vector<128x1024xf32>
      %logistic3A_54 = arith.addf %logistic3A_53, %logistic3A_51 : vector<128x1024xf32>
      %logistic3A_55 = arith.divf %logistic3A_53, %logistic3A_54 : vector<128x1024xf32>
      %mul3A_56 = arith.mulf %dot_general3A_45, %logistic3A_55 : vector<128x1024xf32>
      %mul3A_57 = arith.mulf %mul3A_56, %dot_general3A_50 : vector<128x1024xf32>
      %convert_element_type3A_58 = arith.truncf %mul3A_57 : vector<128x1024xf32> to vector<128x1024xbf16>
      %get3A_59 = arith.constant 0 : index
      %get3A_60 = arith.constant 0 : index
      %get3A_61 = vector.load %arg11[%get3A_59, %get3A_60] : memref<1024x1024xbf16, #tpu.memory_space<vmem>>, vector<1024x1024xbf16>
      %dot_general3A_62 = arith.constant dense<0.000000e+00> : vector<128x1024xf32>
      %dot_general3A_63 = tpu.matmul %convert_element_type3A_58, %get3A_61, %dot_general3A_62 {dimension_numbers = #tpu.dot_dimension_numbers<[1], [0], [0], [1], [0, 0, 1, 1], [], []>, transpose_lhs_hint = false} : vector<128x1024xbf16>, vector<1024x1024xbf16>, vector<128x1024xf32> -> vector<128x1024xf32>
      %eq3A = arith.constant 0 : i32
      %eq3A_64 = arith.cmpi eq, %arg0, %eq3A : i32
      %convert_element_type3A_65 = arith.extui %eq3A_64 : i1 to i32
      %cond3A = arith.constant 0 : i32
      %cond3A_66 = arith.cmpi ne, %convert_element_type3A_65, %cond3A : i32
      scf.if %cond3A_66 {
        %swap3A_71 = arith.index_cast %multiple_of3A : i32 to index
        %swap3A_72 = arith.constant 0 : index
        %swap3A_73 = vector.load %arg8[%swap3A_71, %swap3A_72] : memref<5120x1024xf32, #tpu.memory_space<vmem>>, vector<128x1024xf32>
        tpu.vector_store %arg8[%swap3A_71, %swap3A_72], %dot_general3A_63 {strides = array<i32>} : memref<5120x1024xf32, #tpu.memory_space<vmem>>, vector<128x1024xf32>,
      } else {
      }
      %gt3A = arith.constant 0 : i32
      %gt3A_67 = arith.cmpi sgt, %arg0, %gt3A : i32
      %convert_element_type3A_68 = arith.extui %gt3A_67 : i1 to i32
      %cond3A_69 = arith.constant 0 : i32
      %cond3A_70 = arith.cmpi ne, %convert_element_type3A_68, %cond3A_69 : i32
      scf.if %cond3A_70 {
        %get3A_71 = arith.index_cast %multiple_of3A : i32 to index
        %get3A_72 = arith.constant 0 : index
        %get3A_73 = vector.load %arg8[%get3A_71, %get3A_72] : memref<5120x1024xf32, #tpu.memory_space<vmem>>, vector<128x1024xf32>
        %add3A_74 = arith.addf %get3A_73, %dot_general3A_63 : vector<128x1024xf32>
        %swap3A_75 = arith.index_cast %multiple_of3A : i32 to index
        %swap3A_76 = arith.constant 0 : index
        %swap3A_77 = vector.load %arg8[%swap3A_75, %swap3A_76] : memref<5120x1024xf32, #tpu.memory_space<vmem>>, vector<128x1024xf32>
        tpu.vector_store %arg8[%swap3A_75, %swap3A_76], %add3A_74 {strides = array<i32>} : memref<5120x1024xf32, #tpu.memory_space<vmem>>, vector<128x1024xf32>,
      } else {
      }
    }
    %while3A_36 = arith.constant 1 : i32
    scf.for %while3A_37 = %while3A_34 to %while3A_30 step %while3A_36  : i32 {
      %add3A = arith.addi %get3A_25, %while3A_37 : i32
      %mul3A = arith.constant 128 : i32
      %mul3A_38 = arith.muli %add3A, %mul3A : i32
      %multiple_of3A = tpu.assume_multiple %mul3A_38, 128 : i32
      %get3A_39 = arith.index_cast %multiple_of3A : i32 to index
      %get3A_40 = arith.constant 0 : index
      %get3A_41 = vector.load %arg4[%get3A_39, %get3A_40] : memref<5120x1024xbf16, #tpu.memory_space<vmem>>, vector<128x1024xbf16>
      %get3A_42 = arith.constant 0 : index
      %get3A_43 = arith.constant 0 : index
      %get3A_44 = vector.load %arg9[%get3A_42, %get3A_43] : memref<1024x1024xbf16, #tpu.memory_space<vmem>>, vector<1024x1024xbf16>
      %dot_general3A = arith.constant dense<0.000000e+00> : vector<128x1024xf32>
      %dot_general3A_45 = tpu.matmul %get3A_41, %get3A_44, %dot_general3A {dimension_numbers = #tpu.dot_dimension_numbers<[1], [1], [0], [0], [0, 0, 1, 0], [], []>, transpose_lhs_hint = false} : vector<128x1024xbf16>, vector<1024x1024xbf16>, vector<128x1024xf32> -> vector<128x1024xf32>
      %get3A_46 = arith.constant 0 : index
      %get3A_47 = arith.constant 0 : index
      %get3A_48 = vector.load %arg10[%get3A_46, %get3A_47] : memref<1024x1024xbf16, #tpu.memory_space<vmem>>, vector<1024x1024xbf16>
      %dot_general3A_49 = arith.constant dense<0.000000e+00> : vector<128x1024xf32>
      %dot_general3A_50 = tpu.matmul %get3A_41, %get3A_48, %dot_general3A_49 {dimension_numbers = #tpu.dot_dimension_numbers<[1], [1], [0], [0], [0, 0, 1, 0], [], []>, transpose_lhs_hint = false} : vector<128x1024xbf16>, vector<1024x1024xbf16>, vector<128x1024xf32> -> vector<128x1024xf32>
      %logistic3A = arith.negf %dot_general3A_45 : vector<128x1024xf32>
      %logistic3A_51 = math.exp %logistic3A : vector<128x1024xf32>
      %logistic3A_52 = arith.constant 1.000000e+00 : f32
      %logistic3A_53 = vector.broadcast %logistic3A_52 : f32 to vector<128x1024xf32>
      %logistic3A_54 = arith.addf %logistic3A_53, %logistic3A_51 : vector<128x1024xf32>
      %logistic3A_55 = arith.divf %logistic3A_53, %logistic3A_54 : vector<128x1024xf32>
      %mul3A_56 = arith.mulf %dot_general3A_45, %logistic3A_55 : vector<128x1024xf32>
      %mul3A_57 = arith.mulf %mul3A_56, %dot_general3A_50 : vector<128x1024xf32>
      %convert_element_type3A_58 = arith.truncf %mul3A_57 : vector<128x1024xf32> to vector<128x1024xbf16>
      %get3A_59 = arith.constant 0 : index
      %get3A_60 = arith.constant 0 : index
      %get3A_61 = vector.load %arg11[%get3A_59, %get3A_60] : memref<1024x1024xbf16, #tpu.memory_space<vmem>>, vector<1024x1024xbf16>
      %dot_general3A_62 = arith.constant dense<0.000000e+00> : vector<128x1024xf32>
      %dot_general3A_63 = tpu.matmul %convert_element_type3A_58, %get3A_61, %dot_general3A_62 {dimension_numbers = #tpu.dot_dimension_numbers<[1], [0], [0], [1], [0, 0, 1, 1], [], []>, transpose_lhs_hint = false} : vector<128x1024xbf16>, vector<1024x1024xbf16>, vector<128x1024xf32> -> vector<128x1024xf32>
      %eq3A = arith.constant 0 : i32
      %eq3A_64 = arith.cmpi eq, %arg0, %eq3A : i32
      %convert_element_type3A_65 = arith.extui %eq3A_64 : i1 to i32
      %cond3A = arith.constant 0 : i32
      %cond3A_66 = arith.cmpi ne, %convert_element_type3A_65, %cond3A : i32
      scf.if %cond3A_66 {
        %swap3A_71 = arith.index_cast %multiple_of3A : i32 to index
        %swap3A_72 = arith.constant 0 : index
        %swap3A_73 = vector.load %arg8[%swap3A_71, %swap3A_72] : memref<5120x1024xf32, #tpu.memory_space<vmem>>, vector<128x1024xf32>
        tpu.vector_store %arg8[%swap3A_71, %swap3A_72], %dot_general3A_63 {strides = array<i32>} : memref<5120x1024xf32, #tpu.memory_space<vmem>>, vector<128x1024xf32>,
      } else {
      }
      %gt3A = arith.constant 0 : i32
      %gt3A_67 = arith.cmpi sgt, %arg0, %gt3A : i32
      %convert_element_type3A_68 = arith.extui %gt3A_67 : i1 to i32
      %cond3A_69 = arith.constant 0 : i32
      %cond3A_70 = arith.cmpi ne, %convert_element_type3A_68, %cond3A_69 : i32
      scf.if %cond3A_70 {
        %get3A_71 = arith.index_cast %multiple_of3A : i32 to index
        %get3A_72 = arith.constant 0 : index
        %get3A_73 = vector.load %arg8[%get3A_71, %get3A_72] : memref<5120x1024xf32, #tpu.memory_space<vmem>>, vector<128x1024xf32>
        %add3A_74 = arith.addf %get3A_73, %dot_general3A_63 : vector<128x1024xf32>
        %swap3A_75 = arith.index_cast %multiple_of3A : i32 to index
        %swap3A_76 = arith.constant 0 : index
        %swap3A_77 = vector.load %arg8[%swap3A_75, %swap3A_76] : memref<5120x1024xf32, #tpu.memory_space<vmem>>, vector<128x1024xf32>
        tpu.vector_store %arg8[%swap3A_75, %swap3A_76], %add3A_74 {strides = array<i32>} : memref<5120x1024xf32, #tpu.memory_space<vmem>>, vector<128x1024xf32>,
      } else {
      }
    }
    return
  }
  func.func @transform_0(%arg0: i32, %arg1: i32, %arg2: memref<8xi32, #tpu.memory_space<smem>>, %arg3: memref<8xi32, #tpu.memory_space<smem>>) -> (i32, i32) {
    %c0_i32 = arith.constant 0 : i32
    %c0_i32_0 = arith.constant 0 : i32
    %c0_i32_1 = arith.constant 0 : i32
    return %c0_i32, %c0_i32_0 : i32, i32
  }
  func.func @transform_1(%arg0: i32, %arg1: i32, %arg2: memref<8xi32, #tpu.memory_space<smem>>, %arg3: memref<8xi32, #tpu.memory_space<smem>>) -> (i32, i32, i32) {
    %c0_i32 = arith.constant 0 : i32
    %c0_i32_0 = arith.constant 0 : i32
    return %arg1, %arg0, %c0_i32 : i32, i32, i32
  }
  func.func @transform_2(%arg0: i32, %arg1: i32, %arg2: memref<8xi32, #tpu.memory_space<smem>>, %arg3: memref<8xi32, #tpu.memory_space<smem>>) -> (i32, i32, i32) {
    %c0_i32 = arith.constant 0 : i32
    %c0_i32_0 = arith.constant 0 : i32
    return %arg1, %arg0, %c0_i32 : i32, i32, i32
  }
  func.func @transform_3(%arg0: i32, %arg1: i32, %arg2: memref<8xi32, #tpu.memory_space<smem>>, %arg3: memref<8xi32, #tpu.memory_space<smem>>) -> (i32, i32, i32) {
    %c0_i32 = arith.constant 0 : i32
    %c0_i32_0 = arith.constant 0 : i32
    return %arg1, %arg0, %c0_i32 : i32, i32, i32
  }
  func.func @transform_4(%arg0: i32, %arg1: i32, %arg2: memref<8xi32, #tpu.memory_space<smem>>, %arg3: memref<8xi32, #tpu.memory_space<smem>>) -> (i32, i32) {
    %c0_i32 = arith.constant 0 : i32
    %c0_i32_0 = arith.constant 0 : i32
    %c0_i32_1 = arith.constant 0 : i32
    return %c0_i32, %c0_i32_0 : i32, i32
  }
}

</mosaic_0001>

<sc_bundles>
// kernel: kernel.6.cloned.1.call-start
scs
__scs_entry_jumppad:
0x0: {  	(pc) =	sbr.rel $0x88, $3  }
0x1: {  	(tag) =	ssettag $0x0;
	lr =	simm.s32 $0x1  }
0x2: {  	[smem:$0x3F9C] =	sst lr;
	_ =	strace $0xD0000000  }
0x3: {  	_ = 	snop  }
0x4: {  	_ = 	snop  }
0x5: {  	_ = 	snop  }
0x6: {  	_ = 	snop  }
0x7: {  	_ = 	snop  }
__scs_overlays_trampoline_lowered:
0x8: {  	[smem:$0x3FAB] =	sst s0  }
0x9: {  	[smem:$0x3FAC] =	sst s1  }
0xa: {  	[smem:$0x3FAD] =	sst s2  }
0xb: {  	[smem:$0x3FAE] =	sst s3  }
0xc: {  	[smem:$0x3FAF] =	sst s4  }
0xd: {  	[smem:$0x3FB0] =	sst s5  }
0xe: {  	[smem:$0x3FB1] =	sst s6  }
0xf: {  	[smem:$0x3FB2] =	sst s7  }
0x10: {  	[smem:$0x3FB3] =	sst s8  }
0x11: {  	[smem:$0x3FB4] =	sst s9;
	s0 =	simm.s32 @!p0 $0x0  }
0x12: {  	s1 =	sld [smem:$0x3F9A];
	s0 =	simm.s32 @p0 $0x1  }
0x13: {  	[smem:$0x3FB5] =	sst s0;
	s0 =	simm.s32 @!p1 $0x0  }
0x14: {  	s2 =	sld [smem:$0x3F99];
	s0 =	simm.s32 @p1 $0x1  }
0x15: {  	[smem:$0x3FB6] =	sst s0;
	s0 =	simm.s32 @!p2 $0x0  }
0x16: {  	s3 =	sld [smem:$0x3FDB];
	s0 =	simm.s32 @p2 $0x1  }
0x17: {  	s4 =	simm.s32 $0x1BF5;
	[smem:$0x3FB8] =	sst s0  }
0x18: {  	s0 =	sld [smem:$0x3F9B];
	_ =	swait.ge [sflag:s4], $0x0  }
0x19: {  	s7 =	sld [smem:$0x3F9C]  }
0x1a: {  	s8 =	sadd.s32 $0xFFFFE003, lr  }
0x1b: {  	s9 =	sadd.s32 $0xFFFFFEF7, lr;
	s5 =	simm.s32 $0xFFFFFFFF;
	p2 =	slt.u32 s8, $0xFFFFF086  }
0x1c: {  	p1 =	slt.u32 s9, $0xF7A;
	s5 =	simm.s32 @!p2 $0x0  }
0x1d: {  	s5 =	simm.s32 @p1 $0x1;
	p0 =	seq.s32 s7, s2  }
0x1e: {  	s7 =	smul.u32 @!p0 $0xF7A, s2;
	p2 =	seq.s32 @!p0 s5, $0x0  }
0x1f: {  	s9 =	smul.u32 $0xF7A, s1;
	s8 =	simm.s32 @!p0 $0x1BF5;
	p2 =	por !p2, p0  }
0x20: {  	[sflag:s8] =	ssyncset.s32 @!p0 $0xFFFFF086;
	s6 =	sadd.s32 @!p0 s3, s7;
	s7 =	simm.s32 @!p0 $0x108  }
0x21: {  	s3 =	sadd.s32 s3, s9;
	s6 =	sadd.s32 @!p0 $0x88, s6;
	s7 =	simm.s32 @p2 $0x1082  }
0x22: {  	[simem:s7], [sflag:s8] =	dma.local @!p0 [hbm:s6], $0xF7A  }
0x23: {  	s9 =	sor.u32 $0xD0000000, s2;
	s6 =	simm.s32 $0x108;
	_ =	swait.ge @!p0 [sflag:s8], $0x0  }
0x24: {  	s3 =	sadd.s32 $0x88, s3;
	s6 =	simm.s32 @!p1 $0x1082;
	[sflag:s4] =	ssyncset.s32 $0xFFFFF086  }
0x25: {  	[simem:s6], [sflag:s4] =	dma.local [hbm:s3], $0xF7A  }
0x26: {  	[smem:$0x3F9C] =	sst s1;
	(tag) =	ssettag s2;
	_ =	strace s9  }
0x27: {  	s1 =	sld [smem:$0x3FAC]  }
0x28: {  	s2 =	sld [smem:$0x3FAD]  }
0x29: {  	s4 =	sld [smem:$0x3FAF]  }
0x2a: {  	p0 =	seq.s32 s5, $0x0;
	s5 =	sld [smem:$0x3FB0]  }
0x2b: {  	s6 =	sld [smem:$0x3FB1]  }
0x2c: {  	s7 =	sld [smem:$0x3FB2]  }
0x2d: {  	s3 =	simm.s32 $0x108;
	s8 =	sld [smem:$0x3FB3]  }
0x2e: {  	s3 =	simm.s32 @!p0 $0x1082;
	s9 =	sld [smem:$0x3FB4]  }
0x2f: {  	lr =	sadd.s32 s0, s3;
	s0 =	sld [smem:$0x3FAB]  }
0x30: {  	s3 =	sld [smem:$0x3FAE]  }
0x31: {  	[smem:$0x3FB7] =	sst s10  }
0x32: {  	s10 =	sld [smem:$0x3FB5];
	_ =	sdelay $0x3  }
0x33: {  	p0 =	seq.s32 s10, $0x1;
	s10 =	sld [smem:$0x3FB7];
	_ =	sdelay $0x3  }
0x34: {  	[smem:$0x3FB7] =	sst s10  }
0x35: {  	s10 =	sld [smem:$0x3FB6];
	_ =	sdelay $0x3  }
0x36: {  	p1 =	seq.s32 s10, $0x1;
	s10 =	sld [smem:$0x3FB7];
	_ =	sdelay $0x3  }
0x37: {  	[smem:$0x3FB7] =	sst s10  }
0x38: {  	s10 =	sld [smem:$0x3FB8]  }
0x39: {  	_ = 	snop;
	(pc) =	sbr.ind lr, $3  }
0x3a: {  	_ = 	snop  }
0x3b: {  	_ = 	snop  }
0x3c: {  	p2 =	seq.s32 s10, $0x1;
	s10 =	sld [smem:$0x3FB7]  }
0x3d: {  	_ =	shalt  }
0x3e: {  	_ =	shalt  }
0x3f: {  	_ =	shalt  }
0x40: {  	_ =	shalt  }
0x41: {  	_ =	shalt  }
0x42: {  	_ =	shalt  }
0x43: {  	_ =	shalt  }
0x44: {  	_ =	shalt  }
0x45: {  	_ =	shalt  }
0x46: {  	_ =	shalt  }
0x47: {  	_ =	shalt  }
0x48: {  	_ =	shalt  }
0x49: {  	_ =	shalt  }
0x4a: {  	_ =	shalt  }
0x4b: {  	_ =	shalt  }
0x4c: {  	_ =	shalt  }
0x4d: {  	_ =	shalt  }
0x4e: {  	_ =	shalt  }
0x4f: {  	_ =	shalt  }
0x50: {  	_ =	shalt  }
0x51: {  	_ =	shalt  }
0x52: {  	_ =	shalt  }
0x53: {  	_ =	shalt  }
0x54: {  	_ =	shalt  }
0x55: {  	_ =	shalt  }
0x56: {  	_ =	shalt  }
0x57: {  	_ =	shalt  }
0x58: {  	_ =	shalt  }
0x59: {  	_ =	shalt  }
0x5a: {  	_ =	shalt  }
0x5b: {  	_ =	shalt  }
0x5c: {  	_ =	shalt  }
0x5d: {  	_ =	shalt  }
0x5e: {  	_ =	shalt  }
0x5f: {  	_ =	shalt  }
0x60: {  	_ =	shalt  }
0x61: {  	_ =	shalt  }
0x62: {  	_ =	shalt  }
0x63: {  	_ =	shalt  }
0x64: {  	_ =	shalt  }
0x65: {  	_ =	shalt  }
0x66: {  	_ =	shalt  }
0x67: {  	_ =	shalt  }
0x68: {  	_ =	shalt  }
0x69: {  	_ =	shalt  }
0x6a: {  	_ =	shalt  }
0x6b: {  	_ =	shalt  }
0x6c: {  	_ =	shalt  }
0x6d: {  	_ =	shalt  }
0x6e: {  	_ =	shalt  }
0x6f: {  	_ =	shalt  }
0x70: {  	_ =	shalt  }
0x71: {  	_ =	shalt  }
0x72: {  	_ =	shalt  }
0x73: {  	_ =	shalt  }
0x74: {  	_ =	shalt  }
0x75: {  	_ =	shalt  }
0x76: {  	_ =	shalt  }
0x77: {  	_ =	shalt  }
0x78: {  	_ =	shalt  }
0x79: {  	_ =	shalt  }
0x7a: {  	_ =	shalt  }
0x7b: {  	_ =	shalt  }
0x7c: {  	_ =	shalt  }
0x7d: {  	_ =	shalt  }
0x7e: {  	_ =	shalt  }
0x7f: {  	_ =	shalt  }
0x80: {  	_ =	shalt  }
0x81: {  	_ =	shalt  }
0x82: {  	_ =	shalt  }
0x83: {  	_ =	shalt  }
0x84: {  	_ =	shalt  }
0x85: {  	_ =	shalt  }
0x86: {  	_ =	shalt  }
0x87: {  	_ =	shalt  }
.Lfunc_end0:
.L_simem_size_0:
called_computation_lowered:
.L_overlay_start_0:
0x88: {  	s2 =	sld [smem:$0x3FD9]  }
0x89: {  	s3 =	sld [smem:$0x3FFE];
	_ =	sdelay $0x1  }
0x8a: {  	s1 =	srdreg.scid  }
0x8b: {  	s0 =	sand.u32 $0x1, s1  }
0x8c: {  	s17 =	sshll.u32 s0, $0xA;
	s2 =	sadd.s32 s3, s2  }
0x8d: {  	s2 =	sadd.s32 s2, s17  }
0x8e: {  	[smem:$0x3FC3] =	sst s2  }
0x8f: {  	_ = 	snop  }
0x90: {  	s2 =	sld [smem:$0x3FD0];
	(tm) =	ssettm $0x1  }
0x91: {  	s18 =	sld [smem:$0x3FFB];
	_ =	sdelay $0x3  }
0x92: {  	_ =	strace s18  }
0x93: {  	s3 =	sld [smem:$0x3FFC];
	_ =	sdelay $0x3  }
0x94: {  	_ =	strace s3  }
0x95: {  	s3 =	sld [smem:$0x3FFD];
	_ =	sdelay $0x3  }
0x96: {  	_ =	strace s3  }
0x97: {  	_ =	strace $0x8FFFFFFF  }
0x98: {  	s19 =	sld [smem:$0x3FDB];
	_ =	sdelay $0x1  }
0x99: {  	s4 =	simm.s32 $_scs_section_size  }
0x9a: {  	s5 =	simm.s32 $_size__tile_overlayer_lowered;
	s6 =	simm.s32 $_tile_overlayer_lowered  }
0x9b: {  	s22 =	simm.s32 $0x1BFF;
	s21 =	sshll.u32 s6, $0x1;
	s3 =	sadd.s32 s4, s19  }
0x9c: {  	s7 =	simm.s32 $0x0;
	s20 =	sshll.u32 s5, $0x1;
	s5 =	sadd.s32 s21, s3  }
0x9d: {  	[timem:s7], [sflag:s22] =	dma.local [hbm:s5], s20  }
0x9e: {  	_ =	swait.ge [sflag:s22], s20  }
0x9f: {  	s4 =	ssub.s32 $0x0, s20;
	[sflag:s22] =	ssyncset.done $0x0  }
0xa0: {  	[sflag:s22] =	ssyncadd.s32 s4;
	_ =	sdelay $0x1  }
0xa1: {  	s23 =	simm.s32 $0x1B8B  }
0xa2: {  	_ =	swait.ge [sflag:s23], $0x1  }
0xa3: {  	[sflag:s23] =	ssyncset.done $0x0  }
0xa4: {  	s25 =	simm.s32 $0x1B8E;
	s24 =	sld [smem:$0x3FFE];
	[sflag:s23] =	ssyncadd.s32 $0xFFFFFFFF  }
0xa5: {  	s26 =	simm.s32 $execute0_lowered;
	[smem:$0x3FD2] =	sst s25  }
0xa6: {  	s5 =	sshll.u32 s26, $0x1;
	_ =	strace $0x80000046;
	[dreg:$0x1] =	wrdreg $0xFFFFFFFF  }
0xa7: {  	s28 =	simm.s32 $_size_execute0_lowered;
	s3 =	sadd.s32 s3, s5;
	[dreg:$0x0] =	wrdreg $0x0  }
0xa8: {  	s5 =	sshll.u32 s28, $0x1;
	[dreg:$0x2] =	wrdreg s3  }
0xa9: {  	[dreg:$0x3] =	wrdreg s5  }
0xaa: {  	[dreg:$0x4] =	wrdreg $0xC0  }
0xab: {  	_ =	task [dreg:s7], $0x5FFFF  }
0xac: {  	[dreg:$0x1] =	wrdreg $0xFFFFFFFF  }
0xad: {  	[dreg:$0x0] =	wrdreg $0x60  }
0xae: {  	[dreg:$0x2] =	wrdreg s2  }
0xaf: {  	[dreg:$0x3] =	wrdreg s24  }
0xb0: {  	[dreg:$0x4] =	wrdreg $0x9  }
0xb1: {  	_ =	task.clear_ibuf [dreg:s7], $0x5FFFF;
	_ =	strace $0x90000046  }
0xb2: {  	s29 =	simm.s32 $0x9;
	_ =	strace $0x80000048  }
0xb3: {  	_ =	swait.ge [sflag:s29], $0x1  }
0xb4: {  	[sflag:s29] =	ssyncadd.s32 $0xFFFFFFFF  }
0xb5: {  	_ =	strace $0x90000048  }
0xb6: {  	_ =	sfence  }
0xb7: {  	s30 =	sld [smem:$0x0];
	_ =	sdelay $0x2  }
0xb8: {  	s31 =	sshll.u32 s1, $0xD;
	s1 =	sshrl.u32 s1, $0x2  }
0xb9: {  	s3 =	sand.u32 $0x4000, s31;
	s1 =	sadd.s32 s1, s30  }
0xba: {  	s0 =	sor.u32 s3, s0;
	s1 =	sshll.u32 s1, $0x11  }
0xbb: {  	s0 =	sor.u32 s1, s0  }
0xbc: {  	s0 =	sadd.s32 $0x8F2B, s0  }
0xbd: {  	[sflag:s0] =	ssyncadd.remote.s32 $0x1  }
0xbe: {  	_ =	sfence.sel $0xFFFF  }
0xbf: {  	[dreg:$0x0] =	wrdreg $0xFFFFFFFF;
	(pc) =	sbr.abs _section_cstart, $3  }
0xc0: {  	[dreg:$0x1] =	wrdreg $0xFFFFFFFF  }
0xc1: {  	_ =	task.clear_ibuf [dreg:s7], $0x2FFFF;
	_ =	strace $0x9FFFFFFF  }
0xc2: {  	(tm) =	ssettm $0x7FFFFFFF  }
0xc3: {  	_ =	shalt  }
tec
execute0_lowered:
.L_overlay_start_1:
0x0: {  	(tag) =	ssettag $0x1  }
0x1: {  	s5 =	rddreg [dreg:$0x0]  }
0x2: {  	s7 =	rddreg [dreg:$0x1]  }
0x3: {  	s0 =	rddreg [dreg:$0x2];
	s1 =	simm.s32 $0x0;
	s2 =	srdreg.scid  }
0x4: {  	s11 =	simm.s32 $0x1;
	s12 =	simm.s32 $0x2;
	s13 =	simm.s32 $0x3  }
0x5: {  	s14 =	simm.s32 $0x900;
	s15 =	simm.s32 $0x1100;
	s16 =	simm.s32 $0x1900  }
0x6: {  	s17 =	simm.s32 $0x2100;
	s18 =	simm.s32 $0x2900;
	s19 =	simm.s32 $0x3100  }
0x7: {  	s20 =	simm.s32 $0x3900;
	s21 =	simm.s32 $0x4100;
	s22 =	simm.s32 $0x4900  }
0x8: {  	s23 =	simm.s32 $0x5100;
	s24 =	simm.s32 $0x5900;
	s25 =	simm.s32 $0x6100  }
0x9: {  	s28 =	simm.s32 $0x7100;
	s29 =	simm.s32 $0x7900;
	[smem:$0x7FF] =	sst s1  }
0xa: {  	s4 =	sand.u32 $0x1, s2;
	s3 =	sadd.s32 $0x400, s7;
	s2 =	stileid.u32  }
0xb: {  	_ =	strace $0x80000047;
	s6 =	ssub.s32 $0x2, s4;
	s9 =	sshll.u32 s4, $0x3  }
0xc: {  	s10 =	sshll.u32 s2, $0x6;
	s30 =	sshll.u32 s4, $0xC;
	s31 =	sshll.u32 s2, $0xD  }
0xd: {  	s8 =	sshrl.u32 s6, $0x1;
	s26 =	sor.u32 s9, s10;
	s9 =	sadd.s32 s5, s30  }
0xe: {  	v2 =	vlaneseq.u32;
	s10 =	simm.s32 $0x100;
	s8 =	ssub.s32 s6, s8;
	s4 =	sadd.s32 s7, s26  }
0xf: {  	vm0 =	vmmov $0xffff;
	v1 =	vshrl.u32 v2, $0x3;
	s6 =	sadd.s32 s31, s9;
	s7 =	sadd.s32 $0x500, s7;
	s9 =	simm.s32 $0x80  }
0x10: {  	v0 =	vand.u32 $0x7, v2;
	v2 =	vor.u32 $0x8, v2;
	v1 =	vmul.u32 $0x8, v1;
	s26 =	simm.s32 $0x6900;
	s5 =	sadd.s32 $0x10, s4;
	s8 =	smax.u32 s8, $0x1  }
.LBB2_1:
0x11: {  	[tilespmem:s1], [sflag:$0x1] =	stream.linear.gather [hbm4b:s4+s1], $0x40, $0x38;
	[tilespmem:$0x8100] =	vst v63  }
0x12: {  	_ = 	snop  }
0x13: {  	[tilespmem:s9], [sflag:$0x2] =	stream.linear.gather [hbm4b:s5+s1], $0x40, $0x38;
	[tilespmem:$0x8100] =	vst v63  }
0x14: {  	_ = 	snop  }
0x15: {  	[tilespmem:s10], [sflag:$0x3] =	stream.linear.gather [hbm4b:s6+s1], $0x8000, $0x38;
	[tilespmem:$0x8100] =	vst v63  }
0x16: {  	_ =	swait.ge [sflag:s11], $0x40  }
0x17: {  	[sflag:s11] =	ssyncset.done $0x0  }
0x18: {  	[sflag:s11] =	ssyncadd.s32 $0xFFFFFFC0  }
0x19: {  	_ =	swait.ge [sflag:s12], $0x40  }
0x1a: {  	[sflag:s12] =	ssyncset.done $0x0  }
0x1b: {  	[sflag:s12] =	ssyncadd.s32 $0xFFFFFFC0  }
0x1c: {  	_ =	swait.ge [sflag:s13], $0x8000  }
0x1d: {  	[sflag:s13] =	ssyncset.done $0x0  }
0x1e: {  	[sflag:s13] =	ssyncadd.s32 $0xFFFF8000  }
0x1f: {  	v3 =	vld [tilespmem:$0x0];
	_ =	sdelay $0x4  }
0x20: {  	v4 =	vshll.u32 v3, $0x2  }
0x21: {  	v3 =	vand.u32 $0x7, v3;
	v4 =	vand.u32 $0xFFFFFFE0, v4  }
0x22: {  	v3 =	vor.u32 v3, v4  }
0x23: {  	v4 =	vperm.xlane v3, v0;
	_ =	sdelay $0x1  }
0x24: {  	v4 =	vadd.s32 v1, v4;
	_ =	sdelay $0x1  }
0x25: {  	v3 =	vperm.xlane v3, v2;
	_ =	sdelay $0x1  }
0x26: {  	v3 =	vadd.s32 v1, v3  }
0x27: {  	[hbm4b:s3+s1] =	stream.indirect_vreg.scatter [tilespmem:s10], [sflag:$0x1], $0x80, v4, vm0, $0xb8;
	[tilespmem:$0x8100] =	vst v63  }
0x28: {  	_ = 	snop  }
0x29: {  	[hbm4b:s7+s1] =	stream.indirect_vreg.scatter [tilespmem:s14], [sflag:$0x1], $0x80, v4, vm0, $0xb8;
	[tilespmem:$0x8100] =	vst v63  }
0x2a: {  	_ = 	snop  }
0x2b: {  	[hbm4b:s3+s1] =	stream.indirect_vreg.scatter [tilespmem:s15], [sflag:$0x1], $0x80, v3, vm0, $0xb8;
	[tilespmem:$0x8100] =	vst v63  }
0x2c: {  	_ = 	snop  }
0x2d: {  	[hbm4b:s7+s1] =	stream.indirect_vreg.scatter [tilespmem:s16], [sflag:$0x1], $0x80, v3, vm0, $0xb8;
	[tilespmem:$0x8100] =	vst v63  }
0x2e: {  	v3 =	vld [tilespmem:$0x10];
	_ =	sdelay $0x4  }
0x2f: {  	v57 =	vshll.u32 v3, $0x2  }
0x30: {  	v3 =	vand.u32 $0x7, v3;
	v4 =	vand.u32 $0xFFFFFFE0, v57  }
0x31: {  	v3 =	vor.u32 v3, v4  }
0x32: {  	v4 =	vperm.xlane v3, v0;
	_ =	sdelay $0x1  }
0x33: {  	v4 =	vadd.s32 v1, v4;
	_ =	sdelay $0x1  }
0x34: {  	v3 =	vperm.xlane v3, v2;
	_ =	sdelay $0x1  }
0x35: {  	v3 =	vadd.s32 v1, v3  }
0x36: {  	[hbm4b:s3+s1] =	stream.indirect_vreg.scatter [tilespmem:s17], [sflag:$0x1], $0x80, v4, vm0, $0xb8;
	[tilespmem:$0x8100] =	vst v63  }
0x37: {  	_ = 	snop  }
0x38: {  	[hbm4b:s7+s1] =	stream.indirect_vreg.scatter [tilespmem:s18], [sflag:$0x1], $0x80, v4, vm0, $0xb8;
	[tilespmem:$0x8100] =	vst v63  }
0x39: {  	_ = 	snop  }
0x3a: {  	[hbm4b:s3+s1] =	stream.indirect_vreg.scatter [tilespmem:s19], [sflag:$0x1], $0x80, v3, vm0, $0xb8;
	[tilespmem:$0x8100] =	vst v63  }
0x3b: {  	_ = 	snop  }
0x3c: {  	[hbm4b:s7+s1] =	stream.indirect_vreg.scatter [tilespmem:s20], [sflag:$0x1], $0x80, v3, vm0, $0xb8;
	[tilespmem:$0x8100] =	vst v63  }
0x3d: {  	v3 =	vld [tilespmem:$0x20];
	_ =	sdelay $0x4  }
0x3e: {  	v58 =	vshll.u32 v3, $0x2  }
0x3f: {  	v3 =	vand.u32 $0x7, v3;
	v4 =	vand.u32 $0xFFFFFFE0, v58  }
0x40: {  	v3 =	vor.u32 v3, v4  }
0x41: {  	v4 =	vperm.xlane v3, v0;
	_ =	sdelay $0x1  }
0x42: {  	v4 =	vadd.s32 v1, v4;
	_ =	sdelay $0x1  }
0x43: {  	v3 =	vperm.xlane v3, v2;
	_ =	sdelay $0x1  }
0x44: {  	v3 =	vadd.s32 v1, v3  }
0x45: {  	[hbm4b:s3+s1] =	stream.indirect_vreg.scatter [tilespmem:s21], [sflag:$0x1], $0x80, v4, vm0, $0xb8;
	[tilespmem:$0x8100] =	vst v63  }
0x46: {  	_ = 	snop  }
0x47: {  	[hbm4b:s7+s1] =	stream.indirect_vreg.scatter [tilespmem:s22], [sflag:$0x1], $0x80, v4, vm0, $0xb8;
	[tilespmem:$0x8100] =	vst v63  }
0x48: {  	_ = 	snop  }
0x49: {  	[hbm4b:s3+s1] =	stream.indirect_vreg.scatter [tilespmem:s23], [sflag:$0x1], $0x80, v3, vm0, $0xb8;
	[tilespmem:$0x8100] =	vst v63  }
0x4a: {  	_ = 	snop  }
0x4b: {  	[hbm4b:s7+s1] =	stream.indirect_vreg.scatter [tilespmem:s24], [sflag:$0x1], $0x80, v3, vm0, $0xb8;
	[tilespmem:$0x8100] =	vst v63  }
0x4c: {  	v3 =	vld [tilespmem:$0x30];
	_ =	sdelay $0x4  }
0x4d: {  	v59 =	vshll.u32 v3, $0x2  }
0x4e: {  	v3 =	vand.u32 $0x7, v3;
	v4 =	vand.u32 $0xFFFFFFE0, v59  }
0x4f: {  	v3 =	vor.u32 v3, v4  }
0x50: {  	v4 =	vperm.xlane v3, v0;
	_ =	sdelay $0x1  }
0x51: {  	v4 =	vadd.s32 v1, v4;
	_ =	sdelay $0x1  }
0x52: {  	v3 =	vperm.xlane v3, v2;
	_ =	sdelay $0x1  }
0x53: {  	v3 =	vadd.s32 v1, v3  }
0x54: {  	[hbm4b:s3+s1] =	stream.indirect_vreg.scatter [tilespmem:s25], [sflag:$0x1], $0x80, v4, vm0, $0xb8;
	[tilespmem:$0x8100] =	vst v63  }
0x55: {  	_ = 	snop  }
0x56: {  	[hbm4b:s7+s1] =	stream.indirect_vreg.scatter [tilespmem:s26], [sflag:$0x1], $0x80, v4, vm0, $0xb8;
	[tilespmem:$0x8100] =	vst v63  }
0x57: {  	_ = 	snop  }
0x58: {  	[hbm4b:s3+s1] =	stream.indirect_vreg.scatter [tilespmem:s28], [sflag:$0x1], $0x80, v3, vm0, $0xb8;
	[tilespmem:$0x8100] =	vst v63  }
0x59: {  	_ = 	snop  }
0x5a: {  	[hbm4b:s7+s1] =	stream.indirect_vreg.scatter [tilespmem:s29], [sflag:$0x1], $0x80, v3, vm0, $0xb8;
	[tilespmem:$0x8100] =	vst v63  }
0x5b: {  	v3 =	vld [tilespmem:$0x80];
	_ =	sdelay $0x4  }
0x5c: {  	v60 =	vshll.u32 v3, $0x2  }
0x5d: {  	v3 =	vand.u32 $0x7, v3;
	v4 =	vand.u32 $0xFFFFFFE0, v60  }
0x5e: {  	v3 =	vor.u32 v3, v4  }
0x5f: {  	v4 =	vperm.xlane v3, v0;
	_ =	sdelay $0x1  }
0x60: {  	v4 =	vadd.s32 v1, v4;
	_ =	sdelay $0x1  }
0x61: {  	v3 =	vperm.xlane v3, v2;
	_ =	sdelay $0x1  }
0x62: {  	v3 =	vadd.s32 v1, v3  }
0x63: {  	[hbm4b:s3+s1] =	stream.indirect_vreg.scatter [tilespmem:s10], [sflag:$0x2], $0x80, v4, vm0, $0xb8;
	[tilespmem:$0x8100] =	vst v63  }
0x64: {  	_ = 	snop  }
0x65: {  	[hbm4b:s7+s1] =	stream.indirect_vreg.scatter [tilespmem:s14], [sflag:$0x2], $0x80, v4, vm0, $0xb8;
	[tilespmem:$0x8100] =	vst v63  }
0x66: {  	_ = 	snop  }
0x67: {  	[hbm4b:s3+s1] =	stream.indirect_vreg.scatter [tilespmem:s15], [sflag:$0x2], $0x80, v3, vm0, $0xb8;
	[tilespmem:$0x8100] =	vst v63  }
0x68: {  	_ = 	snop  }
0x69: {  	[hbm4b:s7+s1] =	stream.indirect_vreg.scatter [tilespmem:s16], [sflag:$0x2], $0x80, v3, vm0, $0xb8;
	[tilespmem:$0x8100] =	vst v63  }
0x6a: {  	v3 =	vld [tilespmem:$0x90];
	_ =	sdelay $0x4  }
0x6b: {  	v61 =	vshll.u32 v3, $0x2  }
0x6c: {  	v3 =	vand.u32 $0x7, v3;
	v4 =	vand.u32 $0xFFFFFFE0, v61  }
0x6d: {  	v3 =	vor.u32 v3, v4  }
0x6e: {  	v4 =	vperm.xlane v3, v0;
	_ =	sdelay $0x1  }
0x6f: {  	v4 =	vadd.s32 v1, v4;
	_ =	sdelay $0x1  }
0x70: {  	v3 =	vperm.xlane v3, v2;
	_ =	sdelay $0x1  }
0x71: {  	v3 =	vadd.s32 v1, v3  }
0x72: {  	[hbm4b:s3+s1] =	stream.indirect_vreg.scatter [tilespmem:s17], [sflag:$0x2], $0x80, v4, vm0, $0xb8;
	[tilespmem:$0x8100] =	vst v63  }
0x73: {  	_ = 	snop  }
0x74: {  	[hbm4b:s7+s1] =	stream.indirect_vreg.scatter [tilespmem:s18], [sflag:$0x2], $0x80, v4, vm0, $0xb8;
	[tilespmem:$0x8100] =	vst v63  }
0x75: {  	_ = 	snop  }
0x76: {  	[hbm4b:s3+s1] =	stream.indirect_vreg.scatter [tilespmem:s19], [sflag:$0x2], $0x80, v3, vm0, $0xb8;
	[tilespmem:$0x8100] =	vst v63  }
0x77: {  	_ = 	snop  }
0x78: {  	[hbm4b:s7+s1] =	stream.indirect_vreg.scatter [tilespmem:s20], [sflag:$0x2], $0x80, v3, vm0, $0xb8;
	[tilespmem:$0x8100] =	vst v63  }
0x79: {  	v3 =	vld [tilespmem:$0xA0];
	_ =	sdelay $0x4  }
0x7a: {  	v62 =	vshll.u32 v3, $0x2  }
0x7b: {  	v3 =	vand.u32 $0x7, v3;
	v4 =	vand.u32 $0xFFFFFFE0, v62  }
0x7c: {  	v3 =	vor.u32 v3, v4  }
0x7d: {  	v4 =	vperm.xlane v3, v0;
	_ =	sdelay $0x1  }
0x7e: {  	v4 =	vadd.s32 v1, v4;
	_ =	sdelay $0x1  }
0x7f: {  	v3 =	vperm.xlane v3, v2;
	_ =	sdelay $0x1  }
0x80: {  	v3 =	vadd.s32 v1, v3  }
0x81: {  	[hbm4b:s3+s1] =	stream.indirect_vreg.scatter [tilespmem:s21], [sflag:$0x2], $0x80, v4, vm0, $0xb8;
	[tilespmem:$0x8100] =	vst v63  }
0x82: {  	_ = 	snop  }
0x83: {  	[hbm4b:s7+s1] =	stream.indirect_vreg.scatter [tilespmem:s22], [sflag:$0x2], $0x80, v4, vm0, $0xb8;
	[tilespmem:$0x8100] =	vst v63  }
0x84: {  	_ = 	snop  }
0x85: {  	[hbm4b:s3+s1] =	stream.indirect_vreg.scatter [tilespmem:s23], [sflag:$0x2], $0x80, v3, vm0, $0xb8;
	[tilespmem:$0x8100] =	vst v63  }
0x86: {  	_ = 	snop  }
0x87: {  	[hbm4b:s7+s1] =	stream.indirect_vreg.scatter [tilespmem:s24], [sflag:$0x2], $0x80, v3, vm0, $0xb8;
	[tilespmem:$0x8100] =	vst v63  }
0x88: {  	v3 =	vld [tilespmem:$0xB0];
	_ =	sdelay $0x4  }
0x89: {  	v63 =	vshll.u32 v3, $0x2  }
0x8a: {  	v3 =	vand.u32 $0x7, v3;
	v4 =	vand.u32 $0xFFFFFFE0, v63  }
0x8b: {  	v3 =	vor.u32 v3, v4  }
0x8c: {  	v4 =	vperm.xlane v3, v0;
	_ =	sdelay $0x1  }
0x8d: {  	v4 =	vadd.s32 v1, v4;
	_ =	sdelay $0x1  }
0x8e: {  	v3 =	vperm.xlane v3, v2;
	_ =	sdelay $0x1  }
0x8f: {  	v3 =	vadd.s32 v1, v3  }
0x90: {  	[hbm4b:s3+s1] =	stream.indirect_vreg.scatter [tilespmem:s25], [sflag:$0x2], $0x80, v4, vm0, $0xb8;
	[tilespmem:$0x8100] =	vst v63  }
0x91: {  	_ = 	snop  }
0x92: {  	[hbm4b:s7+s1] =	stream.indirect_vreg.scatter [tilespmem:s26], [sflag:$0x2], $0x80, v4, vm0, $0xb8;
	[tilespmem:$0x8100] =	vst v63  }
0x93: {  	_ = 	snop  }
0x94: {  	[hbm4b:s3+s1] =	stream.indirect_vreg.scatter [tilespmem:s28], [sflag:$0x2], $0x80, v3, vm0, $0xb8;
	[tilespmem:$0x8100] =	vst v63  }
0x95: {  	_ = 	snop  }
0x96: {  	[hbm4b:s7+s1] =	stream.indirect_vreg.scatter [tilespmem:s29], [sflag:$0x2], $0x80, v3, vm0, $0xb8;
	[tilespmem:$0x8100] =	vst v63  }
0x97: {  	p0 =	sne.s32 s8, $0x1;
	_ =	swait.ge [sflag:s11], $0x8000  }
.Ltmp0:
0x98: {  	[sflag:s11] =	ssyncset.done $0x0;
	(pc) =	sbr.rel @p0 .LBB2_1-.Ltmp0, $4  }
0x99: {  	[sflag:s11] =	ssyncadd.s32 $0xFFFF8000  }
0x9a: {  	_ =	swait.ge [sflag:s12], $0x8000  }
0x9b: {  	[sflag:s12] =	ssyncset.done $0x0  }
0x9c: {  	s8 =	sadd.s32 $0xFFFFFFFF, s8;
	[sflag:s12] =	ssyncadd.s32 $0xFFFF8000  }
0x9d: {  	_ =	sfence.sel $0x180000  }
0x9e: {  	[bflag:$0x0] =	sbarrier.arrive $0xFFFF  }
0x9f: {  	p0 =	sne.s32 s2, $0x0;
	_ =	strace $0x90000047  }
0xa0: {  	s0 =	sadd.s32 @!p0 $0x100000, s0;
	[bflag:$0x2] =	sbarrier.arrive $0xFFFF  }
0xa1: {  	[sflag:s0] =	ssyncadd.tile.s32 @!p0 $0x1;
	_ =	shalt  }
.Lfunc_end2:
_tile_overlayer_lowered:
.L_overlay_start_2:
0xa2: {  	(tag) =	ssettag $0x2  }
0xa3: {  	s0 =	rddreg [dreg:$0x0];
	s2 =	stileid.u32  }
0xa4: {  	s1 =	rddreg [dreg:$0x1];
	p0 =	sne.s32 s2, $0x0  }
0xa5: {  	s3 =	rddreg [dreg:$0x2];
	[bflag:$0x3] =	sbarrier.arrive $0xFFFF;
	s2 =	simm.s32 @!p0 $0x1C04  }
0xa6: {  	[timem:s3], [sflag:s2] =	dma.local @!p0 [hbm:s0], s1  }
0xa7: {  	s0 =	simm.s32 @!p0 $0x4  }
0xa8: {  	_ =	swait.ge @!p0 [sflag:s0], s1  }
0xa9: {  	s1 =	ssub.s32 @!p0 $0x0, s1;
	[sflag:s0] =	ssyncset.done @!p0 $0x0  }
0xaa: {  	[sflag:s0] =	ssyncadd.s32 @!p0 s1  }
0xab: {  	[bflag:$0x3] =	sbarrier.arrive $0xFFFF  }
0xac: {  	_ =	shalt  }

// kernel: kernel.9.cloned.1.call-start
scs
__scs_entry_jumppad:
0x0: {  	(pc) =	sbr.rel $0x88, $3  }
0x1: {  	(tag) =	ssettag $0x0;
	lr =	simm.s32 $0x1  }
0x2: {  	[smem:$0x3F9C] =	sst lr;
	_ =	strace $0xD0000000  }
0x3: {  	_ = 	snop  }
0x4: {  	_ = 	snop  }
0x5: {  	_ = 	snop  }
0x6: {  	_ = 	snop  }
0x7: {  	_ = 	snop  }
__scs_overlays_trampoline_lowered:
0x8: {  	[smem:$0x3FAB] =	sst s0  }
0x9: {  	[smem:$0x3FAC] =	sst s1  }
0xa: {  	[smem:$0x3FAD] =	sst s2  }
0xb: {  	[smem:$0x3FAE] =	sst s3  }
0xc: {  	[smem:$0x3FAF] =	sst s4  }
0xd: {  	[smem:$0x3FB0] =	sst s5  }
0xe: {  	[smem:$0x3FB1] =	sst s6  }
0xf: {  	[smem:$0x3FB2] =	sst s7  }
0x10: {  	[smem:$0x3FB3] =	sst s8  }
0x11: {  	[smem:$0x3FB4] =	sst s9;
	s0 =	simm.s32 @!p0 $0x0  }
0x12: {  	s1 =	sld [smem:$0x3F9A];
	s0 =	simm.s32 @p0 $0x1  }
0x13: {  	[smem:$0x3FB5] =	sst s0;
	s0 =	simm.s32 @!p1 $0x0  }
0x14: {  	s2 =	sld [smem:$0x3F99];
	s0 =	simm.s32 @p1 $0x1  }
0x15: {  	[smem:$0x3FB6] =	sst s0;
	s0 =	simm.s32 @!p2 $0x0  }
0x16: {  	s3 =	sld [smem:$0x3FDB];
	s0 =	simm.s32 @p2 $0x1  }
0x17: {  	s4 =	simm.s32 $0x1BF5;
	[smem:$0x3FB8] =	sst s0  }
0x18: {  	s0 =	sld [smem:$0x3F9B];
	_ =	swait.ge [sflag:s4], $0x0  }
0x19: {  	s7 =	sld [smem:$0x3F9C]  }
0x1a: {  	s8 =	sadd.s32 $0xFFFFE003, lr  }
0x1b: {  	s9 =	sadd.s32 $0xFFFFFEF7, lr;
	s5 =	simm.s32 $0xFFFFFFFF;
	p2 =	slt.u32 s8, $0xFFFFF086  }
0x1c: {  	p1 =	slt.u32 s9, $0xF7A;
	s5 =	simm.s32 @!p2 $0x0  }
0x1d: {  	s5 =	simm.s32 @p1 $0x1;
	p0 =	seq.s32 s7, s2  }
0x1e: {  	s7 =	smul.u32 @!p0 $0xF7A, s2;
	p2 =	seq.s32 @!p0 s5, $0x0  }
0x1f: {  	s9 =	smul.u32 $0xF7A, s1;
	s8 =	simm.s32 @!p0 $0x1BF5;
	p2 =	por !p2, p0  }
0x20: {  	[sflag:s8] =	ssyncset.s32 @!p0 $0xFFFFF086;
	s6 =	sadd.s32 @!p0 s3, s7;
	s7 =	simm.s32 @!p0 $0x108  }
0x21: {  	s3 =	sadd.s32 s3, s9;
	s6 =	sadd.s32 @!p0 $0x88, s6;
	s7 =	simm.s32 @p2 $0x1082  }
0x22: {  	[simem:s7], [sflag:s8] =	dma.local @!p0 [hbm:s6], $0xF7A  }
0x23: {  	s9 =	sor.u32 $0xD0000000, s2;
	s6 =	simm.s32 $0x108;
	_ =	swait.ge @!p0 [sflag:s8], $0x0  }
0x24: {  	s3 =	sadd.s32 $0x88, s3;
	s6 =	simm.s32 @!p1 $0x1082;
	[sflag:s4] =	ssyncset.s32 $0xFFFFF086  }
0x25: {  	[simem:s6], [sflag:s4] =	dma.local [hbm:s3], $0xF7A  }
0x26: {  	[smem:$0x3F9C] =	sst s1;
	(tag) =	ssettag s2;
	_ =	strace s9  }
0x27: {  	s1 =	sld [smem:$0x3FAC]  }
0x28: {  	s2 =	sld [smem:$0x3FAD]  }
0x29: {  	s4 =	sld [smem:$0x3FAF]  }
0x2a: {  	p0 =	seq.s32 s5, $0x0;
	s5 =	sld [smem:$0x3FB0]  }
0x2b: {  	s6 =	sld [smem:$0x3FB1]  }
0x2c: {  	s7 =	sld [smem:$0x3FB2]  }
0x2d: {  	s3 =	simm.s32 $0x108;
	s8 =	sld [smem:$0x3FB3]  }
0x2e: {  	s3 =	simm.s32 @!p0 $0x1082;
	s9 =	sld [smem:$0x3FB4]  }
0x2f: {  	lr =	sadd.s32 s0, s3;
	s0 =	sld [smem:$0x3FAB]  }
0x30: {  	s3 =	sld [smem:$0x3FAE]  }
0x31: {  	[smem:$0x3FB7] =	sst s10  }
0x32: {  	s10 =	sld [smem:$0x3FB5];
	_ =	sdelay $0x3  }
0x33: {  	p0 =	seq.s32 s10, $0x1;
	s10 =	sld [smem:$0x3FB7];
	_ =	sdelay $0x3  }
0x34: {  	[smem:$0x3FB7] =	sst s10  }
0x35: {  	s10 =	sld [smem:$0x3FB6];
	_ =	sdelay $0x3  }
0x36: {  	p1 =	seq.s32 s10, $0x1;
	s10 =	sld [smem:$0x3FB7];
	_ =	sdelay $0x3  }
0x37: {  	[smem:$0x3FB7] =	sst s10  }
0x38: {  	s10 =	sld [smem:$0x3FB8]  }
0x39: {  	_ = 	snop;
	(pc) =	sbr.ind lr, $3  }
0x3a: {  	_ = 	snop  }
0x3b: {  	_ = 	snop  }
0x3c: {  	p2 =	seq.s32 s10, $0x1;
	s10 =	sld [smem:$0x3FB7]  }
0x3d: {  	_ =	shalt  }
0x3e: {  	_ =	shalt  }
0x3f: {  	_ =	shalt  }
0x40: {  	_ =	shalt  }
0x41: {  	_ =	shalt  }
0x42: {  	_ =	shalt  }
0x43: {  	_ =	shalt  }
0x44: {  	_ =	shalt  }
0x45: {  	_ =	shalt  }
0x46: {  	_ =	shalt  }
0x47: {  	_ =	shalt  }
0x48: {  	_ =	shalt  }
0x49: {  	_ =	shalt  }
0x4a: {  	_ =	shalt  }
0x4b: {  	_ =	shalt  }
0x4c: {  	_ =	shalt  }
0x4d: {  	_ =	shalt  }
0x4e: {  	_ =	shalt  }
0x4f: {  	_ =	shalt  }
0x50: {  	_ =	shalt  }
0x51: {  	_ =	shalt  }
0x52: {  	_ =	shalt  }
0x53: {  	_ =	shalt  }
0x54: {  	_ =	shalt  }
0x55: {  	_ =	shalt  }
0x56: {  	_ =	shalt  }
0x57: {  	_ =	shalt  }
0x58: {  	_ =	shalt  }
0x59: {  	_ =	shalt  }
0x5a: {  	_ =	shalt  }
0x5b: {  	_ =	shalt  }
0x5c: {  	_ =	shalt  }
0x5d: {  	_ =	shalt  }
0x5e: {  	_ =	shalt  }
0x5f: {  	_ =	shalt  }
0x60: {  	_ =	shalt  }
0x61: {  	_ =	shalt  }
0x62: {  	_ =	shalt  }
0x63: {  	_ =	shalt  }
0x64: {  	_ =	shalt  }
0x65: {  	_ =	shalt  }
0x66: {  	_ =	shalt  }
0x67: {  	_ =	shalt  }
0x68: {  	_ =	shalt  }
0x69: {  	_ =	shalt  }
0x6a: {  	_ =	shalt  }
0x6b: {  	_ =	shalt  }
0x6c: {  	_ =	shalt  }
0x6d: {  	_ =	shalt  }
0x6e: {  	_ =	shalt  }
0x6f: {  	_ =	shalt  }
0x70: {  	_ =	shalt  }
0x71: {  	_ =	shalt  }
0x72: {  	_ =	shalt  }
0x73: {  	_ =	shalt  }
0x74: {  	_ =	shalt  }
0x75: {  	_ =	shalt  }
0x76: {  	_ =	shalt  }
0x77: {  	_ =	shalt  }
0x78: {  	_ =	shalt  }
0x79: {  	_ =	shalt  }
0x7a: {  	_ =	shalt  }
0x7b: {  	_ =	shalt  }
0x7c: {  	_ =	shalt  }
0x7d: {  	_ =	shalt  }
0x7e: {  	_ =	shalt  }
0x7f: {  	_ =	shalt  }
0x80: {  	_ =	shalt  }
0x81: {  	_ =	shalt  }
0x82: {  	_ =	shalt  }
0x83: {  	_ =	shalt  }
0x84: {  	_ =	shalt  }
0x85: {  	_ =	shalt  }
0x86: {  	_ =	shalt  }
0x87: {  	_ =	shalt  }
.Lfunc_end0:
.L_simem_size_0:
called_computation.1_lowered:
.L_overlay_start_0:
0x88: {  	s2 =	sld [smem:$0x3FD9]  }
0x89: {  	s3 =	sld [smem:$0x3FFE];
	_ =	sdelay $0x1  }
0x8a: {  	s1 =	srdreg.scid  }
0x8b: {  	s0 =	sand.u32 $0x1, s1  }
0x8c: {  	s17 =	sshll.u32 s0, $0xA;
	s2 =	sadd.s32 s3, s2  }
0x8d: {  	s2 =	sadd.s32 s2, s17  }
0x8e: {  	[smem:$0x3FC3] =	sst s2  }
0x8f: {  	_ = 	snop  }
0x90: {  	s2 =	sld [smem:$0x3FD0];
	(tm) =	ssettm $0x1  }
0x91: {  	s18 =	sld [smem:$0x3FFB];
	_ =	sdelay $0x3  }
0x92: {  	_ =	strace s18  }
0x93: {  	s3 =	sld [smem:$0x3FFC];
	_ =	sdelay $0x3  }
0x94: {  	_ =	strace s3  }
0x95: {  	s3 =	sld [smem:$0x3FFD];
	_ =	sdelay $0x3  }
0x96: {  	_ =	strace s3  }
0x97: {  	_ =	strace $0x8FFFFFFF  }
0x98: {  	s19 =	sld [smem:$0x3FDB];
	_ =	sdelay $0x1  }
0x99: {  	s4 =	simm.s32 $_scs_section_size  }
0x9a: {  	s5 =	simm.s32 $_size__tile_overlayer_lowered;
	s6 =	simm.s32 $_tile_overlayer_lowered  }
0x9b: {  	s22 =	simm.s32 $0x1BFF;
	s21 =	sshll.u32 s6, $0x1;
	s3 =	sadd.s32 s4, s19  }
0x9c: {  	s7 =	simm.s32 $0x0;
	s20 =	sshll.u32 s5, $0x1;
	s5 =	sadd.s32 s21, s3  }
0x9d: {  	[timem:s7], [sflag:s22] =	dma.local [hbm:s5], s20  }
0x9e: {  	_ =	swait.ge [sflag:s22], s20  }
0x9f: {  	s4 =	ssub.s32 $0x0, s20;
	[sflag:s22] =	ssyncset.done $0x0  }
0xa0: {  	[sflag:s22] =	ssyncadd.s32 s4;
	_ =	sdelay $0x1  }
0xa1: {  	s23 =	simm.s32 $0x1B8B  }
0xa2: {  	_ =	swait.ge [sflag:s23], $0x1  }
0xa3: {  	[sflag:s23] =	ssyncset.done $0x0  }
0xa4: {  	s25 =	simm.s32 $0x1B8E;
	s24 =	sld [smem:$0x3FFE];
	[sflag:s23] =	ssyncadd.s32 $0xFFFFFFFF  }
0xa5: {  	s26 =	simm.s32 $execute0_lowered;
	[smem:$0x3FD2] =	sst s25  }
0xa6: {  	s5 =	sshll.u32 s26, $0x1;
	_ =	strace $0x80000049;
	[dreg:$0x1] =	wrdreg $0xFFFFFFFF  }
0xa7: {  	s28 =	simm.s32 $_size_execute0_lowered;
	s3 =	sadd.s32 s3, s5;
	[dreg:$0x0] =	wrdreg $0x0  }
0xa8: {  	s5 =	sshll.u32 s28, $0x1;
	[dreg:$0x2] =	wrdreg s3  }
0xa9: {  	[dreg:$0x3] =	wrdreg s5  }
0xaa: {  	[dreg:$0x4] =	wrdreg $0xC0  }
0xab: {  	_ =	task [dreg:s7], $0x5FFFF  }
0xac: {  	[dreg:$0x1] =	wrdreg $0xFFFFFFFF  }
0xad: {  	[dreg:$0x0] =	wrdreg $0x60  }
0xae: {  	[dreg:$0x2] =	wrdreg s24  }
0xaf: {  	[dreg:$0x3] =	wrdreg s2  }
0xb0: {  	[dreg:$0x4] =	wrdreg $0x9  }
0xb1: {  	_ =	task.clear_ibuf [dreg:s7], $0x5FFFF;
	_ =	strace $0x90000049  }
0xb2: {  	s29 =	simm.s32 $0x9;
	_ =	strace $0x8000004B  }
0xb3: {  	_ =	swait.ge [sflag:s29], $0x1  }
0xb4: {  	[sflag:s29] =	ssyncadd.s32 $0xFFFFFFFF  }
0xb5: {  	_ =	strace $0x9000004B  }
0xb6: {  	_ =	sfence  }
0xb7: {  	s30 =	sld [smem:$0x0];
	_ =	sdelay $0x2  }
0xb8: {  	s31 =	sshll.u32 s1, $0xD;
	s1 =	sshrl.u32 s1, $0x2  }
0xb9: {  	s3 =	sand.u32 $0x4000, s31;
	s1 =	sadd.s32 s1, s30  }
0xba: {  	s0 =	sor.u32 s3, s0;
	s1 =	sshll.u32 s1, $0x11  }
0xbb: {  	s0 =	sor.u32 s1, s0  }
0xbc: {  	s0 =	sadd.s32 $0x8F2B, s0  }
0xbd: {  	[sflag:s0] =	ssyncadd.remote.s32 $0x1  }
0xbe: {  	_ =	sfence.sel $0xFFFF  }
0xbf: {  	[dreg:$0x0] =	wrdreg $0xFFFFFFFF;
	(pc) =	sbr.abs _section_cstart, $3  }
0xc0: {  	[dreg:$0x1] =	wrdreg $0xFFFFFFFF  }
0xc1: {  	_ =	task.clear_ibuf [dreg:s7], $0x2FFFF;
	_ =	strace $0x9FFFFFFF  }
0xc2: {  	(tm) =	ssettm $0x7FFFFFFF  }
0xc3: {  	_ =	shalt  }
tec
execute0_lowered:
.L_overlay_start_1:
0x0: {  	(tag) =	ssettag $0x1  }
0x1: {  	s0 =	rddreg [dreg:$0x0]  }
0x2: {  	s1 =	rddreg [dreg:$0x1];
	s2 =	srdreg.scid  }
0x3: {  	s3 =	stileid.u32;
	s28 =	simm.s32 $0xAA00;
	s29 =	simm.s32 $0xB200  }
0x4: {  	s14 =	simm.s32 $0xBA00;
	s30 =	simm.s32 $0xC200;
	s31 =	simm.s32 $0xCA00  }
0x5: {  	s15 =	simm.s32 $0xDA00;
	s16 =	simm.s32 $0xEA00;
	s17 =	simm.s32 $0xFA00  }
0x6: {  	s4 =	sand.u32 $0x1, s2;
	s2 =	simm.s32 $0x0;
	s3 =	sshll.u32 s3, $0x7  }
0x7: {  	s12 =	sadd.s32 $0x10, s0;
	s10 =	sadd.s32 $0x50B00, s0;
	s5 =	sshll.u32 s4, $0x6  }
0x8: {  	[smem:$0x7FF] =	sst s2;
	s4 =	ssub.s32 $0x2, s4;
	s6 =	sor.u32 s5, s3  }
0x9: {  	_ =	strace $0x8000004A;
	s3 =	sadd.s32 $0x50800, s0;
	s8 =	sshrl.u32 s4, $0x1  }
0xa: {  	s7 =	sshll.u32 s6, $0x2;
	s4 =	ssub.s32 s4, s8;
	s21 =	sor.u32 $0x20, s6  }
0xb: {  	s6 =	sshll.u32 s6, $0x7;
	s11 =	sand.u32 $0x1E00, s7;
	s13 =	sand.u32 $0x60, s21  }
0xc: {  	s6 =	sadd.s32 s1, s6;
	s26 =	smax.u32 s4, $0x1;
	s4 =	simm.s32 $0xF200  }
0xd: {  	s9 =	sor.u32 s5, s11;
	s5 =	sor.u32 s5, s7;
	[dreg:$0x7] =	wrdreg s6  }
0xe: {  	s11 =	sor.u32 s13, s11;
	s7 =	sor.u32 s7, s13;
	[dreg:$0xd] =	wrdreg s26  }
0xf: {  	s13 =	simm.s32 $0xA200;
	s18 =	sshrl.u32 s9, $0x3;
	s5 =	sshrl.u32 s5, $0x3  }
0x10: {  	s22 =	sshrl.u32 s11, $0x3;
	s7 =	sshrl.u32 s7, $0x3;
	s9 =	sadd.s32 s0, s18  }
0x11: {  	s19 =	sor.u32 $0x20, s5;
	s8 =	sadd.s32 s18, s12;
	s5 =	sor.u32 $0x30, s5  }
0x12: {  	s11 =	sadd.s32 s0, s22;
	s6 =	sadd.s32 s22, s12;
	[dreg:$0x3] =	wrdreg s9  }
0x13: {  	s23 =	sor.u32 $0x20, s7;
	s24 =	sor.u32 $0x30, s7;
	[dreg:$0x4] =	wrdreg s8  }
0x14: {  	s22 =	simm.s32 $0x2;
	s20 =	sadd.s32 s0, s19;
	[dreg:$0x8] =	wrdreg s11  }
0x15: {  	s5 =	sadd.s32 s0, s5;
	s8 =	sadd.s32 $0x50900, s0;
	[dreg:$0x9] =	wrdreg s6  }
0x16: {  	s9 =	sadd.s32 $0x50A00, s0;
	s6 =	sadd.s32 s0, s23;
	[dreg:$0x5] =	wrdreg s20  }
0x17: {  	v2 =	vlaneseq.u32;
	s0 =	sadd.s32 s0, s24;
	s19 =	simm.s32 $0x100;
	[dreg:$0x6] =	wrdreg s5  }
0x18: {  	v0 =	vand.u32 $0x7, v2;
	v1 =	vshrl.u32 v2, $0x3;
	s23 =	simm.s32 $0x200;
	[dreg:$0xa] =	wrdreg s6;
	s5 =	sshll.u32 s21, $0x7  }
0x19: {  	v63 =	vor.u32 $0x8, v2;
	v62 =	vmul.u32 $0x8, v1;
	[tilespmem:$0x1FFD0] =	vst v0;
	[dreg:$0xb] =	wrdreg s0;
	s20 =	simm.s32 $0x180;
	s21 =	simm.s32 $0x1  }
0x1a: {  	[tilespmem:$0x1FFF0] =	vst v63;
	s0 =	simm.s32 $0xD200;
	s6 =	simm.s32 $0x0;
	s25 =	sadd.s32 s1, s5  }
0x1b: {  	vm0 =	vmmov $0xffff;
	[tilespmem:$0x1FFE0] =	vst v62;
	s1 =	simm.s32 $0xE200;
	s5 =	simm.s32 $0x3;
	[dreg:$0xc] =	wrdreg s25  }
.LBB2_1:
0x1c: {  	s7 =	rddreg [dreg:$0x3]  }
0x1d: {  	[tilespmem:s2], [sflag:$0x1] =	stream.linear.gather [hbm4b:s7+s2], $0x20, $0x38;
	[tilespmem:$0x10200] =	vst v63  }
0x1e: {  	s18 =	rddreg [dreg:$0x4];
	s11 =	simm.s32 $0x80  }
0x1f: {  	[tilespmem:s11], [sflag:$0x2] =	stream.linear.gather [hbm4b:s18+s2], $0x20, $0x38;
	[tilespmem:$0x10200] =	vst v63  }
0x20: {  	s24 =	rddreg [dreg:$0x5]  }
0x21: {  	[tilespmem:s19], [sflag:$0x1] =	stream.linear.gather [hbm4b:s24+s2], $0x20, $0x38;
	[tilespmem:$0x10200] =	vst v63  }
0x22: {  	s25 =	rddreg [dreg:$0x6]  }
0x23: {  	[tilespmem:s20], [sflag:$0x2] =	stream.linear.gather [hbm4b:s25+s2], $0x20, $0x38;
	[tilespmem:$0x10200] =	vst v63  }
0x24: {  	_ =	swait.ge [sflag:s21], $0x20  }
0x25: {  	[sflag:s21] =	ssyncset.done $0x0  }
0x26: {  	[sflag:s21] =	ssyncadd.s32 $0xFFFFFFE0  }
0x27: {  	_ =	swait.ge [sflag:s22], $0x20  }
0x28: {  	[sflag:s22] =	ssyncset.done $0x0  }
0x29: {  	[sflag:s22] =	ssyncadd.s32 $0xFFFFFFE0  }
0x2a: {  	_ =	swait.ge [sflag:s21], $0x20  }
0x2b: {  	[sflag:s21] =	ssyncset.done $0x0  }
0x2c: {  	[sflag:s21] =	ssyncadd.s32 $0xFFFFFFE0  }
0x2d: {  	_ =	swait.ge [sflag:s22], $0x20  }
0x2e: {  	[sflag:s22] =	ssyncset.done $0x0  }
0x2f: {  	[sflag:s22] =	ssyncadd.s32 $0xFFFFFFE0  }
0x30: {  	v3 =	vld [tilespmem:$0x0];
	_ =	sdelay $0x2  }
0x31: {  	v0 =	vld [tilespmem:$0x1FFD0];
	_ =	sdelay $0x1  }
0x32: {  	v1 =	vld [tilespmem:$0x1FFE0];
	v4 =	vshll.u32 v3, $0x3  }
0x33: {  	v3 =	vand.u32 $0x7, v3;
	v4 =	vand.u32 $0xFFFFFFC0, v4  }
0x34: {  	v3 =	vor.u32 v3, v4  }
0x35: {  	v4 =	vperm.xlane v3, v0;
	_ =	sdelay $0x1  }
0x36: {  	v4 =	vadd.s32 v1, v4  }
0x37: {  	v2 =	vld [tilespmem:$0x1FFF0];
	_ =	sdelay $0x3  }
0x38: {  	[tilespmem:s23], [sflag:$0x1] =	stream.indirect_vreg.gather [hbm4b:s3+s2], $0x80, v4, vm0, $0xb8;
	[tilespmem:$0x10200] =	vst v63  }
0x39: {  	s26 =	simm.s32 $0xA00;
	v3 =	vperm.xlane v3, v2  }
0x3a: {  	[tilespmem:s26], [sflag:$0x1] =	stream.indirect_vreg.gather [hbm4b:s8+s2], $0x80, v4, vm0, $0xb8;
	[tilespmem:$0x10200] =	vst v63  }
0x3b: {  	s11 =	simm.s32 $0x1200;
	v3 =	vadd.s32 v1, v3  }
0x3c: {  	[tilespmem:s11], [sflag:$0x1] =	stream.indirect_vreg.gather [hbm4b:s9+s2], $0x80, v4, vm0, $0xb8;
	[tilespmem:$0x10200] =	vst v63  }
0x3d: {  	s12 =	simm.s32 $0x1A00  }
0x3e: {  	[tilespmem:s12], [sflag:$0x1] =	stream.indirect_vreg.gather [hbm4b:s10+s2], $0x80, v4, vm0, $0xb8;
	[tilespmem:$0x10200] =	vst v63  }
0x3f: {  	s18 =	simm.s32 $0x2200  }
0x40: {  	[tilespmem:s18], [sflag:$0x1] =	stream.indirect_vreg.gather [hbm4b:s3+s2], $0x80, v3, vm0, $0xb8;
	[tilespmem:$0x10200] =	vst v63  }
0x41: {  	s24 =	simm.s32 $0x2A00  }
0x42: {  	[tilespmem:s24], [sflag:$0x1] =	stream.indirect_vreg.gather [hbm4b:s8+s2], $0x80, v3, vm0, $0xb8;
	[tilespmem:$0x10200] =	vst v63  }
0x43: {  	s25 =	simm.s32 $0x3200  }
0x44: {  	[tilespmem:s25], [sflag:$0x1] =	stream.indirect_vreg.gather [hbm4b:s9+s2], $0x80, v3, vm0, $0xb8;
	[tilespmem:$0x10200] =	vst v63  }
0x45: {  	s26 =	simm.s32 $0x3A00  }
0x46: {  	[tilespmem:s26], [sflag:$0x1] =	stream.indirect_vreg.gather [hbm4b:s10+s2], $0x80, v3, vm0, $0xb8;
	[tilespmem:$0x10200] =	vst v63  }
0x47: {  	v3 =	vld [tilespmem:$0x10];
	_ =	sdelay $0x4  }
0x48: {  	v61 =	vshll.u32 v3, $0x3  }
0x49: {  	v3 =	vand.u32 $0x7, v3;
	v4 =	vand.u32 $0xFFFFFFC0, v61  }
0x4a: {  	v3 =	vor.u32 v3, v4  }
0x4b: {  	v4 =	vperm.xlane v3, v0;
	_ =	sdelay $0x1  }
0x4c: {  	v4 =	vadd.s32 v1, v4;
	_ =	sdelay $0x3  }
0x4d: {  	s11 =	simm.s32 $0x4200  }
0x4e: {  	[tilespmem:s11], [sflag:$0x1] =	stream.indirect_vreg.gather [hbm4b:s3+s2], $0x80, v4, vm0, $0xb8;
	[tilespmem:$0x10200] =	vst v63  }
0x4f: {  	s12 =	simm.s32 $0x4A00;
	v3 =	vperm.xlane v3, v2  }
0x50: {  	[tilespmem:s12], [sflag:$0x1] =	stream.indirect_vreg.gather [hbm4b:s8+s2], $0x80, v4, vm0, $0xb8;
	[tilespmem:$0x10200] =	vst v63  }
0x51: {  	s18 =	simm.s32 $0x5200;
	v3 =	vadd.s32 v1, v3  }
0x52: {  	[tilespmem:s18], [sflag:$0x1] =	stream.indirect_vreg.gather [hbm4b:s9+s2], $0x80, v4, vm0, $0xb8;
	[tilespmem:$0x10200] =	vst v63  }
0x53: {  	s24 =	simm.s32 $0x5A00  }
0x54: {  	[tilespmem:s24], [sflag:$0x1] =	stream.indirect_vreg.gather [hbm4b:s10+s2], $0x80, v4, vm0, $0xb8;
	[tilespmem:$0x10200] =	vst v63  }
0x55: {  	s25 =	simm.s32 $0x6200  }
0x56: {  	[tilespmem:s25], [sflag:$0x1] =	stream.indirect_vreg.gather [hbm4b:s3+s2], $0x80, v3, vm0, $0xb8;
	[tilespmem:$0x10200] =	vst v63  }
0x57: {  	s26 =	simm.s32 $0x6A00  }
0x58: {  	[tilespmem:s26], [sflag:$0x1] =	stream.indirect_vreg.gather [hbm4b:s8+s2], $0x80, v3, vm0, $0xb8;
	[tilespmem:$0x10200] =	vst v63  }
0x59: {  	s11 =	simm.s32 $0x7200  }
0x5a: {  	[tilespmem:s11], [sflag:$0x1] =	stream.indirect_vreg.gather [hbm4b:s9+s2], $0x80, v3, vm0, $0xb8;
	[tilespmem:$0x10200] =	vst v63  }
0x5b: {  	s12 =	simm.s32 $0x7A00  }
0x5c: {  	[tilespmem:s12], [sflag:$0x1] =	stream.indirect_vreg.gather [hbm4b:s10+s2], $0x80, v3, vm0, $0xb8;
	[tilespmem:$0x10200] =	vst v63  }
0x5d: {  	v3 =	vld [tilespmem:$0x80];
	_ =	sdelay $0x4  }
0x5e: {  	v62 =	vshll.u32 v3, $0x3  }
0x5f: {  	v3 =	vand.u32 $0x7, v3;
	v4 =	vand.u32 $0xFFFFFFC0, v62  }
0x60: {  	v3 =	vor.u32 v3, v4  }
0x61: {  	v4 =	vperm.xlane v3, v0;
	_ =	sdelay $0x1  }
0x62: {  	v4 =	vadd.s32 v1, v4;
	_ =	sdelay $0x3  }
0x63: {  	s18 =	simm.s32 $0x8200  }
0x64: {  	[tilespmem:s18], [sflag:$0x2] =	stream.indirect_vreg.gather [hbm4b:s3+s2], $0x80, v4, vm0, $0xb8;
	[tilespmem:$0x10200] =	vst v63  }
0x65: {  	s24 =	simm.s32 $0x8A00;
	v3 =	vperm.xlane v3, v2  }
0x66: {  	[tilespmem:s24], [sflag:$0x2] =	stream.indirect_vreg.gather [hbm4b:s8+s2], $0x80, v4, vm0, $0xb8;
	[tilespmem:$0x10200] =	vst v63  }
0x67: {  	s25 =	simm.s32 $0x9200;
	v3 =	vadd.s32 v1, v3  }
0x68: {  	[tilespmem:s25], [sflag:$0x2] =	stream.indirect_vreg.gather [hbm4b:s9+s2], $0x80, v4, vm0, $0xb8;
	[tilespmem:$0x10200] =	vst v63  }
0x69: {  	s26 =	simm.s32 $0x9A00  }
0x6a: {  	[tilespmem:s26], [sflag:$0x2] =	stream.indirect_vreg.gather [hbm4b:s10+s2], $0x80, v4, vm0, $0xb8;
	[tilespmem:$0x10200] =	vst v63  }
0x6b: {  	_ = 	snop  }
0x6c: {  	[tilespmem:s13], [sflag:$0x2] =	stream.indirect_vreg.gather [hbm4b:s3+s2], $0x80, v3, vm0, $0xb8;
	[tilespmem:$0x10200] =	vst v63  }
0x6d: {  	_ = 	snop  }
0x6e: {  	[tilespmem:s28], [sflag:$0x2] =	stream.indirect_vreg.gather [hbm4b:s8+s2], $0x80, v3, vm0, $0xb8;
	[tilespmem:$0x10200] =	vst v63  }
0x6f: {  	_ = 	snop  }
0x70: {  	[tilespmem:s29], [sflag:$0x2] =	stream.indirect_vreg.gather [hbm4b:s9+s2], $0x80, v3, vm0, $0xb8;
	[tilespmem:$0x10200] =	vst v63  }
0x71: {  	_ = 	snop  }
0x72: {  	[tilespmem:s14], [sflag:$0x2] =	stream.indirect_vreg.gather [hbm4b:s10+s2], $0x80, v3, vm0, $0xb8;
	[tilespmem:$0x10200] =	vst v63  }
0x73: {  	v3 =	vld [tilespmem:$0x90];
	_ =	sdelay $0x4  }
0x74: {  	v63 =	vshll.u32 v3, $0x3  }
0x75: {  	v3 =	vand.u32 $0x7, v3;
	v4 =	vand.u32 $0xFFFFFFC0, v63  }
0x76: {  	v3 =	vor.u32 v3, v4  }
0x77: {  	v4 =	vperm.xlane v3, v0;
	_ =	sdelay $0x1  }
0x78: {  	v4 =	vadd.s32 v1, v4;
	_ =	sdelay $0x4  }
0x79: {  	[tilespmem:s30], [sflag:$0x2] =	stream.indirect_vreg.gather [hbm4b:s3+s2], $0x80, v4, vm0, $0xb8;
	[tilespmem:$0x10200] =	vst v63  }
0x7a: {  	v3 =	vperm.xlane v3, v2  }
0x7b: {  	[tilespmem:s31], [sflag:$0x2] =	stream.indirect_vreg.gather [hbm4b:s8+s2], $0x80, v4, vm0, $0xb8;
	[tilespmem:$0x10200] =	vst v63  }
0x7c: {  	v3 =	vadd.s32 v1, v3  }
0x7d: {  	[tilespmem:s0], [sflag:$0x2] =	stream.indirect_vreg.gather [hbm4b:s9+s2], $0x80, v4, vm0, $0xb8;
	[tilespmem:$0x10200] =	vst v63  }
0x7e: {  	_ = 	snop  }
0x7f: {  	[tilespmem:s15], [sflag:$0x2] =	stream.indirect_vreg.gather [hbm4b:s10+s2], $0x80, v4, vm0, $0xb8;
	[tilespmem:$0x10200] =	vst v63  }
0x80: {  	_ = 	snop  }
0x81: {  	[tilespmem:s1], [sflag:$0x2] =	stream.indirect_vreg.gather [hbm4b:s3+s2], $0x80, v3, vm0, $0xb8;
	[tilespmem:$0x10200] =	vst v63  }
0x82: {  	_ = 	snop  }
0x83: {  	[tilespmem:s16], [sflag:$0x2] =	stream.indirect_vreg.gather [hbm4b:s8+s2], $0x80, v3, vm0, $0xb8;
	[tilespmem:$0x10200] =	vst v63  }
0x84: {  	_ = 	snop  }
0x85: {  	[tilespmem:s4], [sflag:$0x2] =	stream.indirect_vreg.gather [hbm4b:s9+s2], $0x80, v3, vm0, $0xb8;
	[tilespmem:$0x10200] =	vst v63  }
0x86: {  	_ = 	snop  }
0x87: {  	[tilespmem:s17], [sflag:$0x2] =	stream.indirect_vreg.gather [hbm4b:s10+s2], $0x80, v3, vm0, $0xb8;
	[tilespmem:$0x10200] =	vst v63  }
0x88: {  	_ =	swait.ge [sflag:s21], $0x8000  }
0x89: {  	[sflag:s21] =	ssyncset.done $0x0  }
0x8a: {  	[sflag:s21] =	ssyncadd.s32 $0xFFFF8000  }
0x8b: {  	_ =	swait.ge [sflag:s22], $0x8000  }
0x8c: {  	s7 =	simm.s32 $0x0;
	s11 =	simm.s32 $0x0;
	[sflag:s22] =	ssyncset.done $0x0  }
0x8d: {  	s18 =	simm.s32 $0x0;
	s24 =	simm.s32 $0x0;
	[sflag:s22] =	ssyncadd.s32 $0xFFFF8000  }
.LBB2_2:
0x8e: {  	s25 =	sand.u32 $0x6000, s18;
	s12 =	sand.u32 $0x380, s11  }
0x8f: {  	s25 =	sor.u32 s12, s25  }
0x90: {  	v6 =	vld [tilespmem:s25+$0x200]  }
0x91: {  	v7 =	vld [tilespmem:s25+$0x8200]  }
0x92: {  	v10 =	vld [tilespmem:s25+$0x210]  }
0x93: {  	v11 =	vld [tilespmem:s25+$0x8210]  }
0x94: {  	v14 =	vld [tilespmem:s25+$0x220]  }
0x95: {  	v17 =	vld [tilespmem:s25+$0x8220]  }
0x96: {  	v20 =	vld [tilespmem:s25+$0x230]  }
0x97: {  	v21 =	vld [tilespmem:s25+$0x8230]  }
0x98: {  	v26 =	vld [tilespmem:s25+$0x240]  }
0x99: {  	v27 =	vld [tilespmem:s25+$0x8240]  }
0x9a: {  	v28 =	vld [tilespmem:s25+$0x250]  }
0x9b: {  	v29 =	vld [tilespmem:s25+$0x8250]  }
0x9c: {  	v30 =	vld [tilespmem:s25+$0x260]  }
0x9d: {  	v31 =	vld [tilespmem:s25+$0x8260]  }
0x9e: {  	v32 =	vld [tilespmem:s25+$0x270]  }
0x9f: {  	v33 =	vld [tilespmem:s25+$0x8270]  }
0xa0: {  	v34 =	vld [tilespmem:s25+$0x600]  }
0xa1: {  	v35 =	vld [tilespmem:s25+$0x8600]  }
0xa2: {  	v36 =	vld [tilespmem:s25+$0x610]  }
0xa3: {  	v37 =	vld [tilespmem:s25+$0x8610]  }
0xa4: {  	v38 =	vld [tilespmem:s25+$0x620]  }
0xa5: {  	v39 =	vld [tilespmem:s25+$0x8620]  }
0xa6: {  	v40 =	vld [tilespmem:s25+$0x630]  }
0xa7: {  	v41 =	vld [tilespmem:s25+$0x8630]  }
0xa8: {  	v42 =	vld [tilespmem:s25+$0x640]  }
0xa9: {  	v43 =	vld [tilespmem:s25+$0x8640]  }
0xaa: {  	v44 =	vld [tilespmem:s25+$0x650]  }
0xab: {  	v45 =	vld [tilespmem:s25+$0x8650]  }
0xac: {  	v46 =	vld [tilespmem:s25+$0x660]  }
0xad: {  	v47 =	vld [tilespmem:s25+$0x8660]  }
0xae: {  	v48 =	vld [tilespmem:s25+$0x670]  }
0xaf: {  	v49 =	vld [tilespmem:s25+$0x8670]  }
0xb0: {  	v50 =	vld [tilespmem:s25+$0xA00]  }
0xb1: {  	v51 =	vld [tilespmem:s25+$0x8A00]  }
0xb2: {  	v52 =	vld [tilespmem:s25+$0xA10]  }
0xb3: {  	v53 =	vld [tilespmem:s25+$0x8A10]  }
0xb4: {  	v54 =	vld [tilespmem:s25+$0xA20]  }
0xb5: {  	v55 =	vld [tilespmem:s25+$0x8A20]  }
0xb6: {  	v56 =	vld [tilespmem:s25+$0xA30]  }
0xb7: {  	v57 =	vld [tilespmem:s25+$0x8A30]  }
0xb8: {  	v58 =	vld [tilespmem:s25+$0xA40]  }
0xb9: {  	v59 =	vld [tilespmem:s25+$0x8A40]  }
0xba: {  	v60 =	vld [tilespmem:s25+$0xA50]  }
0xbb: {  	v61 =	vld [tilespmem:s25+$0x8A50]  }
0xbc: {  	v62 =	vld [tilespmem:s25+$0xA60]  }
0xbd: {  	v63 =	vld [tilespmem:s25+$0x8A60]  }
0xbe: {  	v5 =	vld [tilespmem:s25+$0xA70]  }
0xbf: {  	v2 =	vld [tilespmem:s25+$0x8A70]  }
0xc0: {  	v24 =	vld [tilespmem:s25+$0xE00]  }
0xc1: {  	v4 =	vmov s24;
	v25 =	vld [tilespmem:s25+$0x8E00]  }
0xc2: {  	v22 =	vld [tilespmem:s25+$0xE10]  }
0xc3: {  	v23 =	vld [tilespmem:s25+$0x8E10]  }
0xc4: {  	v18 =	vld [tilespmem:s25+$0xE20]  }
0xc5: {  	v0 =	vld [tilespmem:s25+$0xE60]  }
0xc6: {  	v3 =	vld.idx.msk [tilespmem:v4+s19+$0x0], $0xffff  }
0xc7: {  	v4 =	vld.idx.msk [tilespmem:v4+s20+$0x0], $0xffff  }
0xc8: {  	v19 =	vld [tilespmem:s25+$0x8E20]  }
0xc9: {  	v15 =	vld [tilespmem:s25+$0xE30]  }
0xca: {  	v16 =	vld [tilespmem:s25+$0x8E30]  }
0xcb: {  	v12 =	vld [tilespmem:s25+$0xE40];
	v1 =	vmul.f32 v3, v6  }
0xcc: {  	v13 =	vld [tilespmem:s25+$0x8E40];
	[tilespmem:$0x1FFC0] =	vst v0;
	v0 =	vmul.f32 v4, v7;
	v10 =	vmul.f32 v3, v10  }
0xcd: {  	v8 =	vld [tilespmem:s25+$0xE50];
	v11 =	vmul.f32 v4, v11;
	v14 =	vmul.f32 v3, v14  }
0xce: {  	v9 =	vld [tilespmem:s25+$0x8E50];
	v17 =	vmul.f32 v4, v17;
	v20 =	vmul.f32 v3, v20  }
0xcf: {  	v7 =	vld [tilespmem:s25+$0x8E60];
	v21 =	vmul.f32 v4, v21;
	v26 =	vmul.f32 v3, v26  }
0xd0: {  	v6 =	vld [tilespmem:s25+$0xE70];
	v27 =	vmul.f32 v4, v27;
	v34 =	vmul.f32 v3, v34  }
0xd1: {  	v35 =	vmul.f32 v4, v35;
	v38 =	vmul.f32 v3, v38;
	v1 =	vadd.f32 v0, v1;
	v0 =	vld [tilespmem:s25+$0x8E70]  }
0xd2: {  	v39 =	vmul.f32 v4, v39;
	v40 =	vmul.f32 v3, v40;
	v10 =	vadd.f32 v11, v10;
	v11 =	vld [tilespmem:s25+$0x1200]  }
0xd3: {  	v5 =	vmul.f32 v3, v5;
	v2 =	vmul.f32 v4, v2;
	[tilespmem:s25+$0x200] =	vst v1;
	v1 =	vadd.f32 v17, v14;
	v14 =	vld [tilespmem:s25+$0x9200]  }
0xd4: {  	[tilespmem:s25+$0x210] =	vst v10;
	v10 =	vadd.f32 v21, v20;
	v21 =	vmul.f32 v3, v28;
	v28 =	vmul.f32 v4, v29;
	v17 =	vld [tilespmem:s25+$0x1210]  }
0xd5: {  	v52 =	vmul.f32 v3, v52;
	v2 =	vadd.f32 v2, v5;
	v20 =	vld [tilespmem:s25+$0x9210];
	v29 =	vmul.f32 v4, v33;
	[tilespmem:s25+$0x220] =	vst v1  }
0xd6: {  	v1 =	vadd.f32 v27, v26;
	v26 =	vmul.f32 v3, v30;
	[tilespmem:s25+$0x230] =	vst v10;
	v10 =	vadd.f32 v28, v21;
	v21 =	vld [tilespmem:s25+$0x1220]  }
0xd7: {  	v27 =	vmul.f32 v4, v31;
	v28 =	vmul.f32 v3, v32;
	v31 =	vld [tilespmem:s25+$0x1230]  }
0xd8: {  	v24 =	vmul.f32 v3, v24;
	v25 =	vmul.f32 v4, v25;
	[tilespmem:s25+$0xA70] =	vst v2;
	v32 =	vld [tilespmem:s25+$0x9230]  }
0xd9: {  	v18 =	vmul.f32 v3, v18;
	v33 =	vadd.f32 v27, v26;
	v26 =	vld [tilespmem:s25+$0x9220];
	[tilespmem:s25+$0x250] =	vst v10;
	v10 =	vadd.f32 v29, v28  }
0xda: {  	[tilespmem:s25+$0x240] =	vst v1;
	v28 =	vmul.f32 v3, v36;
	v36 =	vmul.f32 v4, v37;
	v37 =	vadd.f32 v35, v34;
	v34 =	vld [tilespmem:s25+$0x9240]  }
0xdb: {  	v19 =	vmul.f32 v4, v19;
	v12 =	vmul.f32 v3, v12;
	v35 =	vld [tilespmem:s25+$0x1250];
	[tilespmem:s25+$0x260] =	vst v33  }
0xdc: {  	v13 =	vmul.f32 v4, v13;
	v27 =	vld [tilespmem:s25+$0x9620];
	v29 =	vadd.f32 v25, v24;
	[tilespmem:s25+$0x270] =	vst v10;
	v10 =	vadd.f32 v36, v28  }
0xdd: {  	v36 =	vmul.f32 v4, v41;
	v33 =	vld [tilespmem:s25+$0x1240];
	[tilespmem:s25+$0x600] =	vst v37;
	v37 =	vadd.f32 v39, v38;
	v38 =	vmul.f32 v3, v42  }
0xde: {  	v39 =	vmul.f32 v4, v43;
	v41 =	vmul.f32 v4, v45;
	v28 =	vld [tilespmem:s25+$0x1620];
	[tilespmem:s25+$0xE00] =	vst v29  }
0xdf: {  	v43 =	vmul.f32 v3, v46;
	[tilespmem:s25+$0x610] =	vst v10;
	v10 =	vadd.f32 v36, v40;
	v40 =	vmul.f32 v3, v44;
	v36 =	vld [tilespmem:s25+$0x9250]  }
0xe0: {  	v46 =	vmul.f32 v3, v48;
	[tilespmem:s25+$0x620] =	vst v37;
	v42 =	vadd.f32 v39, v38;
	v44 =	vmul.f32 v4, v47;
	v37 =	vld [tilespmem:s25+$0x1260]  }
0xe1: {  	v47 =	vmul.f32 v4, v49;
	v49 =	vmul.f32 v3, v50;
	v38 =	vld [tilespmem:s25+$0x9260];
	[tilespmem:s25+$0x630] =	vst v10;
	v45 =	vadd.f32 v41, v40  }
0xe2: {  	v50 =	vmul.f32 v4, v51;
	v39 =	vld [tilespmem:s25+$0x1270];
	[tilespmem:s25+$0x640] =	vst v42;
	v48 =	vadd.f32 v44, v43;
	v44 =	vmul.f32 v4, v53  }
0xe3: {  	v51 =	vadd.f32 v47, v46;
	v46 =	vmul.f32 v3, v54;
	v47 =	vmul.f32 v4, v55;
	v40 =	vld [tilespmem:s25+$0x9270];
	[tilespmem:s25+$0x650] =	vst v45  }
0xe4: {  	v41 =	vld [tilespmem:s25+$0x1600];
	v53 =	vmul.f32 v4, v59;
	v55 =	vmul.f32 v3, v60;
	[tilespmem:s25+$0x660] =	vst v48;
	v45 =	vadd.f32 v50, v49  }
0xe5: {  	v42 =	vld [tilespmem:s25+$0x9600];
	v59 =	vmul.f32 v4, v63;
	v63 =	vmul.f32 v4, v23;
	[tilespmem:s25+$0x670] =	vst v51;
	v48 =	vadd.f32 v44, v52  }
0xe6: {  	v43 =	vld [tilespmem:s25+$0x1610];
	v49 =	vmul.f32 v3, v56;
	v50 =	vmul.f32 v4, v57;
	v51 =	vadd.f32 v47, v46;
	[tilespmem:s25+$0xA00] =	vst v45  }
0xe7: {  	v23 =	vld [tilespmem:s25+$0x9630];
	v25 =	vmul.f32 v3, v33;
	v52 =	vmul.f32 v3, v58;
	v47 =	vadd.f32 v19, v18;
	[tilespmem:s25+$0xA10] =	vst v48  }
0xe8: {  	v56 =	vmul.f32 v4, v61;
	v58 =	vmul.f32 v3, v62;
	v44 =	vld [tilespmem:s25+$0x9610];
	v54 =	vadd.f32 v50, v49;
	[tilespmem:s25+$0xA20] =	vst v51  }
0xe9: {  	v62 =	vmul.f32 v3, v22;
	v22 =	vld [tilespmem:s25+$0x1630];
	v46 =	vmul.f32 v4, v16;
	v57 =	vadd.f32 v53, v52;
	[tilespmem:s25+$0xE20] =	vst v47  }
0xea: {  	v16 =	vld [tilespmem:s25+$0x9640];
	v33 =	vmul.f32 v3, v37;
	v60 =	vadd.f32 v56, v55;
	v45 =	vmul.f32 v3, v15;
	[tilespmem:s25+$0xA30] =	vst v54  }
0xeb: {  	v18 =	vld [tilespmem:s25+$0x1A10];
	v61 =	vadd.f32 v59, v58;
	v49 =	vmul.f32 v3, v8;
	v50 =	vmul.f32 v4, v9;
	[tilespmem:s25+$0xA40] =	vst v57  }
0xec: {  	v19 =	vld [tilespmem:s25+$0x9A10];
	v30 =	vadd.f32 v63, v62;
	v56 =	vmul.f32 v3, v11;
	v58 =	vmul.f32 v3, v17;
	[tilespmem:s25+$0xA50] =	vst v60  }
0xed: {  	v15 =	vld [tilespmem:s25+$0x1640];
	v51 =	vadd.f32 v13, v12;
	v59 =	vmul.f32 v4, v20;
	v62 =	vmul.f32 v4, v26;
	[tilespmem:s25+$0xA60] =	vst v61  }
0xee: {  	v9 =	vld [tilespmem:s25+$0x1650];
	v20 =	vmul.f32 v3, v31;
	v26 =	vmul.f32 v4, v34;
	[tilespmem:s25+$0xE10] =	vst v30;
	v48 =	vadd.f32 v46, v45  }
0xef: {  	v52 =	vld [tilespmem:$0x1FFC0];
	v31 =	vmul.f32 v4, v36;
	v34 =	vmul.f32 v4, v38;
	v53 =	vadd.f32 v50, v49;
	[tilespmem:s25+$0xE40] =	vst v51  }
0xf0: {  	v12 =	vld [tilespmem:s25+$0x9650];
	v36 =	vmul.f32 v3, v39;
	v37 =	vmul.f32 v4, v40;
	v63 =	vadd.f32 v59, v58;
	[tilespmem:s25+$0xE30] =	vst v48  }
0xf1: {  	v11 =	vld [tilespmem:s25+$0x1670];
	v61 =	vmul.f32 v3, v21;
	v21 =	vmul.f32 v4, v32;
	v32 =	vadd.f32 v26, v25;
	[tilespmem:s25+$0xE50] =	vst v53  }
0xf2: {  	v13 =	vld [tilespmem:s25+$0x9670];
	v39 =	vmul.f32 v3, v41;
	v40 =	vmul.f32 v4, v42;
	v38 =	vadd.f32 v34, v33;
	[tilespmem:s25+$0x1210] =	vst v63  }
0xf3: {  	v0 =	vmul.f32 v4, v0;
	v17 =	vld [tilespmem:s25+$0x9A00];
	v54 =	vmul.f32 v3, v6;
	v42 =	vadd.f32 v37, v36;
	[tilespmem:s25+$0x1240] =	vst v32  }
0xf4: {  	v41 =	vld [tilespmem:s25+$0x9A20];
	v57 =	vmul.f32 v4, v14;
	v47 =	vadd.f32 v40, v39;
	[tilespmem:s25+$0x1260] =	vst v38  }
0xf5: {  	v6 =	vld [tilespmem:s25+$0x1660];
	v0 =	vadd.f32 v0, v54;
	[tilespmem:s25+$0x1270] =	vst v42  }
0xf6: {  	v14 =	vld [tilespmem:s25+$0x1A00];
	v60 =	vadd.f32 v57, v56;
	[tilespmem:s25+$0x1600] =	vst v47  }
0xf7: {  	v7 =	vmul.f32 v4, v7;
	v30 =	vmul.f32 v3, v35;
	v46 =	vld [tilespmem:s25+$0x1A30];
	v24 =	vadd.f32 v62, v61;
	[tilespmem:s25+$0xE70] =	vst v0  }
0xf8: {  	v43 =	vmul.f32 v3, v43;
	v50 =	vld [tilespmem:s25+$0x9A30];
	v45 =	vmul.f32 v4, v44;
	v29 =	vadd.f32 v21, v20;
	[tilespmem:s25+$0x1200] =	vst v60  }
0xf9: {  	v49 =	vmul.f32 v4, v27;
	v58 =	vld [tilespmem:s25+$0x1A50];
	v35 =	vadd.f32 v31, v30;
	v10 =	vmul.f32 v3, v52;
	[tilespmem:s25+$0x1220] =	vst v24  }
0xfa: {  	v36 =	vld [tilespmem:s25+$0x9A70];
	v53 =	vmul.f32 v4, v23;
	v51 =	vadd.f32 v45, v43;
	v52 =	vmul.f32 v3, v22;
	[tilespmem:s25+$0x1230] =	vst v29  }
0xfb: {  	v40 =	vld [tilespmem:s25+$0x9A40];
	v57 =	vmul.f32 v4, v16;
	v56 =	vmul.f32 v3, v15;
	[tilespmem:s25+$0x1250] =	vst v35;
	v55 =	vadd.f32 v7, v10  }
0xfc: {  	v20 =	vld [tilespmem:s25+$0x1A20];
	v26 =	vmul.f32 v3, v11;
	v27 =	vmul.f32 v4, v13;
	[tilespmem:s25+$0x1610] =	vst v51;
	v59 =	vadd.f32 v53, v52  }
0xfd: {  	v62 =	vld [tilespmem:s25+$0x9A50];
	v61 =	vmul.f32 v4, v12;
	v60 =	vmul.f32 v3, v9;
	v63 =	vadd.f32 v57, v56;
	[tilespmem:s25+$0xE60] =	vst v55  }
0xfe: {  	v34 =	vmul.f32 v3, v18;
	v16 =	vld [tilespmem:s25+$0x1A60];
	v35 =	vmul.f32 v4, v19;
	v33 =	vadd.f32 v27, v26;
	[tilespmem:s25+$0x1630] =	vst v59  }
0xff: {  	v48 =	vmul.f32 v3, v28;
	v28 =	vld [tilespmem:s25+$0x9A60];
	v31 =	vmul.f32 v4, v17;
	v23 =	vadd.f32 v61, v60;
	[tilespmem:s25+$0x1640] =	vst v63  }
0x100: {  	v32 =	vld [tilespmem:s25+$0x1A70];
	v39 =	vmul.f32 v4, v41;
	v30 =	vmul.f32 v3, v14;
	v41 =	vadd.f32 v35, v34;
	[tilespmem:s25+$0x1670] =	vst v33  }
0x101: {  	v10 =	vld [tilespmem:s25+$0x9660];
	v42 =	vmul.f32 v3, v46;
	v43 =	vmul.f32 v4, v50;
	v55 =	vadd.f32 v49, v48;
	[tilespmem:s25+$0x1650] =	vst v23  }
0x102: {  	v54 =	vld [tilespmem:s25+$0x1A40];
	v37 =	vadd.f32 v31, v30;
	v38 =	vmul.f32 v3, v20;
	[tilespmem:s25+$0x1A10] =	vst v41  }
0x103: {  	v45 =	vmul.f32 v3, v58;
	v46 =	vmul.f32 v4, v62;
	v47 =	vadd.f32 v43, v42;
	[tilespmem:s25+$0x1620] =	vst v55  }
0x104: {  	v48 =	vmul.f32 v3, v16;
	v49 =	vmul.f32 v4, v28;
	[tilespmem:s25+$0x1A00] =	vst v37;
	v44 =	vadd.f32 v39, v38  }
0x105: {  	v52 =	vmul.f32 v4, v36;
	v51 =	vmul.f32 v3, v32;
	v50 =	vadd.f32 v46, v45;
	[tilespmem:s25+$0x1A30] =	vst v47  }
0x106: {  	v6 =	vmul.f32 v3, v6;
	v53 =	vadd.f32 v49, v48;
	v12 =	vmul.f32 v4, v10;
	[tilespmem:s25+$0x1A20] =	vst v44  }
0x107: {  	s26 =	sand.u32 $0x7, s7;
	v54 =	vmul.f32 v3, v54;
	v55 =	vmul.f32 v4, v40;
	v56 =	vadd.f32 v52, v51;
	[tilespmem:s25+$0x1A50] =	vst v50  }
0x108: {  	s12 =	sshll.u32 s26, $0x7;
	[tilespmem:s25+$0x1A60] =	vst v53;
	v29 =	vadd.f32 v12, v6  }
0x109: {  	s12 =	sadd.s32 s12, s18;
	v2 =	vadd.f32 v55, v54;
	[tilespmem:s25+$0x1A70] =	vst v56  }
0x10a: {  	s26 =	sor.u32 $0x1C00, s12;
	[tilespmem:s25+$0x1660] =	vst v29  }
0x10b: {  	[tilespmem:s25+$0x1A40] =	vst v2;
	v0 =	vld [tilespmem:s26+$0x200]  }
0x10c: {  	v1 =	vld [tilespmem:s26+$0x8200];
	_ =	sdelay $0x4  }
0x10d: {  	v0 =	vmul.f32 v3, v0;
	v1 =	vmul.f32 v4, v1;
	_ =	sdelay $0x1  }
0x10e: {  	v0 =	vadd.f32 v1, v0;
	_ =	sdelay $0x1  }
0x10f: {  	[tilespmem:s26+$0x200] =	vst v0;
	s26 =	sor.u32 $0x1C10, s12  }
0x110: {  	v0 =	vld [tilespmem:s26+$0x200]  }
0x111: {  	v57 =	vld [tilespmem:s26+$0x8200];
	_ =	sdelay $0x4  }
0x112: {  	v0 =	vmul.f32 v3, v0;
	v1 =	vmul.f32 v4, v57;
	_ =	sdelay $0x1  }
0x113: {  	v0 =	vadd.f32 v1, v0;
	_ =	sdelay $0x1  }
0x114: {  	[tilespmem:s26+$0x200] =	vst v0;
	s26 =	sor.u32 $0x1C20, s12  }
0x115: {  	v0 =	vld [tilespmem:s26+$0x200]  }
0x116: {  	v58 =	vld [tilespmem:s26+$0x8200];
	_ =	sdelay $0x4  }
0x117: {  	v0 =	vmul.f32 v3, v0;
	v1 =	vmul.f32 v4, v58;
	_ =	sdelay $0x1  }
0x118: {  	v0 =	vadd.f32 v1, v0;
	_ =	sdelay $0x1  }
0x119: {  	[tilespmem:s26+$0x200] =	vst v0;
	s26 =	sor.u32 $0x1C30, s12  }
0x11a: {  	v0 =	vld [tilespmem:s26+$0x200]  }
0x11b: {  	v59 =	vld [tilespmem:s26+$0x8200];
	_ =	sdelay $0x4  }
0x11c: {  	v0 =	vmul.f32 v3, v0;
	v1 =	vmul.f32 v4, v59;
	_ =	sdelay $0x1  }
0x11d: {  	v0 =	vadd.f32 v1, v0;
	_ =	sdelay $0x1  }
0x11e: {  	[tilespmem:s26+$0x200] =	vst v0;
	s26 =	sor.u32 $0x1C40, s12  }
0x11f: {  	v0 =	vld [tilespmem:s26+$0x200]  }
0x120: {  	v60 =	vld [tilespmem:s26+$0x8200];
	_ =	sdelay $0x4  }
0x121: {  	v0 =	vmul.f32 v3, v0;
	v1 =	vmul.f32 v4, v60;
	_ =	sdelay $0x1  }
0x122: {  	v0 =	vadd.f32 v1, v0;
	_ =	sdelay $0x1  }
0x123: {  	[tilespmem:s26+$0x200] =	vst v0;
	s26 =	sor.u32 $0x1C50, s12  }
0x124: {  	v0 =	vld [tilespmem:s26+$0x200]  }
0x125: {  	v61 =	vld [tilespmem:s26+$0x8200];
	_ =	sdelay $0x4  }
0x126: {  	v0 =	vmul.f32 v3, v0;
	v1 =	vmul.f32 v4, v61;
	_ =	sdelay $0x1  }
0x127: {  	v0 =	vadd.f32 v1, v0;
	_ =	sdelay $0x1  }
0x128: {  	[tilespmem:s26+$0x200] =	vst v0;
	s26 =	sor.u32 $0x1C60, s12  }
0x129: {  	v0 =	vld [tilespmem:s26+$0x200]  }
0x12a: {  	v62 =	vld [tilespmem:s26+$0x8200];
	_ =	sdelay $0x4  }
0x12b: {  	v0 =	vmul.f32 v3, v0;
	v1 =	vmul.f32 v4, v62;
	_ =	sdelay $0x1  }
0x12c: {  	v0 =	vadd.f32 v1, v0;
	_ =	sdelay $0x1  }
0x12d: {  	s12 =	sor.u32 $0x1C70, s12;
	[tilespmem:s26+$0x200] =	vst v0  }
0x12e: {  	v0 =	vld [tilespmem:s12+$0x200]  }
0x12f: {  	v63 =	vld [tilespmem:s12+$0x8200];
	_ =	sdelay $0x3  }
0x130: {  	p0 =	sne.s32 s24, $0x1F  }
.Ltmp0:
0x131: {  	v0 =	vmul.f32 v3, v0;
	v1 =	vmul.f32 v4, v63;
	(pc) =	sbr.rel @p0 .LBB2_2-.Ltmp0, $4  }
0x132: {  	_ = 	snop  }
0x133: {  	v0 =	vadd.f32 v1, v0  }
0x134: {  	s11 =	sadd.s32 $0x80, s11  }
0x135: {  	s7 =	sadd.s32 $0x1, s7;
	s24 =	sadd.s32 $0x1, s24;
	s18 =	sadd.s32 $0x400, s18;
	[tilespmem:s12+$0x200] =	vst v0  }
0x136: {  	s7 =	simm.s32 $0x0;
	s11 =	rddreg [dreg:$0x7]  }
0x137: {  	[hbm4b:s11+s7] =	stream.linear.scatter [tilespmem:s23], [sflag:$0x3], $0x8000, $0x38;
	[tilespmem:$0x10200] =	vst v63  }
0x138: {  	_ =	swait.ge [sflag:s5], $0x8000  }
0x139: {  	[sflag:s5] =	ssyncset.done $0x0  }
0x13a: {  	s24 =	rddreg [dreg:$0x8];
	[sflag:s5] =	ssyncadd.s32 $0xFFFF8000  }
0x13b: {  	[tilespmem:s7], [sflag:$0x1] =	stream.linear.gather [hbm4b:s24+s7], $0x20, $0x38;
	[tilespmem:$0x10200] =	vst v63  }
0x13c: {  	s12 =	simm.s32 $0x80;
	s25 =	rddreg [dreg:$0x9]  }
0x13d: {  	[tilespmem:s12], [sflag:$0x2] =	stream.linear.gather [hbm4b:s25+s7], $0x20, $0x38;
	[tilespmem:$0x10200] =	vst v63  }
0x13e: {  	s26 =	rddreg [dreg:$0xa]  }
0x13f: {  	[tilespmem:s19], [sflag:$0x1] =	stream.linear.gather [hbm4b:s26+s7], $0x20, $0x38;
	[tilespmem:$0x10200] =	vst v63  }
0x140: {  	s12 =	rddreg [dreg:$0xb]  }
0x141: {  	[tilespmem:s20], [sflag:$0x2] =	stream.linear.gather [hbm4b:s12+s7], $0x20, $0x38;
	[tilespmem:$0x10200] =	vst v63  }
0x142: {  	_ =	swait.ge [sflag:s21], $0x20  }
0x143: {  	[sflag:s21] =	ssyncset.done $0x0  }
0x144: {  	[sflag:s21] =	ssyncadd.s32 $0xFFFFFFE0  }
0x145: {  	_ =	swait.ge [sflag:s22], $0x20  }
0x146: {  	[sflag:s22] =	ssyncset.done $0x0  }
0x147: {  	[sflag:s22] =	ssyncadd.s32 $0xFFFFFFE0  }
0x148: {  	_ =	swait.ge [sflag:s21], $0x20  }
0x149: {  	[sflag:s21] =	ssyncset.done $0x0  }
0x14a: {  	[sflag:s21] =	ssyncadd.s32 $0xFFFFFFE0  }
0x14b: {  	_ =	swait.ge [sflag:s22], $0x20  }
0x14c: {  	[sflag:s22] =	ssyncset.done $0x0  }
0x14d: {  	[sflag:s22] =	ssyncadd.s32 $0xFFFFFFE0  }
0x14e: {  	v0 =	vld [tilespmem:$0x0];
	_ =	sdelay $0x2  }
0x14f: {  	v2 =	vld [tilespmem:$0x1FFD0];
	_ =	sdelay $0x1  }
0x150: {  	v3 =	vld [tilespmem:$0x1FFE0];
	v1 =	vshll.u32 v0, $0x3  }
0x151: {  	v0 =	vand.u32 $0x7, v0;
	v1 =	vand.u32 $0xFFFFFFC0, v1  }
0x152: {  	v0 =	vor.u32 v0, v1  }
0x153: {  	v1 =	vperm.xlane v0, v2;
	_ =	sdelay $0x1  }
0x154: {  	v1 =	vadd.s32 v3, v1  }
0x155: {  	v4 =	vld [tilespmem:$0x1FFF0];
	_ =	sdelay $0x3  }
0x156: {  	[tilespmem:s23], [sflag:$0x1] =	stream.indirect_vreg.gather [hbm4b:s3+s7], $0x80, v1, vm0, $0xb8;
	[tilespmem:$0x10200] =	vst v63  }
0x157: {  	s18 =	simm.s32 $0xA00;
	v0 =	vperm.xlane v0, v4  }
0x158: {  	[tilespmem:s18], [sflag:$0x1] =	stream.indirect_vreg.gather [hbm4b:s8+s7], $0x80, v1, vm0, $0xb8;
	[tilespmem:$0x10200] =	vst v63  }
0x159: {  	s24 =	simm.s32 $0x1200;
	v0 =	vadd.s32 v3, v0  }
0x15a: {  	[tilespmem:s24], [sflag:$0x1] =	stream.indirect_vreg.gather [hbm4b:s9+s7], $0x80, v1, vm0, $0xb8;
	[tilespmem:$0x10200] =	vst v63  }
0x15b: {  	s25 =	simm.s32 $0x1A00  }
0x15c: {  	[tilespmem:s25], [sflag:$0x1] =	stream.indirect_vreg.gather [hbm4b:s10+s7], $0x80, v1, vm0, $0xb8;
	[tilespmem:$0x10200] =	vst v63  }
0x15d: {  	s26 =	simm.s32 $0x2200  }
0x15e: {  	[tilespmem:s26], [sflag:$0x1] =	stream.indirect_vreg.gather [hbm4b:s3+s7], $0x80, v0, vm0, $0xb8;
	[tilespmem:$0x10200] =	vst v63  }
0x15f: {  	s12 =	simm.s32 $0x2A00  }
0x160: {  	[tilespmem:s12], [sflag:$0x1] =	stream.indirect_vreg.gather [hbm4b:s8+s7], $0x80, v0, vm0, $0xb8;
	[tilespmem:$0x10200] =	vst v63  }
0x161: {  	s18 =	simm.s32 $0x3200  }
0x162: {  	[tilespmem:s18], [sflag:$0x1] =	stream.indirect_vreg.gather [hbm4b:s9+s7], $0x80, v0, vm0, $0xb8;
	[tilespmem:$0x10200] =	vst v63  }
0x163: {  	s24 =	simm.s32 $0x3A00  }
0x164: {  	[tilespmem:s24], [sflag:$0x1] =	stream.indirect_vreg.gather [hbm4b:s10+s7], $0x80, v0, vm0, $0xb8;
	[tilespmem:$0x10200] =	vst v63  }
0x165: {  	v0 =	vld [tilespmem:$0x10];
	_ =	sdelay $0x4  }
0x166: {  	v61 =	vshll.u32 v0, $0x3  }
0x167: {  	v0 =	vand.u32 $0x7, v0;
	v1 =	vand.u32 $0xFFFFFFC0, v61  }
0x168: {  	v0 =	vor.u32 v0, v1  }
0x169: {  	v1 =	vperm.xlane v0, v2;
	_ =	sdelay $0x1  }
0x16a: {  	v1 =	vadd.s32 v3, v1;
	_ =	sdelay $0x3  }
0x16b: {  	s25 =	simm.s32 $0x4200  }
0x16c: {  	[tilespmem:s25], [sflag:$0x1] =	stream.indirect_vreg.gather [hbm4b:s3+s7], $0x80, v1, vm0, $0xb8;
	[tilespmem:$0x10200] =	vst v63  }
0x16d: {  	s26 =	simm.s32 $0x4A00;
	v0 =	vperm.xlane v0, v4  }
0x16e: {  	[tilespmem:s26], [sflag:$0x1] =	stream.indirect_vreg.gather [hbm4b:s8+s7], $0x80, v1, vm0, $0xb8;
	[tilespmem:$0x10200] =	vst v63  }
0x16f: {  	s12 =	simm.s32 $0x5200;
	v0 =	vadd.s32 v3, v0  }
0x170: {  	[tilespmem:s12], [sflag:$0x1] =	stream.indirect_vreg.gather [hbm4b:s9+s7], $0x80, v1, vm0, $0xb8;
	[tilespmem:$0x10200] =	vst v63  }
0x171: {  	s18 =	simm.s32 $0x5A00  }
0x172: {  	[tilespmem:s18], [sflag:$0x1] =	stream.indirect_vreg.gather [hbm4b:s10+s7], $0x80, v1, vm0, $0xb8;
	[tilespmem:$0x10200] =	vst v63  }
0x173: {  	s24 =	simm.s32 $0x6200  }
0x174: {  	[tilespmem:s24], [sflag:$0x1] =	stream.indirect_vreg.gather [hbm4b:s3+s7], $0x80, v0, vm0, $0xb8;
	[tilespmem:$0x10200] =	vst v63  }
0x175: {  	s25 =	simm.s32 $0x6A00  }
0x176: {  	[tilespmem:s25], [sflag:$0x1] =	stream.indirect_vreg.gather [hbm4b:s8+s7], $0x80, v0, vm0, $0xb8;
	[tilespmem:$0x10200] =	vst v63  }
0x177: {  	s26 =	simm.s32 $0x7200  }
0x178: {  	[tilespmem:s26], [sflag:$0x1] =	stream.indirect_vreg.gather [hbm4b:s9+s7], $0x80, v0, vm0, $0xb8;
	[tilespmem:$0x10200] =	vst v63  }
0x179: {  	s12 =	simm.s32 $0x7A00  }
0x17a: {  	[tilespmem:s12], [sflag:$0x1] =	stream.indirect_vreg.gather [hbm4b:s10+s7], $0x80, v0, vm0, $0xb8;
	[tilespmem:$0x10200] =	vst v63  }
0x17b: {  	v0 =	vld [tilespmem:$0x80];
	_ =	sdelay $0x4  }
0x17c: {  	v62 =	vshll.u32 v0, $0x3  }
0x17d: {  	v0 =	vand.u32 $0x7, v0;
	v1 =	vand.u32 $0xFFFFFFC0, v62  }
0x17e: {  	v0 =	vor.u32 v0, v1  }
0x17f: {  	v1 =	vperm.xlane v0, v2;
	_ =	sdelay $0x1  }
0x180: {  	v1 =	vadd.s32 v3, v1;
	_ =	sdelay $0x3  }
0x181: {  	s18 =	simm.s32 $0x8200  }
0x182: {  	[tilespmem:s18], [sflag:$0x2] =	stream.indirect_vreg.gather [hbm4b:s3+s7], $0x80, v1, vm0, $0xb8;
	[tilespmem:$0x10200] =	vst v63  }
0x183: {  	s24 =	simm.s32 $0x8A00;
	v0 =	vperm.xlane v0, v4  }
0x184: {  	[tilespmem:s24], [sflag:$0x2] =	stream.indirect_vreg.gather [hbm4b:s8+s7], $0x80, v1, vm0, $0xb8;
	[tilespmem:$0x10200] =	vst v63  }
0x185: {  	s25 =	simm.s32 $0x9200;
	v0 =	vadd.s32 v3, v0  }
0x186: {  	[tilespmem:s25], [sflag:$0x2] =	stream.indirect_vreg.gather [hbm4b:s9+s7], $0x80, v1, vm0, $0xb8;
	[tilespmem:$0x10200] =	vst v63  }
0x187: {  	s26 =	simm.s32 $0x9A00  }
0x188: {  	[tilespmem:s26], [sflag:$0x2] =	stream.indirect_vreg.gather [hbm4b:s10+s7], $0x80, v1, vm0, $0xb8;
	[tilespmem:$0x10200] =	vst v63  }
0x189: {  	_ = 	snop  }
0x18a: {  	[tilespmem:s13], [sflag:$0x2] =	stream.indirect_vreg.gather [hbm4b:s3+s7], $0x80, v0, vm0, $0xb8;
	[tilespmem:$0x10200] =	vst v63  }
0x18b: {  	_ = 	snop  }
0x18c: {  	[tilespmem:s28], [sflag:$0x2] =	stream.indirect_vreg.gather [hbm4b:s8+s7], $0x80, v0, vm0, $0xb8;
	[tilespmem:$0x10200] =	vst v63  }
0x18d: {  	_ = 	snop  }
0x18e: {  	[tilespmem:s29], [sflag:$0x2] =	stream.indirect_vreg.gather [hbm4b:s9+s7], $0x80, v0, vm0, $0xb8;
	[tilespmem:$0x10200] =	vst v63  }
0x18f: {  	_ = 	snop  }
0x190: {  	[tilespmem:s14], [sflag:$0x2] =	stream.indirect_vreg.gather [hbm4b:s10+s7], $0x80, v0, vm0, $0xb8;
	[tilespmem:$0x10200] =	vst v63  }
0x191: {  	v0 =	vld [tilespmem:$0x90];
	_ =	sdelay $0x4  }
0x192: {  	v63 =	vshll.u32 v0, $0x3  }
0x193: {  	v0 =	vand.u32 $0x7, v0;
	v1 =	vand.u32 $0xFFFFFFC0, v63  }
0x194: {  	v0 =	vor.u32 v0, v1  }
0x195: {  	v1 =	vperm.xlane v0, v2;
	_ =	sdelay $0x1  }
0x196: {  	v1 =	vadd.s32 v3, v1;
	_ =	sdelay $0x4  }
0x197: {  	[tilespmem:s30], [sflag:$0x2] =	stream.indirect_vreg.gather [hbm4b:s3+s7], $0x80, v1, vm0, $0xb8;
	[tilespmem:$0x10200] =	vst v63  }
0x198: {  	v0 =	vperm.xlane v0, v4  }
0x199: {  	[tilespmem:s31], [sflag:$0x2] =	stream.indirect_vreg.gather [hbm4b:s8+s7], $0x80, v1, vm0, $0xb8;
	[tilespmem:$0x10200] =	vst v63  }
0x19a: {  	v0 =	vadd.s32 v3, v0  }
0x19b: {  	[tilespmem:s0], [sflag:$0x2] =	stream.indirect_vreg.gather [hbm4b:s9+s7], $0x80, v1, vm0, $0xb8;
	[tilespmem:$0x10200] =	vst v63  }
0x19c: {  	_ = 	snop  }
0x19d: {  	[tilespmem:s15], [sflag:$0x2] =	stream.indirect_vreg.gather [hbm4b:s10+s7], $0x80, v1, vm0, $0xb8;
	[tilespmem:$0x10200] =	vst v63  }
0x19e: {  	_ = 	snop  }
0x19f: {  	[tilespmem:s1], [sflag:$0x2] =	stream.indirect_vreg.gather [hbm4b:s3+s7], $0x80, v0, vm0, $0xb8;
	[tilespmem:$0x10200] =	vst v63  }
0x1a0: {  	_ = 	snop  }
0x1a1: {  	[tilespmem:s16], [sflag:$0x2] =	stream.indirect_vreg.gather [hbm4b:s8+s7], $0x80, v0, vm0, $0xb8;
	[tilespmem:$0x10200] =	vst v63  }
0x1a2: {  	_ = 	snop  }
0x1a3: {  	[tilespmem:s4], [sflag:$0x2] =	stream.indirect_vreg.gather [hbm4b:s9+s7], $0x80, v0, vm0, $0xb8;
	[tilespmem:$0x10200] =	vst v63  }
0x1a4: {  	_ = 	snop  }
0x1a5: {  	[tilespmem:s17], [sflag:$0x2] =	stream.indirect_vreg.gather [hbm4b:s10+s7], $0x80, v0, vm0, $0xb8;
	[tilespmem:$0x10200] =	vst v63  }
0x1a6: {  	_ =	swait.ge [sflag:s21], $0x8000  }
0x1a7: {  	[sflag:s21] =	ssyncset.done $0x0  }
0x1a8: {  	[sflag:s21] =	ssyncadd.s32 $0xFFFF8000  }
0x1a9: {  	_ =	swait.ge [sflag:s22], $0x8000  }
0x1aa: {  	s11 =	simm.s32 $0x0;
	[sflag:s22] =	ssyncset.done $0x0  }
0x1ab: {  	s18 =	simm.s32 $0x0;
	s24 =	simm.s32 $0x0;
	[sflag:s22] =	ssyncadd.s32 $0xFFFF8000  }
.LBB2_4:
0x1ac: {  	s12 =	sand.u32 $0x6000, s18;
	s25 =	sand.u32 $0x380, s11  }
0x1ad: {  	s25 =	sor.u32 s25, s12  }
0x1ae: {  	v1 =	vld [tilespmem:s25+$0x8200]  }
0x1af: {  	v2 =	vld [tilespmem:s25+$0x210]  }
0x1b0: {  	v6 =	vld [tilespmem:s25+$0x8210]  }
0x1b1: {  	v10 =	vld [tilespmem:s25+$0x220]  }
0x1b2: {  	v11 =	vld [tilespmem:s25+$0x8220]  }
0x1b3: {  	v14 =	vld [tilespmem:s25+$0x230]  }
0x1b4: {  	v17 =	vld [tilespmem:s25+$0x8230]  }
0x1b5: {  	v20 =	vld [tilespmem:s25+$0x240]  }
0x1b6: {  	v21 =	vld [tilespmem:s25+$0x8240]  }
0x1b7: {  	v26 =	vld [tilespmem:s25+$0x250]  }
0x1b8: {  	v27 =	vld [tilespmem:s25+$0x8250]  }
0x1b9: {  	v28 =	vld [tilespmem:s25+$0x260]  }
0x1ba: {  	v29 =	vld [tilespmem:s25+$0x8260]  }
0x1bb: {  	v30 =	vld [tilespmem:s25+$0x270]  }
0x1bc: {  	v31 =	vld [tilespmem:s25+$0x8270]  }
0x1bd: {  	v32 =	vld [tilespmem:s25+$0x600]  }
0x1be: {  	v33 =	vld [tilespmem:s25+$0x8600]  }
0x1bf: {  	v34 =	vld [tilespmem:s25+$0x610]  }
0x1c0: {  	v35 =	vld [tilespmem:s25+$0x8610]  }
0x1c1: {  	v36 =	vld [tilespmem:s25+$0x620]  }
0x1c2: {  	v37 =	vld [tilespmem:s25+$0x8620]  }
0x1c3: {  	v38 =	vld [tilespmem:s25+$0x630]  }
0x1c4: {  	v39 =	vld [tilespmem:s25+$0x8630]  }
0x1c5: {  	v40 =	vld [tilespmem:s25+$0x640]  }
0x1c6: {  	v41 =	vld [tilespmem:s25+$0x8640]  }
0x1c7: {  	v42 =	vld [tilespmem:s25+$0x650]  }
0x1c8: {  	v43 =	vld [tilespmem:s25+$0x8650]  }
0x1c9: {  	v44 =	vld [tilespmem:s25+$0x660]  }
0x1ca: {  	v45 =	vld [tilespmem:s25+$0x8660]  }
0x1cb: {  	v46 =	vld [tilespmem:s25+$0x670]  }
0x1cc: {  	v47 =	vld [tilespmem:s25+$0x8670]  }
0x1cd: {  	v48 =	vld [tilespmem:s25+$0xA00]  }
0x1ce: {  	v49 =	vld [tilespmem:s25+$0x8A00]  }
0x1cf: {  	v50 =	vld [tilespmem:s25+$0xA10]  }
0x1d0: {  	v51 =	vld [tilespmem:s25+$0x8A10]  }
0x1d1: {  	v52 =	vld [tilespmem:s25+$0xA20]  }
0x1d2: {  	v53 =	vld [tilespmem:s25+$0x8A20]  }
0x1d3: {  	v54 =	vld [tilespmem:s25+$0xA30]  }
0x1d4: {  	v55 =	vld [tilespmem:s25+$0x8A30]  }
0x1d5: {  	v56 =	vld [tilespmem:s25+$0xA40]  }
0x1d6: {  	v57 =	vld [tilespmem:s25+$0x8A40]  }
0x1d7: {  	v58 =	vld [tilespmem:s25+$0xA50]  }
0x1d8: {  	v59 =	vld [tilespmem:s25+$0x8A50]  }
0x1d9: {  	v60 =	vld [tilespmem:s25+$0xA60]  }
0x1da: {  	v61 =	vld [tilespmem:s25+$0x8A60]  }
0x1db: {  	v62 =	vld [tilespmem:s25+$0xA70]  }
0x1dc: {  	v63 =	vld [tilespmem:s25+$0x8A70]  }
0x1dd: {  	v24 =	vld [tilespmem:s25+$0xE00]  }
0x1de: {  	v25 =	vld [tilespmem:s25+$0x8E00]  }
0x1df: {  	v22 =	vld [tilespmem:s25+$0xE10]  }
0x1e0: {  	v0 =	vmov s24;
	v23 =	vld [tilespmem:s25+$0x8E10]  }
0x1e1: {  	v18 =	vld [tilespmem:s25+$0xE20]  }
0x1e2: {  	v19 =	vld [tilespmem:s25+$0x8E20]  }
0x1e3: {  	v15 =	vld [tilespmem:s25+$0xE30]  }
0x1e4: {  	v16 =	vld [tilespmem:s25+$0x8E30]  }
0x1e5: {  	v3 =	vld.idx.msk [tilespmem:v0+s19+$0x0], $0xffff  }
0x1e6: {  	v4 =	vld.idx.msk [tilespmem:v0+s20+$0x0], $0xffff  }
0x1e7: {  	v0 =	vld [tilespmem:s25+$0x200]  }
0x1e8: {  	v5 =	vld [tilespmem:s25+$0xE60]  }
0x1e9: {  	v12 =	vld [tilespmem:s25+$0xE40]  }
0x1ea: {  	v13 =	vld [tilespmem:s25+$0x8E40]  }
0x1eb: {  	v8 =	vld [tilespmem:s25+$0xE50]  }
0x1ec: {  	v9 =	vld [tilespmem:s25+$0x8E50];
	v0 =	vmul.f32 v3, v0;
	v1 =	vmul.f32 v4, v1  }
0x1ed: {  	v7 =	vld [tilespmem:s25+$0x8E60];
	[tilespmem:$0x1FFA0] =	vst v5;
	v5 =	vmul.f32 v3, v2;
	v2 =	vmul.f32 v4, v6  }
0x1ee: {  	v6 =	vld [tilespmem:s25+$0xE70];
	v17 =	vmul.f32 v4, v17;
	v0 =	vadd.f32 v1, v0  }
0x1ef: {  	v1 =	vmul.f32 v3, v10;
	v10 =	vld [tilespmem:s25+$0x8E70];
	v5 =	vadd.f32 v2, v5;
	v2 =	vmul.f32 v3, v14  }
0x1f0: {  	v11 =	vmul.f32 v4, v11;
	v14 =	vld [tilespmem:s25+$0x9200]  }
0x1f1: {  	v26 =	vmul.f32 v3, v26;
	v2 =	vadd.f32 v17, v2;
	v17 =	vld [tilespmem:s25+$0x1210]  }
0x1f2: {  	[tilespmem:s25+$0x200] =	vst v0;
	v0 =	vadd.f32 v11, v1;
	v1 =	vmul.f32 v3, v20;
	v11 =	vmul.f32 v4, v21;
	v20 =	vld [tilespmem:s25+$0x9210]  }
0x1f3: {  	v27 =	vmul.f32 v4, v27;
	v30 =	vmul.f32 v3, v30;
	v21 =	vld [tilespmem:s25+$0x1220];
	[tilespmem:$0x1FFB0] =	vst v6  }
0x1f4: {  	v31 =	vmul.f32 v4, v31;
	v33 =	vmul.f32 v4, v33;
	v6 =	vld [tilespmem:s25+$0x1200];
	[tilespmem:s25+$0x220] =	vst v0;
	v0 =	vadd.f32 v11, v1  }
0x1f5: {  	v1 =	vmul.f32 v3, v28;
	v11 =	vmul.f32 v4, v29;
	[tilespmem:s25+$0x230] =	vst v2;
	v2 =	vadd.f32 v27, v26;
	v26 =	vld [tilespmem:s25+$0x9220]  }
0x1f6: {  	v42 =	vmul.f32 v3, v42;
	[tilespmem:s25+$0x210] =	vst v5;
	v5 =	vmul.f32 v3, v34;
	v28 =	vld [tilespmem:s25+$0x1230]  }
0x1f7: {  	v34 =	vmul.f32 v4, v37;
	v29 =	vld [tilespmem:s25+$0x9230];
	[tilespmem:s25+$0x240] =	vst v0;
	v0 =	vadd.f32 v11, v1;
	v1 =	vmul.f32 v3, v32  }
0x1f8: {  	v37 =	vmul.f32 v4, v39;
	[tilespmem:s25+$0x250] =	vst v2;
	v2 =	vadd.f32 v31, v30;
	v32 =	vmul.f32 v4, v35;
	v30 =	vld [tilespmem:s25+$0x1240]  }
0x1f9: {  	v31 =	vld [tilespmem:s25+$0x9240];
	[tilespmem:s25+$0x260] =	vst v0;
	v0 =	vadd.f32 v33, v1;
	v33 =	vmul.f32 v3, v36;
	v36 =	vmul.f32 v3, v38  }
0x1fa: {  	v39 =	vmul.f32 v3, v40;
	v40 =	vmul.f32 v4, v41;
	v11 =	vld [tilespmem:s25+$0x9650];
	[tilespmem:s25+$0x270] =	vst v2;
	v35 =	vadd.f32 v32, v5  }
0x1fb: {  	v56 =	vmul.f32 v3, v56;
	v32 =	vld [tilespmem:s25+$0x1250];
	[tilespmem:s25+$0x600] =	vst v0;
	v38 =	vadd.f32 v34, v33;
	v41 =	vadd.f32 v37, v36  }
0x1fc: {  	[tilespmem:s25+$0x610] =	vst v35;
	v36 =	vmul.f32 v4, v43;
	v37 =	vadd.f32 v40, v39;
	v39 =	vmul.f32 v4, v45;
	v33 =	vld [tilespmem:s25+$0x9250]  }
0x1fd: {  	v34 =	vld [tilespmem:s25+$0x1260];
	v45 =	vmul.f32 v4, v49;
	[tilespmem:s25+$0x620] =	vst v38;
	v38 =	vmul.f32 v3, v44  }
0x1fe: {  	v35 =	vld [tilespmem:s25+$0x9260];
	[tilespmem:s25+$0x630] =	vst v41;
	v40 =	vadd.f32 v36, v42;
	v41 =	vmul.f32 v3, v46;
	v42 =	vmul.f32 v4, v47  }
0x1ff: {  	[tilespmem:s25+$0x640] =	vst v37;
	v44 =	vmul.f32 v3, v48;
	v47 =	vmul.f32 v3, v50;
	v36 =	vld [tilespmem:s25+$0x1270];
	v43 =	vadd.f32 v39, v38  }
0x200: {  	v48 =	vmul.f32 v4, v51;
	v50 =	vmul.f32 v3, v52;
	v37 =	vld [tilespmem:s25+$0x9270];
	[tilespmem:s25+$0x650] =	vst v40;
	v46 =	vadd.f32 v42, v41  }
0x201: {  	v51 =	vmul.f32 v4, v53;
	v53 =	vmul.f32 v3, v54;
	v49 =	vadd.f32 v45, v44;
	v38 =	vld [tilespmem:s25+$0x1600];
	[tilespmem:s25+$0x660] =	vst v43  }
0x202: {  	v54 =	vmul.f32 v4, v55;
	v52 =	vadd.f32 v48, v47;
	v44 =	vmul.f32 v4, v57;
	v39 =	vld [tilespmem:s25+$0x9600];
	[tilespmem:s25+$0x670] =	vst v46  }
0x203: {  	v55 =	vadd.f32 v51, v50;
	v47 =	vmul.f32 v4, v59;
	v40 =	vld [tilespmem:s25+$0x1610];
	v50 =	vmul.f32 v4, v61;
	[tilespmem:s25+$0xA00] =	vst v49  }
0x204: {  	v45 =	vadd.f32 v54, v53;
	v41 =	vld [tilespmem:s25+$0x9610];
	v53 =	vmul.f32 v4, v63;
	[tilespmem:s25+$0xA10] =	vst v52;
	v46 =	vmul.f32 v3, v58  }
0x205: {  	v42 =	vld [tilespmem:s25+$0x1620];
	v59 =	vmul.f32 v4, v23;
	[tilespmem:s25+$0xA20] =	vst v55;
	v48 =	vadd.f32 v44, v56;
	v49 =	vmul.f32 v3, v60  }
0x206: {  	v23 =	vld [tilespmem:s25+$0x1630];
	v61 =	vmul.f32 v3, v18;
	[tilespmem:s25+$0xA30] =	vst v45;
	v52 =	vmul.f32 v3, v62;
	v51 =	vadd.f32 v47, v46  }
0x207: {  	v18 =	vld [tilespmem:s25+$0x9630];
	v55 =	vmul.f32 v3, v24;
	v56 =	vmul.f32 v4, v25;
	[tilespmem:s25+$0xA40] =	vst v48;
	v54 =	vadd.f32 v50, v49  }
0x208: {  	v24 =	vld [tilespmem:s25+$0x9620];
	v58 =	vmul.f32 v3, v22;
	v62 =	vmul.f32 v4, v19;
	v57 =	vadd.f32 v53, v52;
	[tilespmem:s25+$0xA50] =	vst v51  }
0x209: {  	v22 =	vmul.f32 v3, v15;
	v25 =	vmul.f32 v4, v16;
	v16 =	vld [tilespmem:s25+$0x1640];
	v60 =	vadd.f32 v56, v55;
	[tilespmem:s25+$0xA60] =	vst v54  }
0x20a: {  	v43 =	vmul.f32 v3, v12;
	v44 =	vmul.f32 v4, v13;
	v12 =	vld [tilespmem:s25+$0x9640];
	v63 =	vadd.f32 v59, v58;
	[tilespmem:s25+$0xA70] =	vst v57  }
0x20b: {  	v13 =	vld [tilespmem:s25+$0x1670];
	v27 =	vadd.f32 v62, v61;
	v46 =	vmul.f32 v3, v8;
	v47 =	vmul.f32 v4, v9;
	[tilespmem:s25+$0xE00] =	vst v60  }
0x20c: {  	v15 =	vld [tilespmem:s25+$0x1A00];
	v45 =	vadd.f32 v25, v22;
	v55 =	vmul.f32 v4, v14;
	v58 =	vmul.f32 v4, v20;
	[tilespmem:s25+$0xE10] =	vst v63  }
0x20d: {  	v19 =	vld [tilespmem:s25+$0x1A10];
	v48 =	vadd.f32 v44, v43;
	v22 =	vmul.f32 v3, v30;
	v25 =	vmul.f32 v4, v31;
	[tilespmem:s25+$0xE20] =	vst v27  }
0x20e: {  	v9 =	vld [tilespmem:s25+$0x1650];
	v30 =	vmul.f32 v3, v34;
	v31 =	vmul.f32 v4, v35;
	[tilespmem:s25+$0xE30] =	vst v45;
	v50 =	vadd.f32 v47, v46  }
0x20f: {  	v49 =	vld [tilespmem:$0x1FFA0];
	v20 =	vmul.f32 v4, v29;
	[tilespmem:s25+$0xE40] =	vst v48;
	v54 =	vmul.f32 v3, v6;
	v29 =	vadd.f32 v25, v22  }
0x210: {  	v52 =	vmul.f32 v4, v10;
	v10 =	vld [tilespmem:s25+$0x1660];
	v57 =	vmul.f32 v3, v17;
	v35 =	vadd.f32 v31, v30;
	[tilespmem:s25+$0xE50] =	vst v50  }
0x211: {  	v61 =	vmul.f32 v4, v26;
	v14 =	vld [tilespmem:s25+$0x9670];
	v60 =	vmul.f32 v3, v21;
	v59 =	vadd.f32 v55, v54;
	[tilespmem:s25+$0x1240] =	vst v29  }
0x212: {  	v7 =	vmul.f32 v4, v7;
	v44 =	vld [tilespmem:s25+$0x1A30];
	v63 =	vmul.f32 v3, v28;
	v62 =	vadd.f32 v58, v57;
	[tilespmem:s25+$0x1260] =	vst v35  }
0x213: {  	v51 =	vld [tilespmem:$0x1FFB0];
	v27 =	vmul.f32 v3, v32;
	v28 =	vmul.f32 v4, v33;
	v21 =	vadd.f32 v61, v60;
	[tilespmem:s25+$0x1200] =	vst v59  }
0x214: {  	v34 =	vmul.f32 v4, v37;
	v17 =	vld [tilespmem:s25+$0x9A00];
	v33 =	vmul.f32 v3, v36;
	v26 =	vadd.f32 v20, v63;
	[tilespmem:s25+$0x1210] =	vst v62  }
0x215: {  	v37 =	vmul.f32 v4, v39;
	v36 =	vmul.f32 v3, v38;
	v38 =	vld [tilespmem:s25+$0x9A20];
	v32 =	vadd.f32 v28, v27;
	[tilespmem:s25+$0x1220] =	vst v21  }
0x216: {  	v40 =	vmul.f32 v3, v40;
	v43 =	vmul.f32 v4, v41;
	v48 =	vld [tilespmem:s25+$0x9A30];
	v39 =	vadd.f32 v34, v33;
	[tilespmem:s25+$0x1230] =	vst v26  }
0x217: {  	v31 =	vld [tilespmem:s25+$0x1A70];
	v45 =	vadd.f32 v37, v36;
	v50 =	vmul.f32 v3, v23;
	v1 =	vmul.f32 v3, v49;
	[tilespmem:s25+$0x1250] =	vst v32  }
0x218: {  	v20 =	vld [tilespmem:s25+$0x9A10];
	v23 =	vmul.f32 v3, v13;
	v49 =	vadd.f32 v43, v40;
	[tilespmem:s25+$0x1270] =	vst v39;
	v26 =	vmul.f32 v4, v14  }
0x219: {  	v46 =	vmul.f32 v3, v42;
	v55 =	vld [tilespmem:s25+$0x1A50];
	[tilespmem:s25+$0x1600] =	vst v45;
	v5 =	vmul.f32 v3, v51;
	v53 =	vadd.f32 v7, v1  }
0x21a: {  	v47 =	vmul.f32 v4, v24;
	v58 =	vmul.f32 v4, v11;
	v63 =	vld [tilespmem:s25+$0x1A60];
	[tilespmem:s25+$0x1610] =	vst v49;
	v32 =	vadd.f32 v26, v23  }
0x21b: {  	v27 =	vld [tilespmem:s25+$0x9A60];
	v29 =	vmul.f32 v3, v15;
	v57 =	vmul.f32 v3, v9;
	v56 =	vadd.f32 v52, v5;
	[tilespmem:s25+$0xE60] =	vst v53  }
0x21c: {  	v35 =	vld [tilespmem:s25+$0x9A70];
	v41 =	vmul.f32 v3, v44;
	v30 =	vmul.f32 v4, v17;
	v52 =	vadd.f32 v47, v46;
	[tilespmem:s25+$0x1670] =	vst v32  }
0x21d: {  	v21 =	vld [tilespmem:s25+$0x1A20];
	v42 =	vmul.f32 v4, v48;
	v53 =	vmul.f32 v3, v16;
	v16 =	vadd.f32 v58, v57;
	[tilespmem:s25+$0xE70] =	vst v56  }
0x21e: {  	v59 =	vld [tilespmem:s25+$0x9A50];
	v51 =	vmul.f32 v4, v18;
	v36 =	vadd.f32 v30, v29;
	[tilespmem:s25+$0x1620] =	vst v52  }
0x21f: {  	v54 =	vmul.f32 v4, v12;
	v39 =	vld [tilespmem:s25+$0x9A40];
	v46 =	vadd.f32 v42, v41;
	[tilespmem:s25+$0x1650] =	vst v16  }
0x220: {  	v33 =	vmul.f32 v3, v19;
	v7 =	vld [tilespmem:s25+$0x9660];
	v34 =	vmul.f32 v4, v20;
	v56 =	vadd.f32 v51, v50;
	[tilespmem:s25+$0x1A00] =	vst v36  }
0x221: {  	v18 =	vld [tilespmem:s25+$0x1A40];
	v47 =	vmul.f32 v3, v63;
	v48 =	vmul.f32 v4, v27;
	v60 =	vadd.f32 v54, v53;
	[tilespmem:s25+$0x1A30] =	vst v46  }
0x222: {  	v38 =	vmul.f32 v4, v38;
	v37 =	vmul.f32 v3, v21;
	v40 =	vadd.f32 v34, v33;
	[tilespmem:s25+$0x1630] =	vst v56  }
0x223: {  	v44 =	vmul.f32 v3, v55;
	v45 =	vmul.f32 v4, v59;
	v52 =	vadd.f32 v48, v47;
	[tilespmem:s25+$0x1640] =	vst v60  }
0x224: {  	v50 =	vmul.f32 v3, v31;
	v51 =	vmul.f32 v4, v35;
	v43 =	vadd.f32 v38, v37;
	[tilespmem:s25+$0x1A10] =	vst v40  }
0x225: {  	v61 =	vmul.f32 v3, v10;
	v62 =	vmul.f32 v4, v7;
	v49 =	vadd.f32 v45, v44;
	[tilespmem:s25+$0x1A60] =	vst v52  }
0x226: {  	s26 =	sand.u32 $0x7, s7;
	v54 =	vmul.f32 v4, v39;
	v53 =	vmul.f32 v3, v18;
	v55 =	vadd.f32 v51, v50;
	[tilespmem:s25+$0x1A20] =	vst v43  }
0x227: {  	s12 =	sshll.u32 s26, $0x7;
	v28 =	vadd.f32 v62, v61;
	[tilespmem:s25+$0x1A50] =	vst v49  }
0x228: {  	s12 =	sadd.s32 s12, s18;
	v56 =	vadd.f32 v54, v53;
	[tilespmem:s25+$0x1A70] =	vst v55  }
0x229: {  	s26 =	sor.u32 $0x1C00, s12;
	[tilespmem:s25+$0x1660] =	vst v28  }
0x22a: {  	[tilespmem:s25+$0x1A40] =	vst v56;
	v0 =	vld [tilespmem:s26+$0x200]  }
0x22b: {  	v1 =	vld [tilespmem:s26+$0x8200];
	_ =	sdelay $0x4  }
0x22c: {  	v0 =	vmul.f32 v3, v0;
	v1 =	vmul.f32 v4, v1;
	_ =	sdelay $0x1  }
0x22d: {  	v0 =	vadd.f32 v1, v0;
	_ =	sdelay $0x1  }
0x22e: {  	[tilespmem:s26+$0x200] =	vst v0;
	s26 =	sor.u32 $0x1C10, s12  }
0x22f: {  	v0 =	vld [tilespmem:s26+$0x200]  }
0x230: {  	v57 =	vld [tilespmem:s26+$0x8200];
	_ =	sdelay $0x4  }
0x231: {  	v0 =	vmul.f32 v3, v0;
	v1 =	vmul.f32 v4, v57;
	_ =	sdelay $0x1  }
0x232: {  	v0 =	vadd.f32 v1, v0;
	_ =	sdelay $0x1  }
0x233: {  	[tilespmem:s26+$0x200] =	vst v0;
	s26 =	sor.u32 $0x1C20, s12  }
0x234: {  	v0 =	vld [tilespmem:s26+$0x200]  }
0x235: {  	v58 =	vld [tilespmem:s26+$0x8200];
	_ =	sdelay $0x4  }
0x236: {  	v0 =	vmul.f32 v3, v0;
	v1 =	vmul.f32 v4, v58;
	_ =	sdelay $0x1  }
0x237: {  	v0 =	vadd.f32 v1, v0;
	_ =	sdelay $0x1  }
0x238: {  	[tilespmem:s26+$0x200] =	vst v0;
	s26 =	sor.u32 $0x1C30, s12  }
0x239: {  	v0 =	vld [tilespmem:s26+$0x200]  }
0x23a: {  	v59 =	vld [tilespmem:s26+$0x8200];
	_ =	sdelay $0x4  }
0x23b: {  	v0 =	vmul.f32 v3, v0;
	v1 =	vmul.f32 v4, v59;
	_ =	sdelay $0x1  }
0x23c: {  	v0 =	vadd.f32 v1, v0;
	_ =	sdelay $0x1  }
0x23d: {  	[tilespmem:s26+$0x200] =	vst v0;
	s26 =	sor.u32 $0x1C40, s12  }
0x23e: {  	v0 =	vld [tilespmem:s26+$0x200]  }
0x23f: {  	v60 =	vld [tilespmem:s26+$0x8200];
	_ =	sdelay $0x4  }
0x240: {  	v0 =	vmul.f32 v3, v0;
	v1 =	vmul.f32 v4, v60;
	_ =	sdelay $0x1  }
0x241: {  	v0 =	vadd.f32 v1, v0;
	_ =	sdelay $0x1  }
0x242: {  	[tilespmem:s26+$0x200] =	vst v0;
	s26 =	sor.u32 $0x1C50, s12  }
0x243: {  	v0 =	vld [tilespmem:s26+$0x200]  }
0x244: {  	v61 =	vld [tilespmem:s26+$0x8200];
	_ =	sdelay $0x4  }
0x245: {  	v0 =	vmul.f32 v3, v0;
	v1 =	vmul.f32 v4, v61;
	_ =	sdelay $0x1  }
0x246: {  	v0 =	vadd.f32 v1, v0;
	_ =	sdelay $0x1  }
0x247: {  	[tilespmem:s26+$0x200] =	vst v0;
	s26 =	sor.u32 $0x1C60, s12  }
0x248: {  	v0 =	vld [tilespmem:s26+$0x200]  }
0x249: {  	v62 =	vld [tilespmem:s26+$0x8200];
	_ =	sdelay $0x4  }
0x24a: {  	v0 =	vmul.f32 v3, v0;
	v1 =	vmul.f32 v4, v62;
	_ =	sdelay $0x1  }
0x24b: {  	v0 =	vadd.f32 v1, v0;
	_ =	sdelay $0x1  }
0x24c: {  	s12 =	sor.u32 $0x1C70, s12;
	[tilespmem:s26+$0x200] =	vst v0  }
0x24d: {  	v0 =	vld [tilespmem:s12+$0x200]  }
0x24e: {  	v63 =	vld [tilespmem:s12+$0x8200];
	_ =	sdelay $0x3  }
0x24f: {  	p0 =	sne.s32 s24, $0x1F  }
.Ltmp1:
0x250: {  	v0 =	vmul.f32 v3, v0;
	v1 =	vmul.f32 v4, v63;
	(pc) =	sbr.rel @p0 .LBB2_4-.Ltmp1, $4  }
0x251: {  	_ = 	snop  }
0x252: {  	v0 =	vadd.f32 v1, v0  }
0x253: {  	s11 =	sadd.s32 $0x80, s11  }
0x254: {  	s7 =	sadd.s32 $0x1, s7;
	s24 =	sadd.s32 $0x1, s24;
	s18 =	sadd.s32 $0x400, s18;
	[tilespmem:s12+$0x200] =	vst v0  }
0x255: {  	s7 =	rddreg [dreg:$0xc]  }
0x256: {  	[hbm4b:s7+s2] =	stream.linear.scatter [tilespmem:s23], [sflag:$0x3], $0x8000, $0x38;
	[tilespmem:$0x10200] =	vst v63  }
0x257: {  	_ =	swait.ge [sflag:s5], $0x8000  }
0x258: {  	s6 =	sadd.s32 $0x1, s6;
	s26 =	rddreg [dreg:$0xd]  }
0x259: {  	p0 =	sne.s32 s6, s26  }
.Ltmp2:
0x25a: {  	_ = 	snop;
	(pc) =	sbr.rel @p0 .LBB2_1-.Ltmp2, $3  }
0x25b: {  	_ =	sdelay $0x1  }
0x25c: {  	[sflag:s5] =	ssyncset.done $0x0  }
0x25d: {  	[sflag:s5] =	ssyncadd.s32 $0xFFFF8000  }
0x25e: {  	_ =	sfence.sel $0x180000  }
0x25f: {  	[bflag:$0x0] =	sbarrier.arrive $0xFFFF  }
0x260: {  	_ =	strace $0x9000004A  }
0x261: {  	s0 =	stileid.u32;
	[bflag:$0x2] =	sbarrier.arrive $0xFFFF  }
0x262: {  	p0 =	sne.s32 s0, $0x0;
	s0 =	rddreg [dreg:$0x2]  }
0x263: {  	s0 =	sadd.s32 @!p0 $0x100000, s0  }
0x264: {  	[sflag:s0] =	ssyncadd.tile.s32 @!p0 $0x1;
	_ =	shalt  }
.Lfunc_end2:
_tile_overlayer_lowered:
.L_overlay_start_2:
0x265: {  	(tag) =	ssettag $0x2  }
0x266: {  	s0 =	rddreg [dreg:$0x0];
	s2 =	stileid.u32  }
0x267: {  	s1 =	rddreg [dreg:$0x1];
	p0 =	sne.s32 s2, $0x0  }
0x268: {  	s3 =	rddreg [dreg:$0x2];
	[bflag:$0x3] =	sbarrier.arrive $0xFFFF;
	s2 =	simm.s32 @!p0 $0x1C03  }
0x269: {  	[timem:s3], [sflag:s2] =	dma.local @!p0 [hbm:s0], s1  }
0x26a: {  	s0 =	simm.s32 @!p0 $0x3  }
0x26b: {  	_ =	swait.ge @!p0 [sflag:s0], s1  }
0x26c: {  	s1 =	ssub.s32 @!p0 $0x0, s1;
	[sflag:s0] =	ssyncset.done @!p0 $0x0  }
0x26d: {  	[sflag:s0] =	ssyncadd.s32 @!p0 s1  }
0x26e: {  	[bflag:$0x3] =	sbarrier.arrive $0xFFFF  }
0x26f: {  	_ =	shalt  }

</sc_bundles>
